<compile_context>
chip_gen: v7x
topology: tpu7x:2x2x1
jax: 0.10.2.dev20260603
libtpu: 0.0.44.dev20260713+nightly
codegen_flags: <defaults>
</compile_context>

<pallas_src>
import functools

import numpy as np
import jax
import jax.numpy as jnp
from jax import lax
from jax.experimental import pallas as pl
from jax.experimental.pallas import tpu as pltpu
from jax.experimental.pallas import tpu_sc as plsc

_B, _D, _S, _R = 8, 512, 2048, 128
_ROWS = _S + 8
_C = 256
_NW = 32
_NREG = _B * _R
_BPW = _NREG // _NW
_LANES = 16


def _cumsum_tc_kernel(f_ref, pad_ref, out_ref):
    pad_row = pad_ref[0].reshape(1, _D)
    out_ref[0, 0:8, :] = jnp.broadcast_to(pad_row, (8, _D))
    row = lax.broadcasted_iota(jnp.int32, (_C, _C), 0)
    col = lax.broadcasted_iota(jnp.int32, (_C, _C), 1)
    ltri = (col <= row).astype(jnp.bfloat16)
    carry = pad_row
    for k in range(_S // _C):
        fc = f_ref[0, :, k * _C:(k + 1) * _C].astype(jnp.bfloat16)
        ic = lax.dot_general(
            ltri, fc,
            dimension_numbers=(((1,), (1,)), ((), ())),
            preferred_element_type=jnp.float32,
        )
        ic = ic + carry
        out_ref[0, 8 + k * _C: 8 + (k + 1) * _C, :] = ic
        carry = ic[_C - 1:_C, :]


_sc_mesh = plsc.VectorSubcoreMesh(core_axis_name="c", subcore_axis_name="s")


@functools.partial(
    pl.kernel,
    out_type=jax.ShapeDtypeStruct((_NREG, 3 * _D), jnp.float32),
    mesh=_sc_mesh,
    scratch_types=[
        pltpu.VMEM((_BPW,), jnp.int32),
        pltpu.VMEM((_BPW,), jnp.int32),
        pltpu.VMEM((_BPW,), jnp.int32),
        pltpu.VMEM((_BPW,), jnp.int32),
        pltpu.VMEM((_BPW, _LANES), jnp.float32),
        pltpu.VMEM((_BPW, _D), jnp.float32),
        pltpu.VMEM((_BPW, _D), jnp.float32),
        pltpu.VMEM((_BPW, _D), jnp.float32),
        pltpu.VMEM((_BPW, _D), jnp.float32),
        pltpu.VMEM((_BPW, 3 * _D), jnp.float32),
        pltpu.SemaphoreType.DMA,
        pltpu.SemaphoreType.DMA,
        pltpu.SemaphoreType.DMA,
        pltpu.SemaphoreType.DMA,
    ],
)
def _region_sc_kernel(table_hbm, i1h, i2h, i3h, i4h, invh, out_hbm,
                      i1v, i2v, i3v, i4v, invv, g1, g2, g3, g4, outv,
                      s1, s2, s3, s4):
    wid = lax.axis_index("s") * 2 + lax.axis_index("c")
    base = wid * _BPW
    pltpu.sync_copy(i1h.at[pl.ds(base, _BPW)], i1v)
    pltpu.sync_copy(i2h.at[pl.ds(base, _BPW)], i2v)
    pltpu.sync_copy(i3h.at[pl.ds(base, _BPW)], i3v)
    pltpu.sync_copy(i4h.at[pl.ds(base, _BPW)], i4v)
    pltpu.sync_copy(invh.at[pl.ds(base, _BPW), :], invv)
    c1 = pltpu.async_copy(table_hbm.at[i1v], g1, s1)
    c2 = pltpu.async_copy(table_hbm.at[i2v], g2, s2)
    c3 = pltpu.async_copy(table_hbm.at[i3v], g3, s3)
    c4 = pltpu.async_copy(table_hbm.at[i4v], g4, s4)
    c1.wait()
    c2.wait()
    c3.wait()
    c4.wait()

    @plsc.parallel_loop(0, _BPW)
    def _region_body(i):
        ilv = invv[i, :]
        for c in range(_D // _LANES):
            off = c * _LANES
            a1 = g1[i, pl.ds(off, _LANES)]
            a2 = g2[i, pl.ds(off, _LANES)]
            a3 = g3[i, pl.ds(off, _LANES)]
            a4 = g4[i, pl.ds(off, _LANES)]
            outv[i, pl.ds(off, _LANES)] = a2 - a1
            outv[i, pl.ds(_D + off, _LANES)] = (a4 - a1) * ilv
            outv[i, pl.ds(2 * _D + off, _LANES)] = a4 - a3
    pltpu.sync_copy(outv, out_hbm.at[pl.ds(base, _BPW)])


def kernel(features, tois, padding):
    cs = pl.pallas_call(
        _cumsum_tc_kernel,
        grid=(_B,),
        in_specs=[
            pl.BlockSpec((1, _D, _S), lambda b: (b, 0, 0)),
            pl.BlockSpec((1, _D, 1), lambda b: (0, 0, 0)),
        ],
        out_specs=pl.BlockSpec((1, _ROWS, _D), lambda b: (b, 0, 0)),
        out_shape=jax.ShapeDtypeStruct((_B, _ROWS, _D), jnp.float32),
    )(features, padding.reshape(1, _D, 1))
    table = cs.reshape(_B * _ROWS, _D)

    tois32 = tois.astype(jnp.int32)
    boff2d = jnp.arange(_B, dtype=jnp.int32)[:, None] * _ROWS
    s = (tois32[..., 0] + boff2d).reshape(-1)
    e = (tois32[..., 1] + boff2d).reshape(-1)
    i1 = s + 7
    i2 = s + 8
    i3 = e + 6
    i4 = e + 7
    invlen = 1.0 / (e - s).astype(jnp.float32)
    invb = jnp.broadcast_to(invlen[:, None], (_NREG, _LANES))

    result = _region_sc_kernel(table, i1, i2, i3, i4, invb)
    lengths = jnp.asarray(np.cumsum([_R] * _B).astype(np.int32))
    return (result, lengths)

# --- scband reference (transcript-rebuilt; emitter-appended) ---
"""Pipeline reference for scband-region-representation-18245021073900 (READ-ONLY COPY).

The authoritative reference and input builder live on the scoring server;
editing this copy changes nothing except your own understanding.
"""

import jax, jax.numpy as jnp
import numpy as np

B, D, S, R = 8, 512, 2048, 128

def setup_inputs(seed: int = 0):
    key = jax.random.key(seed)
    k1, k2, k3 = jax.random.split(key, 3)
    features = jax.random.normal(k1, (B, D, S), dtype=jnp.float32)
    # tois must satisfy 1 <= end - start and end <= S (strictly valid regions)
    start = jax.random.randint(k2, (B, R), 0, S // 2)
    length = jax.random.randint(k3, (B, R), 1, S // 2)
    tois = jnp.stack([start, start + length], axis=-1).astype(jnp.int64)
    # registered buffer 'padding' sized per init_kwargs input_size
    padding = jnp.zeros((D, 1), dtype=jnp.float32)
    return {"features": features, "tois": tois, "padding": padding}

def _representation(feature, toi, padding):
    # feature: [D, S], toi: [R, 2]
    start = toi[:, 0]
    end = toi[:, 1]
    cs = jnp.concatenate([padding, jnp.cumsum(feature, axis=1)], axis=1)  # [D, S+1]
    boundary_len = (end - start).astype(jnp.float32)
    wavg = (cs[:, end] - cs[:, start]) / boundary_len  # [D, R]
    rep = jnp.concatenate([feature[:, start], wavg, feature[:, end - 1]], axis=0)  # [3D, R]
    return rep.T  # [R, 3D]

def reference(features, tois, padding):
    n = features.shape[0]
    results = [_representation(features[i], tois[i], padding) for i in range(n)]
    result = jnp.concatenate(results, axis=0)  # [B*R, 3D]
    lengths = np.cumsum([tois[i].shape[0] for i in range(n)]).astype(np.int32)
    return (result, jnp.asarray(lengths))

if __name__ == "__main__":
    import jax
    _d = setup_inputs()
    print(jax.jit(kernel)(*tuple(_d.values())))

</pallas_src>

<mosaic_0001>
#map = affine_map<(d0, d1) -> (0, 0)>
#map1 = affine_map<(d0, d1) -> (0)>
module attributes {stable_mosaic.version = 14 : i64} {
  func.func @_region_sc_kernel(%arg0: i32, %arg1: i32, %arg2: memref<16448x512xf32, #tpu.memory_space<hbm>>, %arg3: memref<1024xi32, #tpu.memory_space<hbm>>, %arg4: memref<1024xi32, #tpu.memory_space<hbm>>, %arg5: memref<1024xi32, #tpu.memory_space<hbm>>, %arg6: memref<1024xi32, #tpu.memory_space<hbm>>, %arg7: memref<1024x16xf32, #tpu.memory_space<hbm>>, %arg8: memref<1024x1536xf32, #tpu.memory_space<hbm>>, %arg9: memref<32xi32, #tpu.memory_space<vmem>>, %arg10: memref<32xi32, #tpu.memory_space<vmem>>, %arg11: memref<32xi32, #tpu.memory_space<vmem>>, %arg12: memref<32xi32, #tpu.memory_space<vmem>>, %arg13: memref<32x16xf32, #tpu.memory_space<vmem>>, %arg14: memref<32x512xf32, #tpu.memory_space<vmem>>, %arg15: memref<32x512xf32, #tpu.memory_space<vmem>>, %arg16: memref<32x512xf32, #tpu.memory_space<vmem>>, %arg17: memref<32x512xf32, #tpu.memory_space<vmem>>, %arg18: memref<32x1536xf32, #tpu.memory_space<vmem>>, %arg19: memref<!tpu.dma_semaphore, #tpu.memory_space<semaphore_mem>>, %arg20: memref<!tpu.dma_semaphore, #tpu.memory_space<semaphore_mem>>, %arg21: memref<!tpu.dma_semaphore, #tpu.memory_space<semaphore_mem>>, %arg22: memref<!tpu.dma_semaphore, #tpu.memory_space<semaphore_mem>>) attributes {dimension_semantics = [#tpu.dimension_semantics<core_parallel>, #tpu.dimension_semantics<subcore_parallel>], iteration_bounds = array<i64: 2, 16>, scalar_prefetch = 0 : i64, scratch_operands = 14 : i64, tpu.core_type = #tpu.core_type<sc_vector_subcore>, window_params = [{transform_indices = #map}, {transform_indices = #map1}, {transform_indices = #map1}, {transform_indices = #map1}, {transform_indices = #map1}, {transform_indices = #map}, {transform_indices = #map}]} {
    %mul3A = arith.constant 2 : i32
    %mul3A_0 = arith.muli %arg1, %mul3A : i32
    %add3A = arith.addi %mul3A_0, %arg0 : i32
    %mul3A_1 = arith.constant 32 : i32
    %mul3A_2 = arith.muli %add3A, %mul3A_1 : i32
    "tpu.region"() ({
      %run_scoped3A = tpu.sem_alloc : memref<!tpu.dma_semaphore, #tpu.memory_space<semaphore_mem>>
      %dma_start3A_27 = tpu.memref_slice %arg3[%mul3A_2] : memref<1024xi32, #tpu.memory_space<hbm>> -> memref<32xi32, #tpu.memory_space<hbm>>
      %dma_start3A_28 = tpu.memref_slice %arg3[%mul3A_2] : memref<1024xi32, #tpu.memory_space<hbm>> -> memref<32xi32, #tpu.memory_space<hbm>>
      tpu.enqueue_dma source(%dma_start3A_28 : memref<32xi32, #tpu.memory_space<hbm>>) target(%arg9 : memref<32xi32, #tpu.memory_space<vmem>>) target_semaphore(%run_scoped3A : memref<!tpu.dma_semaphore, #tpu.memory_space<semaphore_mem>>)
      %dma_wait3A_29 = tpu.memref_slice %arg3[%mul3A_2] : memref<1024xi32, #tpu.memory_space<hbm>> -> memref<32xi32, #tpu.memory_space<hbm>>
      %dma_wait3A_30 = tpu.memref_slice %arg3[%mul3A_2] : memref<1024xi32, #tpu.memory_space<hbm>> -> memref<32xi32, #tpu.memory_space<hbm>>
      tpu.wait_dma2 semaphore(%run_scoped3A : memref<!tpu.dma_semaphore, #tpu.memory_space<semaphore_mem>>) src(%dma_wait3A_30 : memref<32xi32, #tpu.memory_space<hbm>>) dst(%arg9 : memref<32xi32, #tpu.memory_space<vmem>>)
      tpu.yield
    }) : () -> ()
    "tpu.region"() ({
      %run_scoped3A = tpu.sem_alloc : memref<!tpu.dma_semaphore, #tpu.memory_space<semaphore_mem>>
      %dma_start3A_27 = tpu.memref_slice %arg4[%mul3A_2] : memref<1024xi32, #tpu.memory_space<hbm>> -> memref<32xi32, #tpu.memory_space<hbm>>
      %dma_start3A_28 = tpu.memref_slice %arg4[%mul3A_2] : memref<1024xi32, #tpu.memory_space<hbm>> -> memref<32xi32, #tpu.memory_space<hbm>>
      tpu.enqueue_dma source(%dma_start3A_28 : memref<32xi32, #tpu.memory_space<hbm>>) target(%arg10 : memref<32xi32, #tpu.memory_space<vmem>>) target_semaphore(%run_scoped3A : memref<!tpu.dma_semaphore, #tpu.memory_space<semaphore_mem>>)
      %dma_wait3A_29 = tpu.memref_slice %arg4[%mul3A_2] : memref<1024xi32, #tpu.memory_space<hbm>> -> memref<32xi32, #tpu.memory_space<hbm>>
      %dma_wait3A_30 = tpu.memref_slice %arg4[%mul3A_2] : memref<1024xi32, #tpu.memory_space<hbm>> -> memref<32xi32, #tpu.memory_space<hbm>>
      tpu.wait_dma2 semaphore(%run_scoped3A : memref<!tpu.dma_semaphore, #tpu.memory_space<semaphore_mem>>) src(%dma_wait3A_30 : memref<32xi32, #tpu.memory_space<hbm>>) dst(%arg10 : memref<32xi32, #tpu.memory_space<vmem>>)
      tpu.yield
    }) : () -> ()
    "tpu.region"() ({
      %run_scoped3A = tpu.sem_alloc : memref<!tpu.dma_semaphore, #tpu.memory_space<semaphore_mem>>
      %dma_start3A_27 = tpu.memref_slice %arg5[%mul3A_2] : memref<1024xi32, #tpu.memory_space<hbm>> -> memref<32xi32, #tpu.memory_space<hbm>>
      %dma_start3A_28 = tpu.memref_slice %arg5[%mul3A_2] : memref<1024xi32, #tpu.memory_space<hbm>> -> memref<32xi32, #tpu.memory_space<hbm>>
      tpu.enqueue_dma source(%dma_start3A_28 : memref<32xi32, #tpu.memory_space<hbm>>) target(%arg11 : memref<32xi32, #tpu.memory_space<vmem>>) target_semaphore(%run_scoped3A : memref<!tpu.dma_semaphore, #tpu.memory_space<semaphore_mem>>)
      %dma_wait3A_29 = tpu.memref_slice %arg5[%mul3A_2] : memref<1024xi32, #tpu.memory_space<hbm>> -> memref<32xi32, #tpu.memory_space<hbm>>
      %dma_wait3A_30 = tpu.memref_slice %arg5[%mul3A_2] : memref<1024xi32, #tpu.memory_space<hbm>> -> memref<32xi32, #tpu.memory_space<hbm>>
      tpu.wait_dma2 semaphore(%run_scoped3A : memref<!tpu.dma_semaphore, #tpu.memory_space<semaphore_mem>>) src(%dma_wait3A_30 : memref<32xi32, #tpu.memory_space<hbm>>) dst(%arg11 : memref<32xi32, #tpu.memory_space<vmem>>)
      tpu.yield
    }) : () -> ()
    "tpu.region"() ({
      %run_scoped3A = tpu.sem_alloc : memref<!tpu.dma_semaphore, #tpu.memory_space<semaphore_mem>>
      %dma_start3A_27 = tpu.memref_slice %arg6[%mul3A_2] : memref<1024xi32, #tpu.memory_space<hbm>> -> memref<32xi32, #tpu.memory_space<hbm>>
      %dma_start3A_28 = tpu.memref_slice %arg6[%mul3A_2] : memref<1024xi32, #tpu.memory_space<hbm>> -> memref<32xi32, #tpu.memory_space<hbm>>
      tpu.enqueue_dma source(%dma_start3A_28 : memref<32xi32, #tpu.memory_space<hbm>>) target(%arg12 : memref<32xi32, #tpu.memory_space<vmem>>) target_semaphore(%run_scoped3A : memref<!tpu.dma_semaphore, #tpu.memory_space<semaphore_mem>>)
      %dma_wait3A_29 = tpu.memref_slice %arg6[%mul3A_2] : memref<1024xi32, #tpu.memory_space<hbm>> -> memref<32xi32, #tpu.memory_space<hbm>>
      %dma_wait3A_30 = tpu.memref_slice %arg6[%mul3A_2] : memref<1024xi32, #tpu.memory_space<hbm>> -> memref<32xi32, #tpu.memory_space<hbm>>
      tpu.wait_dma2 semaphore(%run_scoped3A : memref<!tpu.dma_semaphore, #tpu.memory_space<semaphore_mem>>) src(%dma_wait3A_30 : memref<32xi32, #tpu.memory_space<hbm>>) dst(%arg12 : memref<32xi32, #tpu.memory_space<vmem>>)
      tpu.yield
    }) : () -> ()
    "tpu.region"() ({
      %run_scoped3A = tpu.sem_alloc : memref<!tpu.dma_semaphore, #tpu.memory_space<semaphore_mem>>
      %dma_start3A_27 = arith.constant 0 : i32
      %dma_start3A_28 = tpu.memref_slice %arg7[%mul3A_2, %dma_start3A_27] : memref<1024x16xf32, #tpu.memory_space<hbm>> -> memref<32x16xf32, #tpu.memory_space<hbm>>
      %dma_start3A_29 = arith.constant 0 : i32
      %dma_start3A_30 = tpu.memref_slice %arg7[%mul3A_2, %dma_start3A_29] : memref<1024x16xf32, #tpu.memory_space<hbm>> -> memref<32x16xf32, #tpu.memory_space<hbm>>
      tpu.enqueue_dma source(%dma_start3A_30 : memref<32x16xf32, #tpu.memory_space<hbm>>) target(%arg13 : memref<32x16xf32, #tpu.memory_space<vmem>>) target_semaphore(%run_scoped3A : memref<!tpu.dma_semaphore, #tpu.memory_space<semaphore_mem>>)
      %dma_wait3A_31 = arith.constant 0 : i32
      %dma_wait3A_32 = tpu.memref_slice %arg7[%mul3A_2, %dma_wait3A_31] : memref<1024x16xf32, #tpu.memory_space<hbm>> -> memref<32x16xf32, #tpu.memory_space<hbm>>
      %dma_wait3A_33 = arith.constant 0 : i32
      %dma_wait3A_34 = tpu.memref_slice %arg7[%mul3A_2, %dma_wait3A_33] : memref<1024x16xf32, #tpu.memory_space<hbm>> -> memref<32x16xf32, #tpu.memory_space<hbm>>
      tpu.wait_dma2 semaphore(%run_scoped3A : memref<!tpu.dma_semaphore, #tpu.memory_space<semaphore_mem>>) src(%dma_wait3A_34 : memref<32x16xf32, #tpu.memory_space<hbm>>) dst(%arg13 : memref<32x16xf32, #tpu.memory_space<vmem>>)
      tpu.yield
    }) : () -> ()
    %dma_start3A = arith.constant 0 : i32
    %dma_start3A_3 = arith.constant 0 : i32
    %dma_start3A_4 = tpu.memref_slice %arg2[%dma_start3A, %dma_start3A_3] : memref<16448x512xf32, #tpu.memory_space<hbm>> -> memref<16448x512xf32, #tpu.memory_space<hbm>>
    tpu.enqueue_indirect_dma source(%dma_start3A_4 : memref<16448x512xf32, #tpu.memory_space<hbm>>) target(%arg14 : memref<32x512xf32, #tpu.memory_space<vmem>>) offsets(%arg9 : memref<32xi32, #tpu.memory_space<vmem>>) semaphore(%arg19 : memref<!tpu.dma_semaphore, #tpu.memory_space<semaphore_mem>>)
    %dma_start3A_5 = arith.constant 0 : i32
    %dma_start3A_6 = arith.constant 0 : i32
    %dma_start3A_7 = tpu.memref_slice %arg2[%dma_start3A_5, %dma_start3A_6] : memref<16448x512xf32, #tpu.memory_space<hbm>> -> memref<16448x512xf32, #tpu.memory_space<hbm>>
    tpu.enqueue_indirect_dma source(%dma_start3A_7 : memref<16448x512xf32, #tpu.memory_space<hbm>>) target(%arg15 : memref<32x512xf32, #tpu.memory_space<vmem>>) offsets(%arg10 : memref<32xi32, #tpu.memory_space<vmem>>) semaphore(%arg20 : memref<!tpu.dma_semaphore, #tpu.memory_space<semaphore_mem>>)
    %dma_start3A_8 = arith.constant 0 : i32
    %dma_start3A_9 = arith.constant 0 : i32
    %dma_start3A_10 = tpu.memref_slice %arg2[%dma_start3A_8, %dma_start3A_9] : memref<16448x512xf32, #tpu.memory_space<hbm>> -> memref<16448x512xf32, #tpu.memory_space<hbm>>
    tpu.enqueue_indirect_dma source(%dma_start3A_10 : memref<16448x512xf32, #tpu.memory_space<hbm>>) target(%arg16 : memref<32x512xf32, #tpu.memory_space<vmem>>) offsets(%arg11 : memref<32xi32, #tpu.memory_space<vmem>>) semaphore(%arg21 : memref<!tpu.dma_semaphore, #tpu.memory_space<semaphore_mem>>)
    %dma_start3A_11 = arith.constant 0 : i32
    %dma_start3A_12 = arith.constant 0 : i32
    %dma_start3A_13 = tpu.memref_slice %arg2[%dma_start3A_11, %dma_start3A_12] : memref<16448x512xf32, #tpu.memory_space<hbm>> -> memref<16448x512xf32, #tpu.memory_space<hbm>>
    tpu.enqueue_indirect_dma source(%dma_start3A_13 : memref<16448x512xf32, #tpu.memory_space<hbm>>) target(%arg17 : memref<32x512xf32, #tpu.memory_space<vmem>>) offsets(%arg12 : memref<32xi32, #tpu.memory_space<vmem>>) semaphore(%arg22 : memref<!tpu.dma_semaphore, #tpu.memory_space<semaphore_mem>>)
    %dma_wait3A = arith.constant 0 : i32
    %dma_wait3A_14 = arith.constant 0 : i32
    %dma_wait3A_15 = tpu.memref_slice %arg2[%dma_wait3A, %dma_wait3A_14] : memref<16448x512xf32, #tpu.memory_space<hbm>> -> memref<16448x512xf32, #tpu.memory_space<hbm>>
    tpu.wait_indirect_dma semaphore(%arg19 : memref<!tpu.dma_semaphore, #tpu.memory_space<semaphore_mem>>) src(%dma_wait3A_15 : memref<16448x512xf32, #tpu.memory_space<hbm>>) dst(%arg14 : memref<32x512xf32, #tpu.memory_space<vmem>>)
    %dma_wait3A_16 = arith.constant 0 : i32
    %dma_wait3A_17 = arith.constant 0 : i32
    %dma_wait3A_18 = tpu.memref_slice %arg2[%dma_wait3A_16, %dma_wait3A_17] : memref<16448x512xf32, #tpu.memory_space<hbm>> -> memref<16448x512xf32, #tpu.memory_space<hbm>>
    tpu.wait_indirect_dma semaphore(%arg20 : memref<!tpu.dma_semaphore, #tpu.memory_space<semaphore_mem>>) src(%dma_wait3A_18 : memref<16448x512xf32, #tpu.memory_space<hbm>>) dst(%arg15 : memref<32x512xf32, #tpu.memory_space<vmem>>)
    %dma_wait3A_19 = arith.constant 0 : i32
    %dma_wait3A_20 = arith.constant 0 : i32
    %dma_wait3A_21 = tpu.memref_slice %arg2[%dma_wait3A_19, %dma_wait3A_20] : memref<16448x512xf32, #tpu.memory_space<hbm>> -> memref<16448x512xf32, #tpu.memory_space<hbm>>
    tpu.wait_indirect_dma semaphore(%arg21 : memref<!tpu.dma_semaphore, #tpu.memory_space<semaphore_mem>>) src(%dma_wait3A_21 : memref<16448x512xf32, #tpu.memory_space<hbm>>) dst(%arg16 : memref<32x512xf32, #tpu.memory_space<vmem>>)
    %dma_wait3A_22 = arith.constant 0 : i32
    %dma_wait3A_23 = arith.constant 0 : i32
    %dma_wait3A_24 = tpu.memref_slice %arg2[%dma_wait3A_22, %dma_wait3A_23] : memref<16448x512xf32, #tpu.memory_space<hbm>> -> memref<16448x512xf32, #tpu.memory_space<hbm>>
    tpu.wait_indirect_dma semaphore(%arg22 : memref<!tpu.dma_semaphore, #tpu.memory_space<semaphore_mem>>) src(%dma_wait3A_24 : memref<16448x512xf32, #tpu.memory_space<hbm>>) dst(%arg17 : memref<32x512xf32, #tpu.memory_space<vmem>>)
    %parallel_loop3A = arith.constant 0 : i32
    %parallel_loop3A_25 = arith.constant 32 : i32
    %parallel_loop3A_26 = arith.constant 1 : i32
    scf.for %parallel_loop3A_27 = %parallel_loop3A to %parallel_loop3A_25 step %parallel_loop3A_26  : i32 {
      %parallel_loop3A_28 = arith.index_cast %parallel_loop3A_27 : i32 to index
      %parallel_loop3A_29 = arith.constant 0 : index
      %parallel_loop3A_30 = tpu.vector_load %arg13[%parallel_loop3A_28, %parallel_loop3A_29] {strides = array<i32>} : memref<32x16xf32, #tpu.memory_space<vmem>>, vector<1x16xf32>,
      %parallel_loop3A_31 = vector.shape_cast %parallel_loop3A_30 : vector<1x16xf32> to vector<16xf32>
      %parallel_loop3A_32 = arith.index_cast %parallel_loop3A_27 : i32 to index
      %parallel_loop3A_33 = arith.constant 0 : index
      %parallel_loop3A_34 = tpu.vector_load %arg14[%parallel_loop3A_32, %parallel_loop3A_33] {strides = array<i32>} : memref<32x512xf32, #tpu.memory_space<vmem>>, vector<1x16xf32>,
      %parallel_loop3A_35 = vector.shape_cast %parallel_loop3A_34 : vector<1x16xf32> to vector<16xf32>
      %parallel_loop3A_36 = arith.index_cast %parallel_loop3A_27 : i32 to index
      %parallel_loop3A_37 = arith.constant 0 : index
      %parallel_loop3A_38 = tpu.vector_load %arg15[%parallel_loop3A_36, %parallel_loop3A_37] {strides = array<i32>} : memref<32x512xf32, #tpu.memory_space<vmem>>, vector<1x16xf32>,
      %parallel_loop3A_39 = vector.shape_cast %parallel_loop3A_38 : vector<1x16xf32> to vector<16xf32>
      %parallel_loop3A_40 = arith.index_cast %parallel_loop3A_27 : i32 to index
      %parallel_loop3A_41 = arith.constant 0 : index
      %parallel_loop3A_42 = tpu.vector_load %arg16[%parallel_loop3A_40, %parallel_loop3A_41] {strides = array<i32>} : memref<32x512xf32, #tpu.memory_space<vmem>>, vector<1x16xf32>,
      %parallel_loop3A_43 = vector.shape_cast %parallel_loop3A_42 : vector<1x16xf32> to vector<16xf32>
      %parallel_loop3A_44 = arith.index_cast %parallel_loop3A_27 : i32 to index
      %parallel_loop3A_45 = arith.constant 0 : index
      %parallel_loop3A_46 = tpu.vector_load %arg17[%parallel_loop3A_44, %parallel_loop3A_45] {strides = array<i32>} : memref<32x512xf32, #tpu.memory_space<vmem>>, vector<1x16xf32>,
      %parallel_loop3A_47 = vector.shape_cast %parallel_loop3A_46 : vector<1x16xf32> to vector<16xf32>
      %parallel_loop3A_48 = arith.subf %parallel_loop3A_39, %parallel_loop3A_35 : vector<16xf32>
      %parallel_loop3A_49 = arith.index_cast %parallel_loop3A_27 : i32 to index
      %parallel_loop3A_50 = arith.constant 0 : index
      %parallel_loop3A_51 = tpu.vector_load %arg18[%parallel_loop3A_49, %parallel_loop3A_50] {strides = array<i32>} : memref<32x1536xf32, #tpu.memory_space<vmem>>, vector<1x16xf32>,
      %parallel_loop3A_52 = vector.shape_cast %parallel_loop3A_51 : vector<1x16xf32> to vector<16xf32>
      %parallel_loop3A_53 = vector.shape_cast %parallel_loop3A_48 : vector<16xf32> to vector<1x16xf32>
      tpu.vector_store %arg18[%parallel_loop3A_49, %parallel_loop3A_50], %parallel_loop3A_53 {strides = array<i32>} : memref<32x1536xf32, #tpu.memory_space<vmem>>, vector<1x16xf32>,
      %parallel_loop3A_54 = arith.subf %parallel_loop3A_47, %parallel_loop3A_35 : vector<16xf32>
      %parallel_loop3A_55 = arith.mulf %parallel_loop3A_54, %parallel_loop3A_31 : vector<16xf32>
      %parallel_loop3A_56 = arith.index_cast %parallel_loop3A_27 : i32 to index
      %parallel_loop3A_57 = arith.constant 512 : index
      %parallel_loop3A_58 = tpu.vector_load %arg18[%parallel_loop3A_56, %parallel_loop3A_57] {strides = array<i32>} : memref<32x1536xf32, #tpu.memory_space<vmem>>, vector<1x16xf32>,
      %parallel_loop3A_59 = vector.shape_cast %parallel_loop3A_58 : vector<1x16xf32> to vector<16xf32>
      %parallel_loop3A_60 = vector.shape_cast %parallel_loop3A_55 : vector<16xf32> to vector<1x16xf32>
      tpu.vector_store %arg18[%parallel_loop3A_56, %parallel_loop3A_57], %parallel_loop3A_60 {strides = array<i32>} : memref<32x1536xf32, #tpu.memory_space<vmem>>, vector<1x16xf32>,
      %parallel_loop3A_61 = arith.subf %parallel_loop3A_47, %parallel_loop3A_43 : vector<16xf32>
      %parallel_loop3A_62 = arith.index_cast %parallel_loop3A_27 : i32 to index
      %parallel_loop3A_63 = arith.constant 1024 : index
      %parallel_loop3A_64 = tpu.vector_load %arg18[%parallel_loop3A_62, %parallel_loop3A_63] {strides = array<i32>} : memref<32x1536xf32, #tpu.memory_space<vmem>>, vector<1x16xf32>,
      %parallel_loop3A_65 = vector.shape_cast %parallel_loop3A_64 : vector<1x16xf32> to vector<16xf32>
      %parallel_loop3A_66 = vector.shape_cast %parallel_loop3A_61 : vector<16xf32> to vector<1x16xf32>
      tpu.vector_store %arg18[%parallel_loop3A_62, %parallel_loop3A_63], %parallel_loop3A_66 {strides = array<i32>} : memref<32x1536xf32, #tpu.memory_space<vmem>>, vector<1x16xf32>,
      %parallel_loop3A_67 = arith.index_cast %parallel_loop3A_27 : i32 to index
      %parallel_loop3A_68 = arith.constant 16 : index
      %parallel_loop3A_69 = tpu.vector_load %arg14[%parallel_loop3A_67, %parallel_loop3A_68] {strides = array<i32>} : memref<32x512xf32, #tpu.memory_space<vmem>>, vector<1x16xf32>,
      %parallel_loop3A_70 = vector.shape_cast %parallel_loop3A_69 : vector<1x16xf32> to vector<16xf32>
      %parallel_loop3A_71 = arith.index_cast %parallel_loop3A_27 : i32 to index
      %parallel_loop3A_72 = arith.constant 16 : index
      %parallel_loop3A_73 = tpu.vector_load %arg15[%parallel_loop3A_71, %parallel_loop3A_72] {strides = array<i32>} : memref<32x512xf32, #tpu.memory_space<vmem>>, vector<1x16xf32>,
      %parallel_loop3A_74 = vector.shape_cast %parallel_loop3A_73 : vector<1x16xf32> to vector<16xf32>
      %parallel_loop3A_75 = arith.index_cast %parallel_loop3A_27 : i32 to index
      %parallel_loop3A_76 = arith.constant 16 : index
      %parallel_loop3A_77 = tpu.vector_load %arg16[%parallel_loop3A_75, %parallel_loop3A_76] {strides = array<i32>} : memref<32x512xf32, #tpu.memory_space<vmem>>, vector<1x16xf32>,
      %parallel_loop3A_78 = vector.shape_cast %parallel_loop3A_77 : vector<1x16xf32> to vector<16xf32>
      %parallel_loop3A_79 = arith.index_cast %parallel_loop3A_27 : i32 to index
      %parallel_loop3A_80 = arith.constant 16 : index
      %parallel_loop3A_81 = tpu.vector_load %arg17[%parallel_loop3A_79, %parallel_loop3A_80] {strides = array<i32>} : memref<32x512xf32, #tpu.memory_space<vmem>>, vector<1x16xf32>,
      %parallel_loop3A_82 = vector.shape_cast %parallel_loop3A_81 : vector<1x16xf32> to vector<16xf32>
      %parallel_loop3A_83 = arith.subf %parallel_loop3A_74, %parallel_loop3A_70 : vector<16xf32>
      %parallel_loop3A_84 = arith.index_cast %parallel_loop3A_27 : i32 to index
      %parallel_loop3A_85 = arith.constant 16 : index
      %parallel_loop3A_86 = tpu.vector_load %arg18[%parallel_loop3A_84, %parallel_loop3A_85] {strides = array<i32>} : memref<32x1536xf32, #tpu.memory_space<vmem>>, vector<1x16xf32>,
      %parallel_loop3A_87 = vector.shape_cast %parallel_loop3A_86 : vector<1x16xf32> to vector<16xf32>
      %parallel_loop3A_88 = vector.shape_cast %parallel_loop3A_83 : vector<16xf32> to vector<1x16xf32>
      tpu.vector_store %arg18[%parallel_loop3A_84, %parallel_loop3A_85], %parallel_loop3A_88 {strides = array<i32>} : memref<32x1536xf32, #tpu.memory_space<vmem>>, vector<1x16xf32>,
      %parallel_loop3A_89 = arith.subf %parallel_loop3A_82, %parallel_loop3A_70 : vector<16xf32>
      %parallel_loop3A_90 = arith.mulf %parallel_loop3A_89, %parallel_loop3A_31 : vector<16xf32>
      %parallel_loop3A_91 = arith.index_cast %parallel_loop3A_27 : i32 to index
      %parallel_loop3A_92 = arith.constant 528 : index
      %parallel_loop3A_93 = tpu.vector_load %arg18[%parallel_loop3A_91, %parallel_loop3A_92] {strides = array<i32>} : memref<32x1536xf32, #tpu.memory_space<vmem>>, vector<1x16xf32>,
      %parallel_loop3A_94 = vector.shape_cast %parallel_loop3A_93 : vector<1x16xf32> to vector<16xf32>
      %parallel_loop3A_95 = vector.shape_cast %parallel_loop3A_90 : vector<16xf32> to vector<1x16xf32>
      tpu.vector_store %arg18[%parallel_loop3A_91, %parallel_loop3A_92], %parallel_loop3A_95 {strides = array<i32>} : memref<32x1536xf32, #tpu.memory_space<vmem>>, vector<1x16xf32>,
      %parallel_loop3A_96 = arith.subf %parallel_loop3A_82, %parallel_loop3A_78 : vector<16xf32>
      %parallel_loop3A_97 = arith.index_cast %parallel_loop3A_27 : i32 to index
      %parallel_loop3A_98 = arith.constant 1040 : index
      %parallel_loop3A_99 = tpu.vector_load %arg18[%parallel_loop3A_97, %parallel_loop3A_98] {strides = array<i32>} : memref<32x1536xf32, #tpu.memory_space<vmem>>, vector<1x16xf32>,
      %parallel_loop3A_100 = vector.shape_cast %parallel_loop3A_99 : vector<1x16xf32> to vector<16xf32>
      %parallel_loop3A_101 = vector.shape_cast %parallel_loop3A_96 : vector<16xf32> to vector<1x16xf32>
      tpu.vector_store %arg18[%parallel_loop3A_97, %parallel_loop3A_98], %parallel_loop3A_101 {strides = array<i32>} : memref<32x1536xf32, #tpu.memory_space<vmem>>, vector<1x16xf32>,
      %parallel_loop3A_102 = arith.index_cast %parallel_loop3A_27 : i32 to index
      %parallel_loop3A_103 = arith.constant 32 : index
      %parallel_loop3A_104 = tpu.vector_load %arg14[%parallel_loop3A_102, %parallel_loop3A_103] {strides = array<i32>} : memref<32x512xf32, #tpu.memory_space<vmem>>, vector<1x16xf32>,
      %parallel_loop3A_105 = vector.shape_cast %parallel_loop3A_104 : vector<1x16xf32> to vector<16xf32>
      %parallel_loop3A_106 = arith.index_cast %parallel_loop3A_27 : i32 to index
      %parallel_loop3A_107 = arith.constant 32 : index
      %parallel_loop3A_108 = tpu.vector_load %arg15[%parallel_loop3A_106, %parallel_loop3A_107] {strides = array<i32>} : memref<32x512xf32, #tpu.memory_space<vmem>>, vector<1x16xf32>,
      %parallel_loop3A_109 = vector.shape_cast %parallel_loop3A_108 : vector<1x16xf32> to vector<16xf32>
      %parallel_loop3A_110 = arith.index_cast %parallel_loop3A_27 : i32 to index
      %parallel_loop3A_111 = arith.constant 32 : index
      %parallel_loop3A_112 = tpu.vector_load %arg16[%parallel_loop3A_110, %parallel_loop3A_111] {strides = array<i32>} : memref<32x512xf32, #tpu.memory_space<vmem>>, vector<1x16xf32>,
      %parallel_loop3A_113 = vector.shape_cast %parallel_loop3A_112 : vector<1x16xf32> to vector<16xf32>
      %parallel_loop3A_114 = arith.index_cast %parallel_loop3A_27 : i32 to index
      %parallel_loop3A_115 = arith.constant 32 : index
      %parallel_loop3A_116 = tpu.vector_load %arg17[%parallel_loop3A_114, %parallel_loop3A_115] {strides = array<i32>} : memref<32x512xf32, #tpu.memory_space<vmem>>, vector<1x16xf32>,
      %parallel_loop3A_117 = vector.shape_cast %parallel_loop3A_116 : vector<1x16xf32> to vector<16xf32>
      %parallel_loop3A_118 = arith.subf %parallel_loop3A_109, %parallel_loop3A_105 : vector<16xf32>
      %parallel_loop3A_119 = arith.index_cast %parallel_loop3A_27 : i32 to index
      %parallel_loop3A_120 = arith.constant 32 : index
      %parallel_loop3A_121 = tpu.vector_load %arg18[%parallel_loop3A_119, %parallel_loop3A_120] {strides = array<i32>} : memref<32x1536xf32, #tpu.memory_space<vmem>>, vector<1x16xf32>,
      %parallel_loop3A_122 = vector.shape_cast %parallel_loop3A_121 : vector<1x16xf32> to vector<16xf32>
      %parallel_loop3A_123 = vector.shape_cast %parallel_loop3A_118 : vector<16xf32> to vector<1x16xf32>
      tpu.vector_store %arg18[%parallel_loop3A_119, %parallel_loop3A_120], %parallel_loop3A_123 {strides = array<i32>} : memref<32x1536xf32, #tpu.memory_space<vmem>>, vector<1x16xf32>,
      %parallel_loop3A_124 = arith.subf %parallel_loop3A_117, %parallel_loop3A_105 : vector<16xf32>
      %parallel_loop3A_125 = arith.mulf %parallel_loop3A_124, %parallel_loop3A_31 : vector<16xf32>
      %parallel_loop3A_126 = arith.index_cast %parallel_loop3A_27 : i32 to index
      %parallel_loop3A_127 = arith.constant 544 : index
      %parallel_loop3A_128 = tpu.vector_load %arg18[%parallel_loop3A_126, %parallel_loop3A_127] {strides = array<i32>} : memref<32x1536xf32, #tpu.memory_space<vmem>>, vector<1x16xf32>,
      %parallel_loop3A_129 = vector.shape_cast %parallel_loop3A_128 : vector<1x16xf32> to vector<16xf32>
      %parallel_loop3A_130 = vector.shape_cast %parallel_loop3A_125 : vector<16xf32> to vector<1x16xf32>
      tpu.vector_store %arg18[%parallel_loop3A_126, %parallel_loop3A_127], %parallel_loop3A_130 {strides = array<i32>} : memref<32x1536xf32, #tpu.memory_space<vmem>>, vector<1x16xf32>,
      %parallel_loop3A_131 = arith.subf %parallel_loop3A_117, %parallel_loop3A_113 : vector<16xf32>
      %parallel_loop3A_132 = arith.index_cast %parallel_loop3A_27 : i32 to index
      %parallel_loop3A_133 = arith.constant 1056 : index
      %parallel_loop3A_134 = tpu.vector_load %arg18[%parallel_loop3A_132, %parallel_loop3A_133] {strides = array<i32>} : memref<32x1536xf32, #tpu.memory_space<vmem>>, vector<1x16xf32>,
      %parallel_loop3A_135 = vector.shape_cast %parallel_loop3A_134 : vector<1x16xf32> to vector<16xf32>
      %parallel_loop3A_136 = vector.shape_cast %parallel_loop3A_131 : vector<16xf32> to vector<1x16xf32>
      tpu.vector_store %arg18[%parallel_loop3A_132, %parallel_loop3A_133], %parallel_loop3A_136 {strides = array<i32>} : memref<32x1536xf32, #tpu.memory_space<vmem>>, vector<1x16xf32>,
      %parallel_loop3A_137 = arith.index_cast %parallel_loop3A_27 : i32 to index
      %parallel_loop3A_138 = arith.constant 48 : index
      %parallel_loop3A_139 = tpu.vector_load %arg14[%parallel_loop3A_137, %parallel_loop3A_138] {strides = array<i32>} : memref<32x512xf32, #tpu.memory_space<vmem>>, vector<1x16xf32>,
      %parallel_loop3A_140 = vector.shape_cast %parallel_loop3A_139 : vector<1x16xf32> to vector<16xf32>
      %parallel_loop3A_141 = arith.index_cast %parallel_loop3A_27 : i32 to index
      %parallel_loop3A_142 = arith.constant 48 : index
      %parallel_loop3A_143 = tpu.vector_load %arg15[%parallel_loop3A_141, %parallel_loop3A_142] {strides = array<i32>} : memref<32x512xf32, #tpu.memory_space<vmem>>, vector<1x16xf32>,
      %parallel_loop3A_144 = vector.shape_cast %parallel_loop3A_143 : vector<1x16xf32> to vector<16xf32>
      %parallel_loop3A_145 = arith.index_cast %parallel_loop3A_27 : i32 to index
      %parallel_loop3A_146 = arith.constant 48 : index
      %parallel_loop3A_147 = tpu.vector_load %arg16[%parallel_loop3A_145, %parallel_loop3A_146] {strides = array<i32>} : memref<32x512xf32, #tpu.memory_space<vmem>>, vector<1x16xf32>,
      %parallel_loop3A_148 = vector.shape_cast %parallel_loop3A_147 : vector<1x16xf32> to vector<16xf32>
      %parallel_loop3A_149 = arith.index_cast %parallel_loop3A_27 : i32 to index
      %parallel_loop3A_150 = arith.constant 48 : index
      %parallel_loop3A_151 = tpu.vector_load %arg17[%parallel_loop3A_149, %parallel_loop3A_150] {strides = array<i32>} : memref<32x512xf32, #tpu.memory_space<vmem>>, vector<1x16xf32>,
      %parallel_loop3A_152 = vector.shape_cast %parallel_loop3A_151 : vector<1x16xf32> to vector<16xf32>
      %parallel_loop3A_153 = arith.subf %parallel_loop3A_144, %parallel_loop3A_140 : vector<16xf32>
      %parallel_loop3A_154 = arith.index_cast %parallel_loop3A_27 : i32 to index
      %parallel_loop3A_155 = arith.constant 48 : index
      %parallel_loop3A_156 = tpu.vector_load %arg18[%parallel_loop3A_154, %parallel_loop3A_155] {strides = array<i32>} : memref<32x1536xf32, #tpu.memory_space<vmem>>, vector<1x16xf32>,
      %parallel_loop3A_157 = vector.shape_cast %parallel_loop3A_156 : vector<1x16xf32> to vector<16xf32>
      %parallel_loop3A_158 = vector.shape_cast %parallel_loop3A_153 : vector<16xf32> to vector<1x16xf32>
      tpu.vector_store %arg18[%parallel_loop3A_154, %parallel_loop3A_155], %parallel_loop3A_158 {strides = array<i32>} : memref<32x1536xf32, #tpu.memory_space<vmem>>, vector<1x16xf32>,
      %parallel_loop3A_159 = arith.subf %parallel_loop3A_152, %parallel_loop3A_140 : vector<16xf32>
      %parallel_loop3A_160 = arith.mulf %parallel_loop3A_159, %parallel_loop3A_31 : vector<16xf32>
      %parallel_loop3A_161 = arith.index_cast %parallel_loop3A_27 : i32 to index
      %parallel_loop3A_162 = arith.constant 560 : index
      %parallel_loop3A_163 = tpu.vector_load %arg18[%parallel_loop3A_161, %parallel_loop3A_162] {strides = array<i32>} : memref<32x1536xf32, #tpu.memory_space<vmem>>, vector<1x16xf32>,
      %parallel_loop3A_164 = vector.shape_cast %parallel_loop3A_163 : vector<1x16xf32> to vector<16xf32>
      %parallel_loop3A_165 = vector.shape_cast %parallel_loop3A_160 : vector<16xf32> to vector<1x16xf32>
      tpu.vector_store %arg18[%parallel_loop3A_161, %parallel_loop3A_162], %parallel_loop3A_165 {strides = array<i32>} : memref<32x1536xf32, #tpu.memory_space<vmem>>, vector<1x16xf32>,
      %parallel_loop3A_166 = arith.subf %parallel_loop3A_152, %parallel_loop3A_148 : vector<16xf32>
      %parallel_loop3A_167 = arith.index_cast %parallel_loop3A_27 : i32 to index
      %parallel_loop3A_168 = arith.constant 1072 : index
      %parallel_loop3A_169 = tpu.vector_load %arg18[%parallel_loop3A_167, %parallel_loop3A_168] {strides = array<i32>} : memref<32x1536xf32, #tpu.memory_space<vmem>>, vector<1x16xf32>,
      %parallel_loop3A_170 = vector.shape_cast %parallel_loop3A_169 : vector<1x16xf32> to vector<16xf32>
      %parallel_loop3A_171 = vector.shape_cast %parallel_loop3A_166 : vector<16xf32> to vector<1x16xf32>
      tpu.vector_store %arg18[%parallel_loop3A_167, %parallel_loop3A_168], %parallel_loop3A_171 {strides = array<i32>} : memref<32x1536xf32, #tpu.memory_space<vmem>>, vector<1x16xf32>,
      %parallel_loop3A_172 = arith.index_cast %parallel_loop3A_27 : i32 to index
      %parallel_loop3A_173 = arith.constant 64 : index
      %parallel_loop3A_174 = tpu.vector_load %arg14[%parallel_loop3A_172, %parallel_loop3A_173] {strides = array<i32>} : memref<32x512xf32, #tpu.memory_space<vmem>>, vector<1x16xf32>,
      %parallel_loop3A_175 = vector.shape_cast %parallel_loop3A_174 : vector<1x16xf32> to vector<16xf32>
      %parallel_loop3A_176 = arith.index_cast %parallel_loop3A_27 : i32 to index
      %parallel_loop3A_177 = arith.constant 64 : index
      %parallel_loop3A_178 = tpu.vector_load %arg15[%parallel_loop3A_176, %parallel_loop3A_177] {strides = array<i32>} : memref<32x512xf32, #tpu.memory_space<vmem>>, vector<1x16xf32>,
      %parallel_loop3A_179 = vector.shape_cast %parallel_loop3A_178 : vector<1x16xf32> to vector<16xf32>
      %parallel_loop3A_180 = arith.index_cast %parallel_loop3A_27 : i32 to index
      %parallel_loop3A_181 = arith.constant 64 : index
      %parallel_loop3A_182 = tpu.vector_load %arg16[%parallel_loop3A_180, %parallel_loop3A_181] {strides = array<i32>} : memref<32x512xf32, #tpu.memory_space<vmem>>, vector<1x16xf32>,
      %parallel_loop3A_183 = vector.shape_cast %parallel_loop3A_182 : vector<1x16xf32> to vector<16xf32>
      %parallel_loop3A_184 = arith.index_cast %parallel_loop3A_27 : i32 to index
      %parallel_loop3A_185 = arith.constant 64 : index
      %parallel_loop3A_186 = tpu.vector_load %arg17[%parallel_loop3A_184, %parallel_loop3A_185] {strides = array<i32>} : memref<32x512xf32, #tpu.memory_space<vmem>>, vector<1x16xf32>,
      %parallel_loop3A_187 = vector.shape_cast %parallel_loop3A_186 : vector<1x16xf32> to vector<16xf32>
      %parallel_loop3A_188 = arith.subf %parallel_loop3A_179, %parallel_loop3A_175 : vector<16xf32>
      %parallel_loop3A_189 = arith.index_cast %parallel_loop3A_27 : i32 to index
      %parallel_loop3A_190 = arith.constant 64 : index
      %parallel_loop3A_191 = tpu.vector_load %arg18[%parallel_loop3A_189, %parallel_loop3A_190] {strides = array<i32>} : memref<32x1536xf32, #tpu.memory_space<vmem>>, vector<1x16xf32>,
      %parallel_loop3A_192 = vector.shape_cast %parallel_loop3A_191 : vector<1x16xf32> to vector<16xf32>
      %parallel_loop3A_193 = vector.shape_cast %parallel_loop3A_188 : vector<16xf32> to vector<1x16xf32>
      tpu.vector_store %arg18[%parallel_loop3A_189, %parallel_loop3A_190], %parallel_loop3A_193 {strides = array<i32>} : memref<32x1536xf32, #tpu.memory_space<vmem>>, vector<1x16xf32>,
      %parallel_loop3A_194 = arith.subf %parallel_loop3A_187, %parallel_loop3A_175 : vector<16xf32>
      %parallel_loop3A_195 = arith.mulf %parallel_loop3A_194, %parallel_loop3A_31 : vector<16xf32>
      %parallel_loop3A_196 = arith.index_cast %parallel_loop3A_27 : i32 to index
      %parallel_loop3A_197 = arith.constant 576 : index
      %parallel_loop3A_198 = tpu.vector_load %arg18[%parallel_loop3A_196, %parallel_loop3A_197] {strides = array<i32>} : memref<32x1536xf32, #tpu.memory_space<vmem>>, vector<1x16xf32>,
      %parallel_loop3A_199 = vector.shape_cast %parallel_loop3A_198 : vector<1x16xf32> to vector<16xf32>
      %parallel_loop3A_200 = vector.shape_cast %parallel_loop3A_195 : vector<16xf32> to vector<1x16xf32>
      tpu.vector_store %arg18[%parallel_loop3A_196, %parallel_loop3A_197], %parallel_loop3A_200 {strides = array<i32>} : memref<32x1536xf32, #tpu.memory_space<vmem>>, vector<1x16xf32>,
      %parallel_loop3A_201 = arith.subf %parallel_loop3A_187, %parallel_loop3A_183 : vector<16xf32>
      %parallel_loop3A_202 = arith.index_cast %parallel_loop3A_27 : i32 to index
      %parallel_loop3A_203 = arith.constant 1088 : index
      %parallel_loop3A_204 = tpu.vector_load %arg18[%parallel_loop3A_202, %parallel_loop3A_203] {strides = array<i32>} : memref<32x1536xf32, #tpu.memory_space<vmem>>, vector<1x16xf32>,
      %parallel_loop3A_205 = vector.shape_cast %parallel_loop3A_204 : vector<1x16xf32> to vector<16xf32>
      %parallel_loop3A_206 = vector.shape_cast %parallel_loop3A_201 : vector<16xf32> to vector<1x16xf32>
      tpu.vector_store %arg18[%parallel_loop3A_202, %parallel_loop3A_203], %parallel_loop3A_206 {strides = array<i32>} : memref<32x1536xf32, #tpu.memory_space<vmem>>, vector<1x16xf32>,
      %parallel_loop3A_207 = arith.index_cast %parallel_loop3A_27 : i32 to index
      %parallel_loop3A_208 = arith.constant 80 : index
      %parallel_loop3A_209 = tpu.vector_load %arg14[%parallel_loop3A_207, %parallel_loop3A_208] {strides = array<i32>} : memref<32x512xf32, #tpu.memory_space<vmem>>, vector<1x16xf32>,
      %parallel_loop3A_210 = vector.shape_cast %parallel_loop3A_209 : vector<1x16xf32> to vector<16xf32>
      %parallel_loop3A_211 = arith.index_cast %parallel_loop3A_27 : i32 to index
      %parallel_loop3A_212 = arith.constant 80 : index
      %parallel_loop3A_213 = tpu.vector_load %arg15[%parallel_loop3A_211, %parallel_loop3A_212] {strides = array<i32>} : memref<32x512xf32, #tpu.memory_space<vmem>>, vector<1x16xf32>,
      %parallel_loop3A_214 = vector.shape_cast %parallel_loop3A_213 : vector<1x16xf32> to vector<16xf32>
      %parallel_loop3A_215 = arith.index_cast %parallel_loop3A_27 : i32 to index
      %parallel_loop3A_216 = arith.constant 80 : index
      %parallel_loop3A_217 = tpu.vector_load %arg16[%parallel_loop3A_215, %parallel_loop3A_216] {strides = array<i32>} : memref<32x512xf32, #tpu.memory_space<vmem>>, vector<1x16xf32>,
      %parallel_loop3A_218 = vector.shape_cast %parallel_loop3A_217 : vector<1x16xf32> to vector<16xf32>
      %parallel_loop3A_219 = arith.index_cast %parallel_loop3A_27 : i32 to index
      %parallel_loop3A_220 = arith.constant 80 : index
      %parallel_loop3A_221 = tpu.vector_load %arg17[%parallel_loop3A_219, %parallel_loop3A_220] {strides = array<i32>} : memref<32x512xf32, #tpu.memory_space<vmem>>, vector<1x16xf32>,
      %parallel_loop3A_222 = vector.shape_cast %parallel_loop3A_221 : vector<1x16xf32> to vector<16xf32>
      %parallel_loop3A_223 = arith.subf %parallel_loop3A_214, %parallel_loop3A_210 : vector<16xf32>
      %parallel_loop3A_224 = arith.index_cast %parallel_loop3A_27 : i32 to index
      %parallel_loop3A_225 = arith.constant 80 : index
      %parallel_loop3A_226 = tpu.vector_load %arg18[%parallel_loop3A_224, %parallel_loop3A_225] {strides = array<i32>} : memref<32x1536xf32, #tpu.memory_space<vmem>>, vector<1x16xf32>,
      %parallel_loop3A_227 = vector.shape_cast %parallel_loop3A_226 : vector<1x16xf32> to vector<16xf32>
      %parallel_loop3A_228 = vector.shape_cast %parallel_loop3A_223 : vector<16xf32> to vector<1x16xf32>
      tpu.vector_store %arg18[%parallel_loop3A_224, %parallel_loop3A_225], %parallel_loop3A_228 {strides = array<i32>} : memref<32x1536xf32, #tpu.memory_space<vmem>>, vector<1x16xf32>,
      %parallel_loop3A_229 = arith.subf %parallel_loop3A_222, %parallel_loop3A_210 : vector<16xf32>
      %parallel_loop3A_230 = arith.mulf %parallel_loop3A_229, %parallel_loop3A_31 : vector<16xf32>
      %parallel_loop3A_231 = arith.index_cast %parallel_loop3A_27 : i32 to index
      %parallel_loop3A_232 = arith.constant 592 : index
      %parallel_loop3A_233 = tpu.vector_load %arg18[%parallel_loop3A_231, %parallel_loop3A_232] {strides = array<i32>} : memref<32x1536xf32, #tpu.memory_space<vmem>>, vector<1x16xf32>,
      %parallel_loop3A_234 = vector.shape_cast %parallel_loop3A_233 : vector<1x16xf32> to vector<16xf32>
      %parallel_loop3A_235 = vector.shape_cast %parallel_loop3A_230 : vector<16xf32> to vector<1x16xf32>
      tpu.vector_store %arg18[%parallel_loop3A_231, %parallel_loop3A_232], %parallel_loop3A_235 {strides = array<i32>} : memref<32x1536xf32, #tpu.memory_space<vmem>>, vector<1x16xf32>,
      %parallel_loop3A_236 = arith.subf %parallel_loop3A_222, %parallel_loop3A_218 : vector<16xf32>
      %parallel_loop3A_237 = arith.index_cast %parallel_loop3A_27 : i32 to index
      %parallel_loop3A_238 = arith.constant 1104 : index
      %parallel_loop3A_239 = tpu.vector_load %arg18[%parallel_loop3A_237, %parallel_loop3A_238] {strides = array<i32>} : memref<32x1536xf32, #tpu.memory_space<vmem>>, vector<1x16xf32>,
      %parallel_loop3A_240 = vector.shape_cast %parallel_loop3A_239 : vector<1x16xf32> to vector<16xf32>
      %parallel_loop3A_241 = vector.shape_cast %parallel_loop3A_236 : vector<16xf32> to vector<1x16xf32>
      tpu.vector_store %arg18[%parallel_loop3A_237, %parallel_loop3A_238], %parallel_loop3A_241 {strides = array<i32>} : memref<32x1536xf32, #tpu.memory_space<vmem>>, vector<1x16xf32>,
      %parallel_loop3A_242 = arith.index_cast %parallel_loop3A_27 : i32 to index
      %parallel_loop3A_243 = arith.constant 96 : index
      %parallel_loop3A_244 = tpu.vector_load %arg14[%parallel_loop3A_242, %parallel_loop3A_243] {strides = array<i32>} : memref<32x512xf32, #tpu.memory_space<vmem>>, vector<1x16xf32>,
      %parallel_loop3A_245 = vector.shape_cast %parallel_loop3A_244 : vector<1x16xf32> to vector<16xf32>
      %parallel_loop3A_246 = arith.index_cast %parallel_loop3A_27 : i32 to index
      %parallel_loop3A_247 = arith.constant 96 : index
      %parallel_loop3A_248 = tpu.vector_load %arg15[%parallel_loop3A_246, %parallel_loop3A_247] {strides = array<i32>} : memref<32x512xf32, #tpu.memory_space<vmem>>, vector<1x16xf32>,
      %parallel_loop3A_249 = vector.shape_cast %parallel_loop3A_248 : vector<1x16xf32> to vector<16xf32>
      %parallel_loop3A_250 = arith.index_cast %parallel_loop3A_27 : i32 to index
      %parallel_loop3A_251 = arith.constant 96 : index
      %parallel_loop3A_252 = tpu.vector_load %arg16[%parallel_loop3A_250, %parallel_loop3A_251] {strides = array<i32>} : memref<32x512xf32, #tpu.memory_space<vmem>>, vector<1x16xf32>,
      %parallel_loop3A_253 = vector.shape_cast %parallel_loop3A_252 : vector<1x16xf32> to vector<16xf32>
      %parallel_loop3A_254 = arith.index_cast %parallel_loop3A_27 : i32 to index
      %parallel_loop3A_255 = arith.constant 96 : index
      %parallel_loop3A_256 = tpu.vector_load %arg17[%parallel_loop3A_254, %parallel_loop3A_255] {strides = array<i32>} : memref<32x512xf32, #tpu.memory_space<vmem>>, vector<1x16xf32>,
      %parallel_loop3A_257 = vector.shape_cast %parallel_loop3A_256 : vector<1x16xf32> to vector<16xf32>
      %parallel_loop3A_258 = arith.subf %parallel_loop3A_249, %parallel_loop3A_245 : vector<16xf32>
      %parallel_loop3A_259 = arith.index_cast %parallel_loop3A_27 : i32 to index
      %parallel_loop3A_260 = arith.constant 96 : index
      %parallel_loop3A_261 = tpu.vector_load %arg18[%parallel_loop3A_259, %parallel_loop3A_260] {strides = array<i32>} : memref<32x1536xf32, #tpu.memory_space<vmem>>, vector<1x16xf32>,
      %parallel_loop3A_262 = vector.shape_cast %parallel_loop3A_261 : vector<1x16xf32> to vector<16xf32>
      %parallel_loop3A_263 = vector.shape_cast %parallel_loop3A_258 : vector<16xf32> to vector<1x16xf32>
      tpu.vector_store %arg18[%parallel_loop3A_259, %parallel_loop3A_260], %parallel_loop3A_263 {strides = array<i32>} : memref<32x1536xf32, #tpu.memory_space<vmem>>, vector<1x16xf32>,
      %parallel_loop3A_264 = arith.subf %parallel_loop3A_257, %parallel_loop3A_245 : vector<16xf32>
      %parallel_loop3A_265 = arith.mulf %parallel_loop3A_264, %parallel_loop3A_31 : vector<16xf32>
      %parallel_loop3A_266 = arith.index_cast %parallel_loop3A_27 : i32 to index
      %parallel_loop3A_267 = arith.constant 608 : index
      %parallel_loop3A_268 = tpu.vector_load %arg18[%parallel_loop3A_266, %parallel_loop3A_267] {strides = array<i32>} : memref<32x1536xf32, #tpu.memory_space<vmem>>, vector<1x16xf32>,
      %parallel_loop3A_269 = vector.shape_cast %parallel_loop3A_268 : vector<1x16xf32> to vector<16xf32>
      %parallel_loop3A_270 = vector.shape_cast %parallel_loop3A_265 : vector<16xf32> to vector<1x16xf32>
      tpu.vector_store %arg18[%parallel_loop3A_266, %parallel_loop3A_267], %parallel_loop3A_270 {strides = array<i32>} : memref<32x1536xf32, #tpu.memory_space<vmem>>, vector<1x16xf32>,
      %parallel_loop3A_271 = arith.subf %parallel_loop3A_257, %parallel_loop3A_253 : vector<16xf32>
      %parallel_loop3A_272 = arith.index_cast %parallel_loop3A_27 : i32 to index
      %parallel_loop3A_273 = arith.constant 1120 : index
      %parallel_loop3A_274 = tpu.vector_load %arg18[%parallel_loop3A_272, %parallel_loop3A_273] {strides = array<i32>} : memref<32x1536xf32, #tpu.memory_space<vmem>>, vector<1x16xf32>,
      %parallel_loop3A_275 = vector.shape_cast %parallel_loop3A_274 : vector<1x16xf32> to vector<16xf32>
      %parallel_loop3A_276 = vector.shape_cast %parallel_loop3A_271 : vector<16xf32> to vector<1x16xf32>
      tpu.vector_store %arg18[%parallel_loop3A_272, %parallel_loop3A_273], %parallel_loop3A_276 {strides = array<i32>} : memref<32x1536xf32, #tpu.memory_space<vmem>>, vector<1x16xf32>,
      %parallel_loop3A_277 = arith.index_cast %parallel_loop3A_27 : i32 to index
      %parallel_loop3A_278 = arith.constant 112 : index
      %parallel_loop3A_279 = tpu.vector_load %arg14[%parallel_loop3A_277, %parallel_loop3A_278] {strides = array<i32>} : memref<32x512xf32, #tpu.memory_space<vmem>>, vector<1x16xf32>,
      %parallel_loop3A_280 = vector.shape_cast %parallel_loop3A_279 : vector<1x16xf32> to vector<16xf32>
      %parallel_loop3A_281 = arith.index_cast %parallel_loop3A_27 : i32 to index
      %parallel_loop3A_282 = arith.constant 112 : index
      %parallel_loop3A_283 = tpu.vector_load %arg15[%parallel_loop3A_281, %parallel_loop3A_282] {strides = array<i32>} : memref<32x512xf32, #tpu.memory_space<vmem>>, vector<1x16xf32>,
      %parallel_loop3A_284 = vector.shape_cast %parallel_loop3A_283 : vector<1x16xf32> to vector<16xf32>
      %parallel_loop3A_285 = arith.index_cast %parallel_loop3A_27 : i32 to index
      %parallel_loop3A_286 = arith.constant 112 : index
      %parallel_loop3A_287 = tpu.vector_load %arg16[%parallel_loop3A_285, %parallel_loop3A_286] {strides = array<i32>} : memref<32x512xf32, #tpu.memory_space<vmem>>, vector<1x16xf32>,
      %parallel_loop3A_288 = vector.shape_cast %parallel_loop3A_287 : vector<1x16xf32> to vector<16xf32>
      %parallel_loop3A_289 = arith.index_cast %parallel_loop3A_27 : i32 to index
      %parallel_loop3A_290 = arith.constant 112 : index
      %parallel_loop3A_291 = tpu.vector_load %arg17[%parallel_loop3A_289, %parallel_loop3A_290] {strides = array<i32>} : memref<32x512xf32, #tpu.memory_space<vmem>>, vector<1x16xf32>,
      %parallel_loop3A_292 = vector.shape_cast %parallel_loop3A_291 : vector<1x16xf32> to vector<16xf32>
      %parallel_loop3A_293 = arith.subf %parallel_loop3A_284, %parallel_loop3A_280 : vector<16xf32>
      %parallel_loop3A_294 = arith.index_cast %parallel_loop3A_27 : i32 to index
      %parallel_loop3A_295 = arith.constant 112 : index
      %parallel_loop3A_296 = tpu.vector_load %arg18[%parallel_loop3A_294, %parallel_loop3A_295] {strides = array<i32>} : memref<32x1536xf32, #tpu.memory_space<vmem>>, vector<1x16xf32>,
      %parallel_loop3A_297 = vector.shape_cast %parallel_loop3A_296 : vector<1x16xf32> to vector<16xf32>
      %parallel_loop3A_298 = vector.shape_cast %parallel_loop3A_293 : vector<16xf32> to vector<1x16xf32>
      tpu.vector_store %arg18[%parallel_loop3A_294, %parallel_loop3A_295], %parallel_loop3A_298 {strides = array<i32>} : memref<32x1536xf32, #tpu.memory_space<vmem>>, vector<1x16xf32>,
      %parallel_loop3A_299 = arith.subf %parallel_loop3A_292, %parallel_loop3A_280 : vector<16xf32>
      %parallel_loop3A_300 = arith.mulf %parallel_loop3A_299, %parallel_loop3A_31 : vector<16xf32>
      %parallel_loop3A_301 = arith.index_cast %parallel_loop3A_27 : i32 to index
      %parallel_loop3A_302 = arith.constant 624 : index
      %parallel_loop3A_303 = tpu.vector_load %arg18[%parallel_loop3A_301, %parallel_loop3A_302] {strides = array<i32>} : memref<32x1536xf32, #tpu.memory_space<vmem>>, vector<1x16xf32>,
      %parallel_loop3A_304 = vector.shape_cast %parallel_loop3A_303 : vector<1x16xf32> to vector<16xf32>
      %parallel_loop3A_305 = vector.shape_cast %parallel_loop3A_300 : vector<16xf32> to vector<1x16xf32>
      tpu.vector_store %arg18[%parallel_loop3A_301, %parallel_loop3A_302], %parallel_loop3A_305 {strides = array<i32>} : memref<32x1536xf32, #tpu.memory_space<vmem>>, vector<1x16xf32>,
      %parallel_loop3A_306 = arith.subf %parallel_loop3A_292, %parallel_loop3A_288 : vector<16xf32>
      %parallel_loop3A_307 = arith.index_cast %parallel_loop3A_27 : i32 to index
      %parallel_loop3A_308 = arith.constant 1136 : index
      %parallel_loop3A_309 = tpu.vector_load %arg18[%parallel_loop3A_307, %parallel_loop3A_308] {strides = array<i32>} : memref<32x1536xf32, #tpu.memory_space<vmem>>, vector<1x16xf32>,
      %parallel_loop3A_310 = vector.shape_cast %parallel_loop3A_309 : vector<1x16xf32> to vector<16xf32>
      %parallel_loop3A_311 = vector.shape_cast %parallel_loop3A_306 : vector<16xf32> to vector<1x16xf32>
      tpu.vector_store %arg18[%parallel_loop3A_307, %parallel_loop3A_308], %parallel_loop3A_311 {strides = array<i32>} : memref<32x1536xf32, #tpu.memory_space<vmem>>, vector<1x16xf32>,
      %parallel_loop3A_312 = arith.index_cast %parallel_loop3A_27 : i32 to index
      %parallel_loop3A_313 = arith.constant 128 : index
      %parallel_loop3A_314 = tpu.vector_load %arg14[%parallel_loop3A_312, %parallel_loop3A_313] {strides = array<i32>} : memref<32x512xf32, #tpu.memory_space<vmem>>, vector<1x16xf32>,
      %parallel_loop3A_315 = vector.shape_cast %parallel_loop3A_314 : vector<1x16xf32> to vector<16xf32>
      %parallel_loop3A_316 = arith.index_cast %parallel_loop3A_27 : i32 to index
      %parallel_loop3A_317 = arith.constant 128 : index
      %parallel_loop3A_318 = tpu.vector_load %arg15[%parallel_loop3A_316, %parallel_loop3A_317] {strides = array<i32>} : memref<32x512xf32, #tpu.memory_space<vmem>>, vector<1x16xf32>,
      %parallel_loop3A_319 = vector.shape_cast %parallel_loop3A_318 : vector<1x16xf32> to vector<16xf32>
      %parallel_loop3A_320 = arith.index_cast %parallel_loop3A_27 : i32 to index
      %parallel_loop3A_321 = arith.constant 128 : index
      %parallel_loop3A_322 = tpu.vector_load %arg16[%parallel_loop3A_320, %parallel_loop3A_321] {strides = array<i32>} : memref<32x512xf32, #tpu.memory_space<vmem>>, vector<1x16xf32>,
      %parallel_loop3A_323 = vector.shape_cast %parallel_loop3A_322 : vector<1x16xf32> to vector<16xf32>
      %parallel_loop3A_324 = arith.index_cast %parallel_loop3A_27 : i32 to index
      %parallel_loop3A_325 = arith.constant 128 : index
      %parallel_loop3A_326 = tpu.vector_load %arg17[%parallel_loop3A_324, %parallel_loop3A_325] {strides = array<i32>} : memref<32x512xf32, #tpu.memory_space<vmem>>, vector<1x16xf32>,
      %parallel_loop3A_327 = vector.shape_cast %parallel_loop3A_326 : vector<1x16xf32> to vector<16xf32>
      %parallel_loop3A_328 = arith.subf %parallel_loop3A_319, %parallel_loop3A_315 : vector<16xf32>
      %parallel_loop3A_329 = arith.index_cast %parallel_loop3A_27 : i32 to index
      %parallel_loop3A_330 = arith.constant 128 : index
      %parallel_loop3A_331 = tpu.vector_load %arg18[%parallel_loop3A_329, %parallel_loop3A_330] {strides = array<i32>} : memref<32x1536xf32, #tpu.memory_space<vmem>>, vector<1x16xf32>,
      %parallel_loop3A_332 = vector.shape_cast %parallel_loop3A_331 : vector<1x16xf32> to vector<16xf32>
      %parallel_loop3A_333 = vector.shape_cast %parallel_loop3A_328 : vector<16xf32> to vector<1x16xf32>
      tpu.vector_store %arg18[%parallel_loop3A_329, %parallel_loop3A_330], %parallel_loop3A_333 {strides = array<i32>} : memref<32x1536xf32, #tpu.memory_space<vmem>>, vector<1x16xf32>,
      %parallel_loop3A_334 = arith.subf %parallel_loop3A_327, %parallel_loop3A_315 : vector<16xf32>
      %parallel_loop3A_335 = arith.mulf %parallel_loop3A_334, %parallel_loop3A_31 : vector<16xf32>
      %parallel_loop3A_336 = arith.index_cast %parallel_loop3A_27 : i32 to index
      %parallel_loop3A_337 = arith.constant 640 : index
      %parallel_loop3A_338 = tpu.vector_load %arg18[%parallel_loop3A_336, %parallel_loop3A_337] {strides = array<i32>} : memref<32x1536xf32, #tpu.memory_space<vmem>>, vector<1x16xf32>,
      %parallel_loop3A_339 = vector.shape_cast %parallel_loop3A_338 : vector<1x16xf32> to vector<16xf32>
      %parallel_loop3A_340 = vector.shape_cast %parallel_loop3A_335 : vector<16xf32> to vector<1x16xf32>
      tpu.vector_store %arg18[%parallel_loop3A_336, %parallel_loop3A_337], %parallel_loop3A_340 {strides = array<i32>} : memref<32x1536xf32, #tpu.memory_space<vmem>>, vector<1x16xf32>,
      %parallel_loop3A_341 = arith.subf %parallel_loop3A_327, %parallel_loop3A_323 : vector<16xf32>
      %parallel_loop3A_342 = arith.index_cast %parallel_loop3A_27 : i32 to index
      %parallel_loop3A_343 = arith.constant 1152 : index
      %parallel_loop3A_344 = tpu.vector_load %arg18[%parallel_loop3A_342, %parallel_loop3A_343] {strides = array<i32>} : memref<32x1536xf32, #tpu.memory_space<vmem>>, vector<1x16xf32>,
      %parallel_loop3A_345 = vector.shape_cast %parallel_loop3A_344 : vector<1x16xf32> to vector<16xf32>
      %parallel_loop3A_346 = vector.shape_cast %parallel_loop3A_341 : vector<16xf32> to vector<1x16xf32>
      tpu.vector_store %arg18[%parallel_loop3A_342, %parallel_loop3A_343], %parallel_loop3A_346 {strides = array<i32>} : memref<32x1536xf32, #tpu.memory_space<vmem>>, vector<1x16xf32>,
      %parallel_loop3A_347 = arith.index_cast %parallel_loop3A_27 : i32 to index
      %parallel_loop3A_348 = arith.constant 144 : index
      %parallel_loop3A_349 = tpu.vector_load %arg14[%parallel_loop3A_347, %parallel_loop3A_348] {strides = array<i32>} : memref<32x512xf32, #tpu.memory_space<vmem>>, vector<1x16xf32>,
      %parallel_loop3A_350 = vector.shape_cast %parallel_loop3A_349 : vector<1x16xf32> to vector<16xf32>
      %parallel_loop3A_351 = arith.index_cast %parallel_loop3A_27 : i32 to index
      %parallel_loop3A_352 = arith.constant 144 : index
      %parallel_loop3A_353 = tpu.vector_load %arg15[%parallel_loop3A_351, %parallel_loop3A_352] {strides = array<i32>} : memref<32x512xf32, #tpu.memory_space<vmem>>, vector<1x16xf32>,
      %parallel_loop3A_354 = vector.shape_cast %parallel_loop3A_353 : vector<1x16xf32> to vector<16xf32>
      %parallel_loop3A_355 = arith.index_cast %parallel_loop3A_27 : i32 to index
      %parallel_loop3A_356 = arith.constant 144 : index
      %parallel_loop3A_357 = tpu.vector_load %arg16[%parallel_loop3A_355, %parallel_loop3A_356] {strides = array<i32>} : memref<32x512xf32, #tpu.memory_space<vmem>>, vector<1x16xf32>,
      %parallel_loop3A_358 = vector.shape_cast %parallel_loop3A_357 : vector<1x16xf32> to vector<16xf32>
      %parallel_loop3A_359 = arith.index_cast %parallel_loop3A_27 : i32 to index
      %parallel_loop3A_360 = arith.constant 144 : index
      %parallel_loop3A_361 = tpu.vector_load %arg17[%parallel_loop3A_359, %parallel_loop3A_360] {strides = array<i32>} : memref<32x512xf32, #tpu.memory_space<vmem>>, vector<1x16xf32>,
      %parallel_loop3A_362 = vector.shape_cast %parallel_loop3A_361 : vector<1x16xf32> to vector<16xf32>
      %parallel_loop3A_363 = arith.subf %parallel_loop3A_354, %parallel_loop3A_350 : vector<16xf32>
      %parallel_loop3A_364 = arith.index_cast %parallel_loop3A_27 : i32 to index
      %parallel_loop3A_365 = arith.constant 144 : index
      %parallel_loop3A_366 = tpu.vector_load %arg18[%parallel_loop3A_364, %parallel_loop3A_365] {strides = array<i32>} : memref<32x1536xf32, #tpu.memory_space<vmem>>, vector<1x16xf32>,
      %parallel_loop3A_367 = vector.shape_cast %parallel_loop3A_366 : vector<1x16xf32> to vector<16xf32>
      %parallel_loop3A_368 = vector.shape_cast %parallel_loop3A_363 : vector<16xf32> to vector<1x16xf32>
      tpu.vector_store %arg18[%parallel_loop3A_364, %parallel_loop3A_365], %parallel_loop3A_368 {strides = array<i32>} : memref<32x1536xf32, #tpu.memory_space<vmem>>, vector<1x16xf32>,
      %parallel_loop3A_369 = arith.subf %parallel_loop3A_362, %parallel_loop3A_350 : vector<16xf32>
      %parallel_loop3A_370 = arith.mulf %parallel_loop3A_369, %parallel_loop3A_31 : vector<16xf32>
      %parallel_loop3A_371 = arith.index_cast %parallel_loop3A_27 : i32 to index
      %parallel_loop3A_372 = arith.constant 656 : index
      %parallel_loop3A_373 = tpu.vector_load %arg18[%parallel_loop3A_371, %parallel_loop3A_372] {strides = array<i32>} : memref<32x1536xf32, #tpu.memory_space<vmem>>, vector<1x16xf32>,
      %parallel_loop3A_374 = vector.shape_cast %parallel_loop3A_373 : vector<1x16xf32> to vector<16xf32>
      %parallel_loop3A_375 = vector.shape_cast %parallel_loop3A_370 : vector<16xf32> to vector<1x16xf32>
      tpu.vector_store %arg18[%parallel_loop3A_371, %parallel_loop3A_372], %parallel_loop3A_375 {strides = array<i32>} : memref<32x1536xf32, #tpu.memory_space<vmem>>, vector<1x16xf32>,
      %parallel_loop3A_376 = arith.subf %parallel_loop3A_362, %parallel_loop3A_358 : vector<16xf32>
      %parallel_loop3A_377 = arith.index_cast %parallel_loop3A_27 : i32 to index
      %parallel_loop3A_378 = arith.constant 1168 : index
      %parallel_loop3A_379 = tpu.vector_load %arg18[%parallel_loop3A_377, %parallel_loop3A_378] {strides = array<i32>} : memref<32x1536xf32, #tpu.memory_space<vmem>>, vector<1x16xf32>,
      %parallel_loop3A_380 = vector.shape_cast %parallel_loop3A_379 : vector<1x16xf32> to vector<16xf32>
      %parallel_loop3A_381 = vector.shape_cast %parallel_loop3A_376 : vector<16xf32> to vector<1x16xf32>
      tpu.vector_store %arg18[%parallel_loop3A_377, %parallel_loop3A_378], %parallel_loop3A_381 {strides = array<i32>} : memref<32x1536xf32, #tpu.memory_space<vmem>>, vector<1x16xf32>,
      %parallel_loop3A_382 = arith.index_cast %parallel_loop3A_27 : i32 to index
      %parallel_loop3A_383 = arith.constant 160 : index
      %parallel_loop3A_384 = tpu.vector_load %arg14[%parallel_loop3A_382, %parallel_loop3A_383] {strides = array<i32>} : memref<32x512xf32, #tpu.memory_space<vmem>>, vector<1x16xf32>,
      %parallel_loop3A_385 = vector.shape_cast %parallel_loop3A_384 : vector<1x16xf32> to vector<16xf32>
      %parallel_loop3A_386 = arith.index_cast %parallel_loop3A_27 : i32 to index
      %parallel_loop3A_387 = arith.constant 160 : index
      %parallel_loop3A_388 = tpu.vector_load %arg15[%parallel_loop3A_386, %parallel_loop3A_387] {strides = array<i32>} : memref<32x512xf32, #tpu.memory_space<vmem>>, vector<1x16xf32>,
      %parallel_loop3A_389 = vector.shape_cast %parallel_loop3A_388 : vector<1x16xf32> to vector<16xf32>
      %parallel_loop3A_390 = arith.index_cast %parallel_loop3A_27 : i32 to index
      %parallel_loop3A_391 = arith.constant 160 : index
      %parallel_loop3A_392 = tpu.vector_load %arg16[%parallel_loop3A_390, %parallel_loop3A_391] {strides = array<i32>} : memref<32x512xf32, #tpu.memory_space<vmem>>, vector<1x16xf32>,
      %parallel_loop3A_393 = vector.shape_cast %parallel_loop3A_392 : vector<1x16xf32> to vector<16xf32>
      %parallel_loop3A_394 = arith.index_cast %parallel_loop3A_27 : i32 to index
      %parallel_loop3A_395 = arith.constant 160 : index
      %parallel_loop3A_396 = tpu.vector_load %arg17[%parallel_loop3A_394, %parallel_loop3A_395] {strides = array<i32>} : memref<32x512xf32, #tpu.memory_space<vmem>>, vector<1x16xf32>,
      %parallel_loop3A_397 = vector.shape_cast %parallel_loop3A_396 : vector<1x16xf32> to vector<16xf32>
      %parallel_loop3A_398 = arith.subf %parallel_loop3A_389, %parallel_loop3A_385 : vector<16xf32>
      %parallel_loop3A_399 = arith.index_cast %parallel_loop3A_27 : i32 to index
      %parallel_loop3A_400 = arith.constant 160 : index
      %parallel_loop3A_401 = tpu.vector_load %arg18[%parallel_loop3A_399, %parallel_loop3A_400] {strides = array<i32>} : memref<32x1536xf32, #tpu.memory_space<vmem>>, vector<1x16xf32>,
      %parallel_loop3A_402 = vector.shape_cast %parallel_loop3A_401 : vector<1x16xf32> to vector<16xf32>
      %parallel_loop3A_403 = vector.shape_cast %parallel_loop3A_398 : vector<16xf32> to vector<1x16xf32>
      tpu.vector_store %arg18[%parallel_loop3A_399, %parallel_loop3A_400], %parallel_loop3A_403 {strides = array<i32>} : memref<32x1536xf32, #tpu.memory_space<vmem>>, vector<1x16xf32>,
      %parallel_loop3A_404 = arith.subf %parallel_loop3A_397, %parallel_loop3A_385 : vector<16xf32>
      %parallel_loop3A_405 = arith.mulf %parallel_loop3A_404, %parallel_loop3A_31 : vector<16xf32>
      %parallel_loop3A_406 = arith.index_cast %parallel_loop3A_27 : i32 to index
      %parallel_loop3A_407 = arith.constant 672 : index
      %parallel_loop3A_408 = tpu.vector_load %arg18[%parallel_loop3A_406, %parallel_loop3A_407] {strides = array<i32>} : memref<32x1536xf32, #tpu.memory_space<vmem>>, vector<1x16xf32>,
      %parallel_loop3A_409 = vector.shape_cast %parallel_loop3A_408 : vector<1x16xf32> to vector<16xf32>
      %parallel_loop3A_410 = vector.shape_cast %parallel_loop3A_405 : vector<16xf32> to vector<1x16xf32>
      tpu.vector_store %arg18[%parallel_loop3A_406, %parallel_loop3A_407], %parallel_loop3A_410 {strides = array<i32>} : memref<32x1536xf32, #tpu.memory_space<vmem>>, vector<1x16xf32>,
      %parallel_loop3A_411 = arith.subf %parallel_loop3A_397, %parallel_loop3A_393 : vector<16xf32>
      %parallel_loop3A_412 = arith.index_cast %parallel_loop3A_27 : i32 to index
      %parallel_loop3A_413 = arith.constant 1184 : index
      %parallel_loop3A_414 = tpu.vector_load %arg18[%parallel_loop3A_412, %parallel_loop3A_413] {strides = array<i32>} : memref<32x1536xf32, #tpu.memory_space<vmem>>, vector<1x16xf32>,
      %parallel_loop3A_415 = vector.shape_cast %parallel_loop3A_414 : vector<1x16xf32> to vector<16xf32>
      %parallel_loop3A_416 = vector.shape_cast %parallel_loop3A_411 : vector<16xf32> to vector<1x16xf32>
      tpu.vector_store %arg18[%parallel_loop3A_412, %parallel_loop3A_413], %parallel_loop3A_416 {strides = array<i32>} : memref<32x1536xf32, #tpu.memory_space<vmem>>, vector<1x16xf32>,
      %parallel_loop3A_417 = arith.index_cast %parallel_loop3A_27 : i32 to index
      %parallel_loop3A_418 = arith.constant 176 : index
      %parallel_loop3A_419 = tpu.vector_load %arg14[%parallel_loop3A_417, %parallel_loop3A_418] {strides = array<i32>} : memref<32x512xf32, #tpu.memory_space<vmem>>, vector<1x16xf32>,
      %parallel_loop3A_420 = vector.shape_cast %parallel_loop3A_419 : vector<1x16xf32> to vector<16xf32>
      %parallel_loop3A_421 = arith.index_cast %parallel_loop3A_27 : i32 to index
      %parallel_loop3A_422 = arith.constant 176 : index
      %parallel_loop3A_423 = tpu.vector_load %arg15[%parallel_loop3A_421, %parallel_loop3A_422] {strides = array<i32>} : memref<32x512xf32, #tpu.memory_space<vmem>>, vector<1x16xf32>,
      %parallel_loop3A_424 = vector.shape_cast %parallel_loop3A_423 : vector<1x16xf32> to vector<16xf32>
      %parallel_loop3A_425 = arith.index_cast %parallel_loop3A_27 : i32 to index
      %parallel_loop3A_426 = arith.constant 176 : index
      %parallel_loop3A_427 = tpu.vector_load %arg16[%parallel_loop3A_425, %parallel_loop3A_426] {strides = array<i32>} : memref<32x512xf32, #tpu.memory_space<vmem>>, vector<1x16xf32>,
      %parallel_loop3A_428 = vector.shape_cast %parallel_loop3A_427 : vector<1x16xf32> to vector<16xf32>
      %parallel_loop3A_429 = arith.index_cast %parallel_loop3A_27 : i32 to index
      %parallel_loop3A_430 = arith.constant 176 : index
      %parallel_loop3A_431 = tpu.vector_load %arg17[%parallel_loop3A_429, %parallel_loop3A_430] {strides = array<i32>} : memref<32x512xf32, #tpu.memory_space<vmem>>, vector<1x16xf32>,
      %parallel_loop3A_432 = vector.shape_cast %parallel_loop3A_431 : vector<1x16xf32> to vector<16xf32>
      %parallel_loop3A_433 = arith.subf %parallel_loop3A_424, %parallel_loop3A_420 : vector<16xf32>
      %parallel_loop3A_434 = arith.index_cast %parallel_loop3A_27 : i32 to index
      %parallel_loop3A_435 = arith.constant 176 : index
      %parallel_loop3A_436 = tpu.vector_load %arg18[%parallel_loop3A_434, %parallel_loop3A_435] {strides = array<i32>} : memref<32x1536xf32, #tpu.memory_space<vmem>>, vector<1x16xf32>,
      %parallel_loop3A_437 = vector.shape_cast %parallel_loop3A_436 : vector<1x16xf32> to vector<16xf32>
      %parallel_loop3A_438 = vector.shape_cast %parallel_loop3A_433 : vector<16xf32> to vector<1x16xf32>
      tpu.vector_store %arg18[%parallel_loop3A_434, %parallel_loop3A_435], %parallel_loop3A_438 {strides = array<i32>} : memref<32x1536xf32, #tpu.memory_space<vmem>>, vector<1x16xf32>,
      %parallel_loop3A_439 = arith.subf %parallel_loop3A_432, %parallel_loop3A_420 : vector<16xf32>
      %parallel_loop3A_440 = arith.mulf %parallel_loop3A_439, %parallel_loop3A_31 : vector<16xf32>
      %parallel_loop3A_441 = arith.index_cast %parallel_loop3A_27 : i32 to index
      %parallel_loop3A_442 = arith.constant 688 : index
      %parallel_loop3A_443 = tpu.vector_load %arg18[%parallel_loop3A_441, %parallel_loop3A_442] {strides = array<i32>} : memref<32x1536xf32, #tpu.memory_space<vmem>>, vector<1x16xf32>,
      %parallel_loop3A_444 = vector.shape_cast %parallel_loop3A_443 : vector<1x16xf32> to vector<16xf32>
      %parallel_loop3A_445 = vector.shape_cast %parallel_loop3A_440 : vector<16xf32> to vector<1x16xf32>
      tpu.vector_store %arg18[%parallel_loop3A_441, %parallel_loop3A_442], %parallel_loop3A_445 {strides = array<i32>} : memref<32x1536xf32, #tpu.memory_space<vmem>>, vector<1x16xf32>,
      %parallel_loop3A_446 = arith.subf %parallel_loop3A_432, %parallel_loop3A_428 : vector<16xf32>
      %parallel_loop3A_447 = arith.index_cast %parallel_loop3A_27 : i32 to index
      %parallel_loop3A_448 = arith.constant 1200 : index
      %parallel_loop3A_449 = tpu.vector_load %arg18[%parallel_loop3A_447, %parallel_loop3A_448] {strides = array<i32>} : memref<32x1536xf32, #tpu.memory_space<vmem>>, vector<1x16xf32>,
      %parallel_loop3A_450 = vector.shape_cast %parallel_loop3A_449 : vector<1x16xf32> to vector<16xf32>
      %parallel_loop3A_451 = vector.shape_cast %parallel_loop3A_446 : vector<16xf32> to vector<1x16xf32>
      tpu.vector_store %arg18[%parallel_loop3A_447, %parallel_loop3A_448], %parallel_loop3A_451 {strides = array<i32>} : memref<32x1536xf32, #tpu.memory_space<vmem>>, vector<1x16xf32>,
      %parallel_loop3A_452 = arith.index_cast %parallel_loop3A_27 : i32 to index
      %parallel_loop3A_453 = arith.constant 192 : index
      %parallel_loop3A_454 = tpu.vector_load %arg14[%parallel_loop3A_452, %parallel_loop3A_453] {strides = array<i32>} : memref<32x512xf32, #tpu.memory_space<vmem>>, vector<1x16xf32>,
      %parallel_loop3A_455 = vector.shape_cast %parallel_loop3A_454 : vector<1x16xf32> to vector<16xf32>
      %parallel_loop3A_456 = arith.index_cast %parallel_loop3A_27 : i32 to index
      %parallel_loop3A_457 = arith.constant 192 : index
      %parallel_loop3A_458 = tpu.vector_load %arg15[%parallel_loop3A_456, %parallel_loop3A_457] {strides = array<i32>} : memref<32x512xf32, #tpu.memory_space<vmem>>, vector<1x16xf32>,
      %parallel_loop3A_459 = vector.shape_cast %parallel_loop3A_458 : vector<1x16xf32> to vector<16xf32>
      %parallel_loop3A_460 = arith.index_cast %parallel_loop3A_27 : i32 to index
      %parallel_loop3A_461 = arith.constant 192 : index
      %parallel_loop3A_462 = tpu.vector_load %arg16[%parallel_loop3A_460, %parallel_loop3A_461] {strides = array<i32>} : memref<32x512xf32, #tpu.memory_space<vmem>>, vector<1x16xf32>,
      %parallel_loop3A_463 = vector.shape_cast %parallel_loop3A_462 : vector<1x16xf32> to vector<16xf32>
      %parallel_loop3A_464 = arith.index_cast %parallel_loop3A_27 : i32 to index
      %parallel_loop3A_465 = arith.constant 192 : index
      %parallel_loop3A_466 = tpu.vector_load %arg17[%parallel_loop3A_464, %parallel_loop3A_465] {strides = array<i32>} : memref<32x512xf32, #tpu.memory_space<vmem>>, vector<1x16xf32>,
      %parallel_loop3A_467 = vector.shape_cast %parallel_loop3A_466 : vector<1x16xf32> to vector<16xf32>
      %parallel_loop3A_468 = arith.subf %parallel_loop3A_459, %parallel_loop3A_455 : vector<16xf32>
      %parallel_loop3A_469 = arith.index_cast %parallel_loop3A_27 : i32 to index
      %parallel_loop3A_470 = arith.constant 192 : index
      %parallel_loop3A_471 = tpu.vector_load %arg18[%parallel_loop3A_469, %parallel_loop3A_470] {strides = array<i32>} : memref<32x1536xf32, #tpu.memory_space<vmem>>, vector<1x16xf32>,
      %parallel_loop3A_472 = vector.shape_cast %parallel_loop3A_471 : vector<1x16xf32> to vector<16xf32>
      %parallel_loop3A_473 = vector.shape_cast %parallel_loop3A_468 : vector<16xf32> to vector<1x16xf32>
      tpu.vector_store %arg18[%parallel_loop3A_469, %parallel_loop3A_470], %parallel_loop3A_473 {strides = array<i32>} : memref<32x1536xf32, #tpu.memory_space<vmem>>, vector<1x16xf32>,
      %parallel_loop3A_474 = arith.subf %parallel_loop3A_467, %parallel_loop3A_455 : vector<16xf32>
      %parallel_loop3A_475 = arith.mulf %parallel_loop3A_474, %parallel_loop3A_31 : vector<16xf32>
      %parallel_loop3A_476 = arith.index_cast %parallel_loop3A_27 : i32 to index
      %parallel_loop3A_477 = arith.constant 704 : index
      %parallel_loop3A_478 = tpu.vector_load %arg18[%parallel_loop3A_476, %parallel_loop3A_477] {strides = array<i32>} : memref<32x1536xf32, #tpu.memory_space<vmem>>, vector<1x16xf32>,
      %parallel_loop3A_479 = vector.shape_cast %parallel_loop3A_478 : vector<1x16xf32> to vector<16xf32>
      %parallel_loop3A_480 = vector.shape_cast %parallel_loop3A_475 : vector<16xf32> to vector<1x16xf32>
      tpu.vector_store %arg18[%parallel_loop3A_476, %parallel_loop3A_477], %parallel_loop3A_480 {strides = array<i32>} : memref<32x1536xf32, #tpu.memory_space<vmem>>, vector<1x16xf32>,
      %parallel_loop3A_481 = arith.subf %parallel_loop3A_467, %parallel_loop3A_463 : vector<16xf32>
      %parallel_loop3A_482 = arith.index_cast %parallel_loop3A_27 : i32 to index
      %parallel_loop3A_483 = arith.constant 1216 : index
      %parallel_loop3A_484 = tpu.vector_load %arg18[%parallel_loop3A_482, %parallel_loop3A_483] {strides = array<i32>} : memref<32x1536xf32, #tpu.memory_space<vmem>>, vector<1x16xf32>,
      %parallel_loop3A_485 = vector.shape_cast %parallel_loop3A_484 : vector<1x16xf32> to vector<16xf32>
      %parallel_loop3A_486 = vector.shape_cast %parallel_loop3A_481 : vector<16xf32> to vector<1x16xf32>
      tpu.vector_store %arg18[%parallel_loop3A_482, %parallel_loop3A_483], %parallel_loop3A_486 {strides = array<i32>} : memref<32x1536xf32, #tpu.memory_space<vmem>>, vector<1x16xf32>,
      %parallel_loop3A_487 = arith.index_cast %parallel_loop3A_27 : i32 to index
      %parallel_loop3A_488 = arith.constant 208 : index
      %parallel_loop3A_489 = tpu.vector_load %arg14[%parallel_loop3A_487, %parallel_loop3A_488] {strides = array<i32>} : memref<32x512xf32, #tpu.memory_space<vmem>>, vector<1x16xf32>,
      %parallel_loop3A_490 = vector.shape_cast %parallel_loop3A_489 : vector<1x16xf32> to vector<16xf32>
      %parallel_loop3A_491 = arith.index_cast %parallel_loop3A_27 : i32 to index
      %parallel_loop3A_492 = arith.constant 208 : index
      %parallel_loop3A_493 = tpu.vector_load %arg15[%parallel_loop3A_491, %parallel_loop3A_492] {strides = array<i32>} : memref<32x512xf32, #tpu.memory_space<vmem>>, vector<1x16xf32>,
      %parallel_loop3A_494 = vector.shape_cast %parallel_loop3A_493 : vector<1x16xf32> to vector<16xf32>
      %parallel_loop3A_495 = arith.index_cast %parallel_loop3A_27 : i32 to index
      %parallel_loop3A_496 = arith.constant 208 : index
      %parallel_loop3A_497 = tpu.vector_load %arg16[%parallel_loop3A_495, %parallel_loop3A_496] {strides = array<i32>} : memref<32x512xf32, #tpu.memory_space<vmem>>, vector<1x16xf32>,
      %parallel_loop3A_498 = vector.shape_cast %parallel_loop3A_497 : vector<1x16xf32> to vector<16xf32>
      %parallel_loop3A_499 = arith.index_cast %parallel_loop3A_27 : i32 to index
      %parallel_loop3A_500 = arith.constant 208 : index
      %parallel_loop3A_501 = tpu.vector_load %arg17[%parallel_loop3A_499, %parallel_loop3A_500] {strides = array<i32>} : memref<32x512xf32, #tpu.memory_space<vmem>>, vector<1x16xf32>,
      %parallel_loop3A_502 = vector.shape_cast %parallel_loop3A_501 : vector<1x16xf32> to vector<16xf32>
      %parallel_loop3A_503 = arith.subf %parallel_loop3A_494, %parallel_loop3A_490 : vector<16xf32>
      %parallel_loop3A_504 = arith.index_cast %parallel_loop3A_27 : i32 to index
      %parallel_loop3A_505 = arith.constant 208 : index
      %parallel_loop3A_506 = tpu.vector_load %arg18[%parallel_loop3A_504, %parallel_loop3A_505] {strides = array<i32>} : memref<32x1536xf32, #tpu.memory_space<vmem>>, vector<1x16xf32>,
      %parallel_loop3A_507 = vector.shape_cast %parallel_loop3A_506 : vector<1x16xf32> to vector<16xf32>
      %parallel_loop3A_508 = vector.shape_cast %parallel_loop3A_503 : vector<16xf32> to vector<1x16xf32>
      tpu.vector_store %arg18[%parallel_loop3A_504, %parallel_loop3A_505], %parallel_loop3A_508 {strides = array<i32>} : memref<32x1536xf32, #tpu.memory_space<vmem>>, vector<1x16xf32>,
      %parallel_loop3A_509 = arith.subf %parallel_loop3A_502, %parallel_loop3A_490 : vector<16xf32>
      %parallel_loop3A_510 = arith.mulf %parallel_loop3A_509, %parallel_loop3A_31 : vector<16xf32>
      %parallel_loop3A_511 = arith.index_cast %parallel_loop3A_27 : i32 to index
      %parallel_loop3A_512 = arith.constant 720 : index
      %parallel_loop3A_513 = tpu.vector_load %arg18[%parallel_loop3A_511, %parallel_loop3A_512] {strides = array<i32>} : memref<32x1536xf32, #tpu.memory_space<vmem>>, vector<1x16xf32>,
      %parallel_loop3A_514 = vector.shape_cast %parallel_loop3A_513 : vector<1x16xf32> to vector<16xf32>
      %parallel_loop3A_515 = vector.shape_cast %parallel_loop3A_510 : vector<16xf32> to vector<1x16xf32>
      tpu.vector_store %arg18[%parallel_loop3A_511, %parallel_loop3A_512], %parallel_loop3A_515 {strides = array<i32>} : memref<32x1536xf32, #tpu.memory_space<vmem>>, vector<1x16xf32>,
      %parallel_loop3A_516 = arith.subf %parallel_loop3A_502, %parallel_loop3A_498 : vector<16xf32>
      %parallel_loop3A_517 = arith.index_cast %parallel_loop3A_27 : i32 to index
      %parallel_loop3A_518 = arith.constant 1232 : index
      %parallel_loop3A_519 = tpu.vector_load %arg18[%parallel_loop3A_517, %parallel_loop3A_518] {strides = array<i32>} : memref<32x1536xf32, #tpu.memory_space<vmem>>, vector<1x16xf32>,
      %parallel_loop3A_520 = vector.shape_cast %parallel_loop3A_519 : vector<1x16xf32> to vector<16xf32>
      %parallel_loop3A_521 = vector.shape_cast %parallel_loop3A_516 : vector<16xf32> to vector<1x16xf32>
      tpu.vector_store %arg18[%parallel_loop3A_517, %parallel_loop3A_518], %parallel_loop3A_521 {strides = array<i32>} : memref<32x1536xf32, #tpu.memory_space<vmem>>, vector<1x16xf32>,
      %parallel_loop3A_522 = arith.index_cast %parallel_loop3A_27 : i32 to index
      %parallel_loop3A_523 = arith.constant 224 : index
      %parallel_loop3A_524 = tpu.vector_load %arg14[%parallel_loop3A_522, %parallel_loop3A_523] {strides = array<i32>} : memref<32x512xf32, #tpu.memory_space<vmem>>, vector<1x16xf32>,
      %parallel_loop3A_525 = vector.shape_cast %parallel_loop3A_524 : vector<1x16xf32> to vector<16xf32>
      %parallel_loop3A_526 = arith.index_cast %parallel_loop3A_27 : i32 to index
      %parallel_loop3A_527 = arith.constant 224 : index
      %parallel_loop3A_528 = tpu.vector_load %arg15[%parallel_loop3A_526, %parallel_loop3A_527] {strides = array<i32>} : memref<32x512xf32, #tpu.memory_space<vmem>>, vector<1x16xf32>,
      %parallel_loop3A_529 = vector.shape_cast %parallel_loop3A_528 : vector<1x16xf32> to vector<16xf32>
      %parallel_loop3A_530 = arith.index_cast %parallel_loop3A_27 : i32 to index
      %parallel_loop3A_531 = arith.constant 224 : index
      %parallel_loop3A_532 = tpu.vector_load %arg16[%parallel_loop3A_530, %parallel_loop3A_531] {strides = array<i32>} : memref<32x512xf32, #tpu.memory_space<vmem>>, vector<1x16xf32>,
      %parallel_loop3A_533 = vector.shape_cast %parallel_loop3A_532 : vector<1x16xf32> to vector<16xf32>
      %parallel_loop3A_534 = arith.index_cast %parallel_loop3A_27 : i32 to index
      %parallel_loop3A_535 = arith.constant 224 : index
      %parallel_loop3A_536 = tpu.vector_load %arg17[%parallel_loop3A_534, %parallel_loop3A_535] {strides = array<i32>} : memref<32x512xf32, #tpu.memory_space<vmem>>, vector<1x16xf32>,
      %parallel_loop3A_537 = vector.shape_cast %parallel_loop3A_536 : vector<1x16xf32> to vector<16xf32>
      %parallel_loop3A_538 = arith.subf %parallel_loop3A_529, %parallel_loop3A_525 : vector<16xf32>
      %parallel_loop3A_539 = arith.index_cast %parallel_loop3A_27 : i32 to index
      %parallel_loop3A_540 = arith.constant 224 : index
      %parallel_loop3A_541 = tpu.vector_load %arg18[%parallel_loop3A_539, %parallel_loop3A_540] {strides = array<i32>} : memref<32x1536xf32, #tpu.memory_space<vmem>>, vector<1x16xf32>,
      %parallel_loop3A_542 = vector.shape_cast %parallel_loop3A_541 : vector<1x16xf32> to vector<16xf32>
      %parallel_loop3A_543 = vector.shape_cast %parallel_loop3A_538 : vector<16xf32> to vector<1x16xf32>
      tpu.vector_store %arg18[%parallel_loop3A_539, %parallel_loop3A_540], %parallel_loop3A_543 {strides = array<i32>} : memref<32x1536xf32, #tpu.memory_space<vmem>>, vector<1x16xf32>,
      %parallel_loop3A_544 = arith.subf %parallel_loop3A_537, %parallel_loop3A_525 : vector<16xf32>
      %parallel_loop3A_545 = arith.mulf %parallel_loop3A_544, %parallel_loop3A_31 : vector<16xf32>
      %parallel_loop3A_546 = arith.index_cast %parallel_loop3A_27 : i32 to index
      %parallel_loop3A_547 = arith.constant 736 : index
      %parallel_loop3A_548 = tpu.vector_load %arg18[%parallel_loop3A_546, %parallel_loop3A_547] {strides = array<i32>} : memref<32x1536xf32, #tpu.memory_space<vmem>>, vector<1x16xf32>,
      %parallel_loop3A_549 = vector.shape_cast %parallel_loop3A_548 : vector<1x16xf32> to vector<16xf32>
      %parallel_loop3A_550 = vector.shape_cast %parallel_loop3A_545 : vector<16xf32> to vector<1x16xf32>
      tpu.vector_store %arg18[%parallel_loop3A_546, %parallel_loop3A_547], %parallel_loop3A_550 {strides = array<i32>} : memref<32x1536xf32, #tpu.memory_space<vmem>>, vector<1x16xf32>,
      %parallel_loop3A_551 = arith.subf %parallel_loop3A_537, %parallel_loop3A_533 : vector<16xf32>
      %parallel_loop3A_552 = arith.index_cast %parallel_loop3A_27 : i32 to index
      %parallel_loop3A_553 = arith.constant 1248 : index
      %parallel_loop3A_554 = tpu.vector_load %arg18[%parallel_loop3A_552, %parallel_loop3A_553] {strides = array<i32>} : memref<32x1536xf32, #tpu.memory_space<vmem>>, vector<1x16xf32>,
      %parallel_loop3A_555 = vector.shape_cast %parallel_loop3A_554 : vector<1x16xf32> to vector<16xf32>
      %parallel_loop3A_556 = vector.shape_cast %parallel_loop3A_551 : vector<16xf32> to vector<1x16xf32>
      tpu.vector_store %arg18[%parallel_loop3A_552, %parallel_loop3A_553], %parallel_loop3A_556 {strides = array<i32>} : memref<32x1536xf32, #tpu.memory_space<vmem>>, vector<1x16xf32>,
      %parallel_loop3A_557 = arith.index_cast %parallel_loop3A_27 : i32 to index
      %parallel_loop3A_558 = arith.constant 240 : index
      %parallel_loop3A_559 = tpu.vector_load %arg14[%parallel_loop3A_557, %parallel_loop3A_558] {strides = array<i32>} : memref<32x512xf32, #tpu.memory_space<vmem>>, vector<1x16xf32>,
      %parallel_loop3A_560 = vector.shape_cast %parallel_loop3A_559 : vector<1x16xf32> to vector<16xf32>
      %parallel_loop3A_561 = arith.index_cast %parallel_loop3A_27 : i32 to index
      %parallel_loop3A_562 = arith.constant 240 : index
      %parallel_loop3A_563 = tpu.vector_load %arg15[%parallel_loop3A_561, %parallel_loop3A_562] {strides = array<i32>} : memref<32x512xf32, #tpu.memory_space<vmem>>, vector<1x16xf32>,
      %parallel_loop3A_564 = vector.shape_cast %parallel_loop3A_563 : vector<1x16xf32> to vector<16xf32>
      %parallel_loop3A_565 = arith.index_cast %parallel_loop3A_27 : i32 to index
      %parallel_loop3A_566 = arith.constant 240 : index
      %parallel_loop3A_567 = tpu.vector_load %arg16[%parallel_loop3A_565, %parallel_loop3A_566] {strides = array<i32>} : memref<32x512xf32, #tpu.memory_space<vmem>>, vector<1x16xf32>,
      %parallel_loop3A_568 = vector.shape_cast %parallel_loop3A_567 : vector<1x16xf32> to vector<16xf32>
      %parallel_loop3A_569 = arith.index_cast %parallel_loop3A_27 : i32 to index
      %parallel_loop3A_570 = arith.constant 240 : index
      %parallel_loop3A_571 = tpu.vector_load %arg17[%parallel_loop3A_569, %parallel_loop3A_570] {strides = array<i32>} : memref<32x512xf32, #tpu.memory_space<vmem>>, vector<1x16xf32>,
      %parallel_loop3A_572 = vector.shape_cast %parallel_loop3A_571 : vector<1x16xf32> to vector<16xf32>
      %parallel_loop3A_573 = arith.subf %parallel_loop3A_564, %parallel_loop3A_560 : vector<16xf32>
      %parallel_loop3A_574 = arith.index_cast %parallel_loop3A_27 : i32 to index
      %parallel_loop3A_575 = arith.constant 240 : index
      %parallel_loop3A_576 = tpu.vector_load %arg18[%parallel_loop3A_574, %parallel_loop3A_575] {strides = array<i32>} : memref<32x1536xf32, #tpu.memory_space<vmem>>, vector<1x16xf32>,
      %parallel_loop3A_577 = vector.shape_cast %parallel_loop3A_576 : vector<1x16xf32> to vector<16xf32>
      %parallel_loop3A_578 = vector.shape_cast %parallel_loop3A_573 : vector<16xf32> to vector<1x16xf32>
      tpu.vector_store %arg18[%parallel_loop3A_574, %parallel_loop3A_575], %parallel_loop3A_578 {strides = array<i32>} : memref<32x1536xf32, #tpu.memory_space<vmem>>, vector<1x16xf32>,
      %parallel_loop3A_579 = arith.subf %parallel_loop3A_572, %parallel_loop3A_560 : vector<16xf32>
      %parallel_loop3A_580 = arith.mulf %parallel_loop3A_579, %parallel_loop3A_31 : vector<16xf32>
      %parallel_loop3A_581 = arith.index_cast %parallel_loop3A_27 : i32 to index
      %parallel_loop3A_582 = arith.constant 752 : index
      %parallel_loop3A_583 = tpu.vector_load %arg18[%parallel_loop3A_581, %parallel_loop3A_582] {strides = array<i32>} : memref<32x1536xf32, #tpu.memory_space<vmem>>, vector<1x16xf32>,
      %parallel_loop3A_584 = vector.shape_cast %parallel_loop3A_583 : vector<1x16xf32> to vector<16xf32>
      %parallel_loop3A_585 = vector.shape_cast %parallel_loop3A_580 : vector<16xf32> to vector<1x16xf32>
      tpu.vector_store %arg18[%parallel_loop3A_581, %parallel_loop3A_582], %parallel_loop3A_585 {strides = array<i32>} : memref<32x1536xf32, #tpu.memory_space<vmem>>, vector<1x16xf32>,
      %parallel_loop3A_586 = arith.subf %parallel_loop3A_572, %parallel_loop3A_568 : vector<16xf32>
      %parallel_loop3A_587 = arith.index_cast %parallel_loop3A_27 : i32 to index
      %parallel_loop3A_588 = arith.constant 1264 : index
      %parallel_loop3A_589 = tpu.vector_load %arg18[%parallel_loop3A_587, %parallel_loop3A_588] {strides = array<i32>} : memref<32x1536xf32, #tpu.memory_space<vmem>>, vector<1x16xf32>,
      %parallel_loop3A_590 = vector.shape_cast %parallel_loop3A_589 : vector<1x16xf32> to vector<16xf32>
      %parallel_loop3A_591 = vector.shape_cast %parallel_loop3A_586 : vector<16xf32> to vector<1x16xf32>
      tpu.vector_store %arg18[%parallel_loop3A_587, %parallel_loop3A_588], %parallel_loop3A_591 {strides = array<i32>} : memref<32x1536xf32, #tpu.memory_space<vmem>>, vector<1x16xf32>,
      %parallel_loop3A_592 = arith.index_cast %parallel_loop3A_27 : i32 to index
      %parallel_loop3A_593 = arith.constant 256 : index
      %parallel_loop3A_594 = tpu.vector_load %arg14[%parallel_loop3A_592, %parallel_loop3A_593] {strides = array<i32>} : memref<32x512xf32, #tpu.memory_space<vmem>>, vector<1x16xf32>,
      %parallel_loop3A_595 = vector.shape_cast %parallel_loop3A_594 : vector<1x16xf32> to vector<16xf32>
      %parallel_loop3A_596 = arith.index_cast %parallel_loop3A_27 : i32 to index
      %parallel_loop3A_597 = arith.constant 256 : index
      %parallel_loop3A_598 = tpu.vector_load %arg15[%parallel_loop3A_596, %parallel_loop3A_597] {strides = array<i32>} : memref<32x512xf32, #tpu.memory_space<vmem>>, vector<1x16xf32>,
      %parallel_loop3A_599 = vector.shape_cast %parallel_loop3A_598 : vector<1x16xf32> to vector<16xf32>
      %parallel_loop3A_600 = arith.index_cast %parallel_loop3A_27 : i32 to index
      %parallel_loop3A_601 = arith.constant 256 : index
      %parallel_loop3A_602 = tpu.vector_load %arg16[%parallel_loop3A_600, %parallel_loop3A_601] {strides = array<i32>} : memref<32x512xf32, #tpu.memory_space<vmem>>, vector<1x16xf32>,
      %parallel_loop3A_603 = vector.shape_cast %parallel_loop3A_602 : vector<1x16xf32> to vector<16xf32>
      %parallel_loop3A_604 = arith.index_cast %parallel_loop3A_27 : i32 to index
      %parallel_loop3A_605 = arith.constant 256 : index
      %parallel_loop3A_606 = tpu.vector_load %arg17[%parallel_loop3A_604, %parallel_loop3A_605] {strides = array<i32>} : memref<32x512xf32, #tpu.memory_space<vmem>>, vector<1x16xf32>,
      %parallel_loop3A_607 = vector.shape_cast %parallel_loop3A_606 : vector<1x16xf32> to vector<16xf32>
      %parallel_loop3A_608 = arith.subf %parallel_loop3A_599, %parallel_loop3A_595 : vector<16xf32>
      %parallel_loop3A_609 = arith.index_cast %parallel_loop3A_27 : i32 to index
      %parallel_loop3A_610 = arith.constant 256 : index
      %parallel_loop3A_611 = tpu.vector_load %arg18[%parallel_loop3A_609, %parallel_loop3A_610] {strides = array<i32>} : memref<32x1536xf32, #tpu.memory_space<vmem>>, vector<1x16xf32>,
      %parallel_loop3A_612 = vector.shape_cast %parallel_loop3A_611 : vector<1x16xf32> to vector<16xf32>
      %parallel_loop3A_613 = vector.shape_cast %parallel_loop3A_608 : vector<16xf32> to vector<1x16xf32>
      tpu.vector_store %arg18[%parallel_loop3A_609, %parallel_loop3A_610], %parallel_loop3A_613 {strides = array<i32>} : memref<32x1536xf32, #tpu.memory_space<vmem>>, vector<1x16xf32>,
      %parallel_loop3A_614 = arith.subf %parallel_loop3A_607, %parallel_loop3A_595 : vector<16xf32>
      %parallel_loop3A_615 = arith.mulf %parallel_loop3A_614, %parallel_loop3A_31 : vector<16xf32>
      %parallel_loop3A_616 = arith.index_cast %parallel_loop3A_27 : i32 to index
      %parallel_loop3A_617 = arith.constant 768 : index
      %parallel_loop3A_618 = tpu.vector_load %arg18[%parallel_loop3A_616, %parallel_loop3A_617] {strides = array<i32>} : memref<32x1536xf32, #tpu.memory_space<vmem>>, vector<1x16xf32>,
      %parallel_loop3A_619 = vector.shape_cast %parallel_loop3A_618 : vector<1x16xf32> to vector<16xf32>
      %parallel_loop3A_620 = vector.shape_cast %parallel_loop3A_615 : vector<16xf32> to vector<1x16xf32>
      tpu.vector_store %arg18[%parallel_loop3A_616, %parallel_loop3A_617], %parallel_loop3A_620 {strides = array<i32>} : memref<32x1536xf32, #tpu.memory_space<vmem>>, vector<1x16xf32>,
      %parallel_loop3A_621 = arith.subf %parallel_loop3A_607, %parallel_loop3A_603 : vector<16xf32>
      %parallel_loop3A_622 = arith.index_cast %parallel_loop3A_27 : i32 to index
      %parallel_loop3A_623 = arith.constant 1280 : index
      %parallel_loop3A_624 = tpu.vector_load %arg18[%parallel_loop3A_622, %parallel_loop3A_623] {strides = array<i32>} : memref<32x1536xf32, #tpu.memory_space<vmem>>, vector<1x16xf32>,
      %parallel_loop3A_625 = vector.shape_cast %parallel_loop3A_624 : vector<1x16xf32> to vector<16xf32>
      %parallel_loop3A_626 = vector.shape_cast %parallel_loop3A_621 : vector<16xf32> to vector<1x16xf32>
      tpu.vector_store %arg18[%parallel_loop3A_622, %parallel_loop3A_623], %parallel_loop3A_626 {strides = array<i32>} : memref<32x1536xf32, #tpu.memory_space<vmem>>, vector<1x16xf32>,
      %parallel_loop3A_627 = arith.index_cast %parallel_loop3A_27 : i32 to index
      %parallel_loop3A_628 = arith.constant 272 : index
      %parallel_loop3A_629 = tpu.vector_load %arg14[%parallel_loop3A_627, %parallel_loop3A_628] {strides = array<i32>} : memref<32x512xf32, #tpu.memory_space<vmem>>, vector<1x16xf32>,
      %parallel_loop3A_630 = vector.shape_cast %parallel_loop3A_629 : vector<1x16xf32> to vector<16xf32>
      %parallel_loop3A_631 = arith.index_cast %parallel_loop3A_27 : i32 to index
      %parallel_loop3A_632 = arith.constant 272 : index
      %parallel_loop3A_633 = tpu.vector_load %arg15[%parallel_loop3A_631, %parallel_loop3A_632] {strides = array<i32>} : memref<32x512xf32, #tpu.memory_space<vmem>>, vector<1x16xf32>,
      %parallel_loop3A_634 = vector.shape_cast %parallel_loop3A_633 : vector<1x16xf32> to vector<16xf32>
      %parallel_loop3A_635 = arith.index_cast %parallel_loop3A_27 : i32 to index
      %parallel_loop3A_636 = arith.constant 272 : index
      %parallel_loop3A_637 = tpu.vector_load %arg16[%parallel_loop3A_635, %parallel_loop3A_636] {strides = array<i32>} : memref<32x512xf32, #tpu.memory_space<vmem>>, vector<1x16xf32>,
      %parallel_loop3A_638 = vector.shape_cast %parallel_loop3A_637 : vector<1x16xf32> to vector<16xf32>
      %parallel_loop3A_639 = arith.index_cast %parallel_loop3A_27 : i32 to index
      %parallel_loop3A_640 = arith.constant 272 : index
      %parallel_loop3A_641 = tpu.vector_load %arg17[%parallel_loop3A_639, %parallel_loop3A_640] {strides = array<i32>} : memref<32x512xf32, #tpu.memory_space<vmem>>, vector<1x16xf32>,
      %parallel_loop3A_642 = vector.shape_cast %parallel_loop3A_641 : vector<1x16xf32> to vector<16xf32>
      %parallel_loop3A_643 = arith.subf %parallel_loop3A_634, %parallel_loop3A_630 : vector<16xf32>
      %parallel_loop3A_644 = arith.index_cast %parallel_loop3A_27 : i32 to index
      %parallel_loop3A_645 = arith.constant 272 : index
      %parallel_loop3A_646 = tpu.vector_load %arg18[%parallel_loop3A_644, %parallel_loop3A_645] {strides = array<i32>} : memref<32x1536xf32, #tpu.memory_space<vmem>>, vector<1x16xf32>,
      %parallel_loop3A_647 = vector.shape_cast %parallel_loop3A_646 : vector<1x16xf32> to vector<16xf32>
      %parallel_loop3A_648 = vector.shape_cast %parallel_loop3A_643 : vector<16xf32> to vector<1x16xf32>
      tpu.vector_store %arg18[%parallel_loop3A_644, %parallel_loop3A_645], %parallel_loop3A_648 {strides = array<i32>} : memref<32x1536xf32, #tpu.memory_space<vmem>>, vector<1x16xf32>,
      %parallel_loop3A_649 = arith.subf %parallel_loop3A_642, %parallel_loop3A_630 : vector<16xf32>
      %parallel_loop3A_650 = arith.mulf %parallel_loop3A_649, %parallel_loop3A_31 : vector<16xf32>
      %parallel_loop3A_651 = arith.index_cast %parallel_loop3A_27 : i32 to index
      %parallel_loop3A_652 = arith.constant 784 : index
      %parallel_loop3A_653 = tpu.vector_load %arg18[%parallel_loop3A_651, %parallel_loop3A_652] {strides = array<i32>} : memref<32x1536xf32, #tpu.memory_space<vmem>>, vector<1x16xf32>,
      %parallel_loop3A_654 = vector.shape_cast %parallel_loop3A_653 : vector<1x16xf32> to vector<16xf32>
      %parallel_loop3A_655 = vector.shape_cast %parallel_loop3A_650 : vector<16xf32> to vector<1x16xf32>
      tpu.vector_store %arg18[%parallel_loop3A_651, %parallel_loop3A_652], %parallel_loop3A_655 {strides = array<i32>} : memref<32x1536xf32, #tpu.memory_space<vmem>>, vector<1x16xf32>,
      %parallel_loop3A_656 = arith.subf %parallel_loop3A_642, %parallel_loop3A_638 : vector<16xf32>
      %parallel_loop3A_657 = arith.index_cast %parallel_loop3A_27 : i32 to index
      %parallel_loop3A_658 = arith.constant 1296 : index
      %parallel_loop3A_659 = tpu.vector_load %arg18[%parallel_loop3A_657, %parallel_loop3A_658] {strides = array<i32>} : memref<32x1536xf32, #tpu.memory_space<vmem>>, vector<1x16xf32>,
      %parallel_loop3A_660 = vector.shape_cast %parallel_loop3A_659 : vector<1x16xf32> to vector<16xf32>
      %parallel_loop3A_661 = vector.shape_cast %parallel_loop3A_656 : vector<16xf32> to vector<1x16xf32>
      tpu.vector_store %arg18[%parallel_loop3A_657, %parallel_loop3A_658], %parallel_loop3A_661 {strides = array<i32>} : memref<32x1536xf32, #tpu.memory_space<vmem>>, vector<1x16xf32>,
      %parallel_loop3A_662 = arith.index_cast %parallel_loop3A_27 : i32 to index
      %parallel_loop3A_663 = arith.constant 288 : index
      %parallel_loop3A_664 = tpu.vector_load %arg14[%parallel_loop3A_662, %parallel_loop3A_663] {strides = array<i32>} : memref<32x512xf32, #tpu.memory_space<vmem>>, vector<1x16xf32>,
      %parallel_loop3A_665 = vector.shape_cast %parallel_loop3A_664 : vector<1x16xf32> to vector<16xf32>
      %parallel_loop3A_666 = arith.index_cast %parallel_loop3A_27 : i32 to index
      %parallel_loop3A_667 = arith.constant 288 : index
      %parallel_loop3A_668 = tpu.vector_load %arg15[%parallel_loop3A_666, %parallel_loop3A_667] {strides = array<i32>} : memref<32x512xf32, #tpu.memory_space<vmem>>, vector<1x16xf32>,
      %parallel_loop3A_669 = vector.shape_cast %parallel_loop3A_668 : vector<1x16xf32> to vector<16xf32>
      %parallel_loop3A_670 = arith.index_cast %parallel_loop3A_27 : i32 to index
      %parallel_loop3A_671 = arith.constant 288 : index
      %parallel_loop3A_672 = tpu.vector_load %arg16[%parallel_loop3A_670, %parallel_loop3A_671] {strides = array<i32>} : memref<32x512xf32, #tpu.memory_space<vmem>>, vector<1x16xf32>,
      %parallel_loop3A_673 = vector.shape_cast %parallel_loop3A_672 : vector<1x16xf32> to vector<16xf32>
      %parallel_loop3A_674 = arith.index_cast %parallel_loop3A_27 : i32 to index
      %parallel_loop3A_675 = arith.constant 288 : index
      %parallel_loop3A_676 = tpu.vector_load %arg17[%parallel_loop3A_674, %parallel_loop3A_675] {strides = array<i32>} : memref<32x512xf32, #tpu.memory_space<vmem>>, vector<1x16xf32>,
      %parallel_loop3A_677 = vector.shape_cast %parallel_loop3A_676 : vector<1x16xf32> to vector<16xf32>
      %parallel_loop3A_678 = arith.subf %parallel_loop3A_669, %parallel_loop3A_665 : vector<16xf32>
      %parallel_loop3A_679 = arith.index_cast %parallel_loop3A_27 : i32 to index
      %parallel_loop3A_680 = arith.constant 288 : index
      %parallel_loop3A_681 = tpu.vector_load %arg18[%parallel_loop3A_679, %parallel_loop3A_680] {strides = array<i32>} : memref<32x1536xf32, #tpu.memory_space<vmem>>, vector<1x16xf32>,
      %parallel_loop3A_682 = vector.shape_cast %parallel_loop3A_681 : vector<1x16xf32> to vector<16xf32>
      %parallel_loop3A_683 = vector.shape_cast %parallel_loop3A_678 : vector<16xf32> to vector<1x16xf32>
      tpu.vector_store %arg18[%parallel_loop3A_679, %parallel_loop3A_680], %parallel_loop3A_683 {strides = array<i32>} : memref<32x1536xf32, #tpu.memory_space<vmem>>, vector<1x16xf32>,
      %parallel_loop3A_684 = arith.subf %parallel_loop3A_677, %parallel_loop3A_665 : vector<16xf32>
      %parallel_loop3A_685 = arith.mulf %parallel_loop3A_684, %parallel_loop3A_31 : vector<16xf32>
      %parallel_loop3A_686 = arith.index_cast %parallel_loop3A_27 : i32 to index
      %parallel_loop3A_687 = arith.constant 800 : index
      %parallel_loop3A_688 = tpu.vector_load %arg18[%parallel_loop3A_686, %parallel_loop3A_687] {strides = array<i32>} : memref<32x1536xf32, #tpu.memory_space<vmem>>, vector<1x16xf32>,
      %parallel_loop3A_689 = vector.shape_cast %parallel_loop3A_688 : vector<1x16xf32> to vector<16xf32>
      %parallel_loop3A_690 = vector.shape_cast %parallel_loop3A_685 : vector<16xf32> to vector<1x16xf32>
      tpu.vector_store %arg18[%parallel_loop3A_686, %parallel_loop3A_687], %parallel_loop3A_690 {strides = array<i32>} : memref<32x1536xf32, #tpu.memory_space<vmem>>, vector<1x16xf32>,
      %parallel_loop3A_691 = arith.subf %parallel_loop3A_677, %parallel_loop3A_673 : vector<16xf32>
      %parallel_loop3A_692 = arith.index_cast %parallel_loop3A_27 : i32 to index
      %parallel_loop3A_693 = arith.constant 1312 : index
      %parallel_loop3A_694 = tpu.vector_load %arg18[%parallel_loop3A_692, %parallel_loop3A_693] {strides = array<i32>} : memref<32x1536xf32, #tpu.memory_space<vmem>>, vector<1x16xf32>,
      %parallel_loop3A_695 = vector.shape_cast %parallel_loop3A_694 : vector<1x16xf32> to vector<16xf32>
      %parallel_loop3A_696 = vector.shape_cast %parallel_loop3A_691 : vector<16xf32> to vector<1x16xf32>
      tpu.vector_store %arg18[%parallel_loop3A_692, %parallel_loop3A_693], %parallel_loop3A_696 {strides = array<i32>} : memref<32x1536xf32, #tpu.memory_space<vmem>>, vector<1x16xf32>,
      %parallel_loop3A_697 = arith.index_cast %parallel_loop3A_27 : i32 to index
      %parallel_loop3A_698 = arith.constant 304 : index
      %parallel_loop3A_699 = tpu.vector_load %arg14[%parallel_loop3A_697, %parallel_loop3A_698] {strides = array<i32>} : memref<32x512xf32, #tpu.memory_space<vmem>>, vector<1x16xf32>,
      %parallel_loop3A_700 = vector.shape_cast %parallel_loop3A_699 : vector<1x16xf32> to vector<16xf32>
      %parallel_loop3A_701 = arith.index_cast %parallel_loop3A_27 : i32 to index
      %parallel_loop3A_702 = arith.constant 304 : index
      %parallel_loop3A_703 = tpu.vector_load %arg15[%parallel_loop3A_701, %parallel_loop3A_702] {strides = array<i32>} : memref<32x512xf32, #tpu.memory_space<vmem>>, vector<1x16xf32>,
      %parallel_loop3A_704 = vector.shape_cast %parallel_loop3A_703 : vector<1x16xf32> to vector<16xf32>
      %parallel_loop3A_705 = arith.index_cast %parallel_loop3A_27 : i32 to index
      %parallel_loop3A_706 = arith.constant 304 : index
      %parallel_loop3A_707 = tpu.vector_load %arg16[%parallel_loop3A_705, %parallel_loop3A_706] {strides = array<i32>} : memref<32x512xf32, #tpu.memory_space<vmem>>, vector<1x16xf32>,
      %parallel_loop3A_708 = vector.shape_cast %parallel_loop3A_707 : vector<1x16xf32> to vector<16xf32>
      %parallel_loop3A_709 = arith.index_cast %parallel_loop3A_27 : i32 to index
      %parallel_loop3A_710 = arith.constant 304 : index
      %parallel_loop3A_711 = tpu.vector_load %arg17[%parallel_loop3A_709, %parallel_loop3A_710] {strides = array<i32>} : memref<32x512xf32, #tpu.memory_space<vmem>>, vector<1x16xf32>,
      %parallel_loop3A_712 = vector.shape_cast %parallel_loop3A_711 : vector<1x16xf32> to vector<16xf32>
      %parallel_loop3A_713 = arith.subf %parallel_loop3A_704, %parallel_loop3A_700 : vector<16xf32>
      %parallel_loop3A_714 = arith.index_cast %parallel_loop3A_27 : i32 to index
      %parallel_loop3A_715 = arith.constant 304 : index
      %parallel_loop3A_716 = tpu.vector_load %arg18[%parallel_loop3A_714, %parallel_loop3A_715] {strides = array<i32>} : memref<32x1536xf32, #tpu.memory_space<vmem>>, vector<1x16xf32>,
      %parallel_loop3A_717 = vector.shape_cast %parallel_loop3A_716 : vector<1x16xf32> to vector<16xf32>
      %parallel_loop3A_718 = vector.shape_cast %parallel_loop3A_713 : vector<16xf32> to vector<1x16xf32>
      tpu.vector_store %arg18[%parallel_loop3A_714, %parallel_loop3A_715], %parallel_loop3A_718 {strides = array<i32>} : memref<32x1536xf32, #tpu.memory_space<vmem>>, vector<1x16xf32>,
      %parallel_loop3A_719 = arith.subf %parallel_loop3A_712, %parallel_loop3A_700 : vector<16xf32>
      %parallel_loop3A_720 = arith.mulf %parallel_loop3A_719, %parallel_loop3A_31 : vector<16xf32>
      %parallel_loop3A_721 = arith.index_cast %parallel_loop3A_27 : i32 to index
      %parallel_loop3A_722 = arith.constant 816 : index
      %parallel_loop3A_723 = tpu.vector_load %arg18[%parallel_loop3A_721, %parallel_loop3A_722] {strides = array<i32>} : memref<32x1536xf32, #tpu.memory_space<vmem>>, vector<1x16xf32>,
      %parallel_loop3A_724 = vector.shape_cast %parallel_loop3A_723 : vector<1x16xf32> to vector<16xf32>
      %parallel_loop3A_725 = vector.shape_cast %parallel_loop3A_720 : vector<16xf32> to vector<1x16xf32>
      tpu.vector_store %arg18[%parallel_loop3A_721, %parallel_loop3A_722], %parallel_loop3A_725 {strides = array<i32>} : memref<32x1536xf32, #tpu.memory_space<vmem>>, vector<1x16xf32>,
      %parallel_loop3A_726 = arith.subf %parallel_loop3A_712, %parallel_loop3A_708 : vector<16xf32>
      %parallel_loop3A_727 = arith.index_cast %parallel_loop3A_27 : i32 to index
      %parallel_loop3A_728 = arith.constant 1328 : index
      %parallel_loop3A_729 = tpu.vector_load %arg18[%parallel_loop3A_727, %parallel_loop3A_728] {strides = array<i32>} : memref<32x1536xf32, #tpu.memory_space<vmem>>, vector<1x16xf32>,
      %parallel_loop3A_730 = vector.shape_cast %parallel_loop3A_729 : vector<1x16xf32> to vector<16xf32>
      %parallel_loop3A_731 = vector.shape_cast %parallel_loop3A_726 : vector<16xf32> to vector<1x16xf32>
      tpu.vector_store %arg18[%parallel_loop3A_727, %parallel_loop3A_728], %parallel_loop3A_731 {strides = array<i32>} : memref<32x1536xf32, #tpu.memory_space<vmem>>, vector<1x16xf32>,
      %parallel_loop3A_732 = arith.index_cast %parallel_loop3A_27 : i32 to index
      %parallel_loop3A_733 = arith.constant 320 : index
      %parallel_loop3A_734 = tpu.vector_load %arg14[%parallel_loop3A_732, %parallel_loop3A_733] {strides = array<i32>} : memref<32x512xf32, #tpu.memory_space<vmem>>, vector<1x16xf32>,
      %parallel_loop3A_735 = vector.shape_cast %parallel_loop3A_734 : vector<1x16xf32> to vector<16xf32>
      %parallel_loop3A_736 = arith.index_cast %parallel_loop3A_27 : i32 to index
      %parallel_loop3A_737 = arith.constant 320 : index
      %parallel_loop3A_738 = tpu.vector_load %arg15[%parallel_loop3A_736, %parallel_loop3A_737] {strides = array<i32>} : memref<32x512xf32, #tpu.memory_space<vmem>>, vector<1x16xf32>,
      %parallel_loop3A_739 = vector.shape_cast %parallel_loop3A_738 : vector<1x16xf32> to vector<16xf32>
      %parallel_loop3A_740 = arith.index_cast %parallel_loop3A_27 : i32 to index
      %parallel_loop3A_741 = arith.constant 320 : index
      %parallel_loop3A_742 = tpu.vector_load %arg16[%parallel_loop3A_740, %parallel_loop3A_741] {strides = array<i32>} : memref<32x512xf32, #tpu.memory_space<vmem>>, vector<1x16xf32>,
      %parallel_loop3A_743 = vector.shape_cast %parallel_loop3A_742 : vector<1x16xf32> to vector<16xf32>
      %parallel_loop3A_744 = arith.index_cast %parallel_loop3A_27 : i32 to index
      %parallel_loop3A_745 = arith.constant 320 : index
      %parallel_loop3A_746 = tpu.vector_load %arg17[%parallel_loop3A_744, %parallel_loop3A_745] {strides = array<i32>} : memref<32x512xf32, #tpu.memory_space<vmem>>, vector<1x16xf32>,
      %parallel_loop3A_747 = vector.shape_cast %parallel_loop3A_746 : vector<1x16xf32> to vector<16xf32>
      %parallel_loop3A_748 = arith.subf %parallel_loop3A_739, %parallel_loop3A_735 : vector<16xf32>
      %parallel_loop3A_749 = arith.index_cast %parallel_loop3A_27 : i32 to index
      %parallel_loop3A_750 = arith.constant 320 : index
      %parallel_loop3A_751 = tpu.vector_load %arg18[%parallel_loop3A_749, %parallel_loop3A_750] {strides = array<i32>} : memref<32x1536xf32, #tpu.memory_space<vmem>>, vector<1x16xf32>,
      %parallel_loop3A_752 = vector.shape_cast %parallel_loop3A_751 : vector<1x16xf32> to vector<16xf32>
      %parallel_loop3A_753 = vector.shape_cast %parallel_loop3A_748 : vector<16xf32> to vector<1x16xf32>
      tpu.vector_store %arg18[%parallel_loop3A_749, %parallel_loop3A_750], %parallel_loop3A_753 {strides = array<i32>} : memref<32x1536xf32, #tpu.memory_space<vmem>>, vector<1x16xf32>,
      %parallel_loop3A_754 = arith.subf %parallel_loop3A_747, %parallel_loop3A_735 : vector<16xf32>
      %parallel_loop3A_755 = arith.mulf %parallel_loop3A_754, %parallel_loop3A_31 : vector<16xf32>
      %parallel_loop3A_756 = arith.index_cast %parallel_loop3A_27 : i32 to index
      %parallel_loop3A_757 = arith.constant 832 : index
      %parallel_loop3A_758 = tpu.vector_load %arg18[%parallel_loop3A_756, %parallel_loop3A_757] {strides = array<i32>} : memref<32x1536xf32, #tpu.memory_space<vmem>>, vector<1x16xf32>,
      %parallel_loop3A_759 = vector.shape_cast %parallel_loop3A_758 : vector<1x16xf32> to vector<16xf32>
      %parallel_loop3A_760 = vector.shape_cast %parallel_loop3A_755 : vector<16xf32> to vector<1x16xf32>
      tpu.vector_store %arg18[%parallel_loop3A_756, %parallel_loop3A_757], %parallel_loop3A_760 {strides = array<i32>} : memref<32x1536xf32, #tpu.memory_space<vmem>>, vector<1x16xf32>,
      %parallel_loop3A_761 = arith.subf %parallel_loop3A_747, %parallel_loop3A_743 : vector<16xf32>
      %parallel_loop3A_762 = arith.index_cast %parallel_loop3A_27 : i32 to index
      %parallel_loop3A_763 = arith.constant 1344 : index
      %parallel_loop3A_764 = tpu.vector_load %arg18[%parallel_loop3A_762, %parallel_loop3A_763] {strides = array<i32>} : memref<32x1536xf32, #tpu.memory_space<vmem>>, vector<1x16xf32>,
      %parallel_loop3A_765 = vector.shape_cast %parallel_loop3A_764 : vector<1x16xf32> to vector<16xf32>
      %parallel_loop3A_766 = vector.shape_cast %parallel_loop3A_761 : vector<16xf32> to vector<1x16xf32>
      tpu.vector_store %arg18[%parallel_loop3A_762, %parallel_loop3A_763], %parallel_loop3A_766 {strides = array<i32>} : memref<32x1536xf32, #tpu.memory_space<vmem>>, vector<1x16xf32>,
      %parallel_loop3A_767 = arith.index_cast %parallel_loop3A_27 : i32 to index
      %parallel_loop3A_768 = arith.constant 336 : index
      %parallel_loop3A_769 = tpu.vector_load %arg14[%parallel_loop3A_767, %parallel_loop3A_768] {strides = array<i32>} : memref<32x512xf32, #tpu.memory_space<vmem>>, vector<1x16xf32>,
      %parallel_loop3A_770 = vector.shape_cast %parallel_loop3A_769 : vector<1x16xf32> to vector<16xf32>
      %parallel_loop3A_771 = arith.index_cast %parallel_loop3A_27 : i32 to index
      %parallel_loop3A_772 = arith.constant 336 : index
      %parallel_loop3A_773 = tpu.vector_load %arg15[%parallel_loop3A_771, %parallel_loop3A_772] {strides = array<i32>} : memref<32x512xf32, #tpu.memory_space<vmem>>, vector<1x16xf32>,
      %parallel_loop3A_774 = vector.shape_cast %parallel_loop3A_773 : vector<1x16xf32> to vector<16xf32>
      %parallel_loop3A_775 = arith.index_cast %parallel_loop3A_27 : i32 to index
      %parallel_loop3A_776 = arith.constant 336 : index
      %parallel_loop3A_777 = tpu.vector_load %arg16[%parallel_loop3A_775, %parallel_loop3A_776] {strides = array<i32>} : memref<32x512xf32, #tpu.memory_space<vmem>>, vector<1x16xf32>,
      %parallel_loop3A_778 = vector.shape_cast %parallel_loop3A_777 : vector<1x16xf32> to vector<16xf32>
      %parallel_loop3A_779 = arith.index_cast %parallel_loop3A_27 : i32 to index
      %parallel_loop3A_780 = arith.constant 336 : index
      %parallel_loop3A_781 = tpu.vector_load %arg17[%parallel_loop3A_779, %parallel_loop3A_780] {strides = array<i32>} : memref<32x512xf32, #tpu.memory_space<vmem>>, vector<1x16xf32>,
      %parallel_loop3A_782 = vector.shape_cast %parallel_loop3A_781 : vector<1x16xf32> to vector<16xf32>
      %parallel_loop3A_783 = arith.subf %parallel_loop3A_774, %parallel_loop3A_770 : vector<16xf32>
      %parallel_loop3A_784 = arith.index_cast %parallel_loop3A_27 : i32 to index
      %parallel_loop3A_785 = arith.constant 336 : index
      %parallel_loop3A_786 = tpu.vector_load %arg18[%parallel_loop3A_784, %parallel_loop3A_785] {strides = array<i32>} : memref<32x1536xf32, #tpu.memory_space<vmem>>, vector<1x16xf32>,
      %parallel_loop3A_787 = vector.shape_cast %parallel_loop3A_786 : vector<1x16xf32> to vector<16xf32>
      %parallel_loop3A_788 = vector.shape_cast %parallel_loop3A_783 : vector<16xf32> to vector<1x16xf32>
      tpu.vector_store %arg18[%parallel_loop3A_784, %parallel_loop3A_785], %parallel_loop3A_788 {strides = array<i32>} : memref<32x1536xf32, #tpu.memory_space<vmem>>, vector<1x16xf32>,
      %parallel_loop3A_789 = arith.subf %parallel_loop3A_782, %parallel_loop3A_770 : vector<16xf32>
      %parallel_loop3A_790 = arith.mulf %parallel_loop3A_789, %parallel_loop3A_31 : vector<16xf32>
      %parallel_loop3A_791 = arith.index_cast %parallel_loop3A_27 : i32 to index
      %parallel_loop3A_792 = arith.constant 848 : index
      %parallel_loop3A_793 = tpu.vector_load %arg18[%parallel_loop3A_791, %parallel_loop3A_792] {strides = array<i32>} : memref<32x1536xf32, #tpu.memory_space<vmem>>, vector<1x16xf32>,
      %parallel_loop3A_794 = vector.shape_cast %parallel_loop3A_793 : vector<1x16xf32> to vector<16xf32>
      %parallel_loop3A_795 = vector.shape_cast %parallel_loop3A_790 : vector<16xf32> to vector<1x16xf32>
      tpu.vector_store %arg18[%parallel_loop3A_791, %parallel_loop3A_792], %parallel_loop3A_795 {strides = array<i32>} : memref<32x1536xf32, #tpu.memory_space<vmem>>, vector<1x16xf32>,
      %parallel_loop3A_796 = arith.subf %parallel_loop3A_782, %parallel_loop3A_778 : vector<16xf32>
      %parallel_loop3A_797 = arith.index_cast %parallel_loop3A_27 : i32 to index
      %parallel_loop3A_798 = arith.constant 1360 : index
      %parallel_loop3A_799 = tpu.vector_load %arg18[%parallel_loop3A_797, %parallel_loop3A_798] {strides = array<i32>} : memref<32x1536xf32, #tpu.memory_space<vmem>>, vector<1x16xf32>,
      %parallel_loop3A_800 = vector.shape_cast %parallel_loop3A_799 : vector<1x16xf32> to vector<16xf32>
      %parallel_loop3A_801 = vector.shape_cast %parallel_loop3A_796 : vector<16xf32> to vector<1x16xf32>
      tpu.vector_store %arg18[%parallel_loop3A_797, %parallel_loop3A_798], %parallel_loop3A_801 {strides = array<i32>} : memref<32x1536xf32, #tpu.memory_space<vmem>>, vector<1x16xf32>,
      %parallel_loop3A_802 = arith.index_cast %parallel_loop3A_27 : i32 to index
      %parallel_loop3A_803 = arith.constant 352 : index
      %parallel_loop3A_804 = tpu.vector_load %arg14[%parallel_loop3A_802, %parallel_loop3A_803] {strides = array<i32>} : memref<32x512xf32, #tpu.memory_space<vmem>>, vector<1x16xf32>,
      %parallel_loop3A_805 = vector.shape_cast %parallel_loop3A_804 : vector<1x16xf32> to vector<16xf32>
      %parallel_loop3A_806 = arith.index_cast %parallel_loop3A_27 : i32 to index
      %parallel_loop3A_807 = arith.constant 352 : index
      %parallel_loop3A_808 = tpu.vector_load %arg15[%parallel_loop3A_806, %parallel_loop3A_807] {strides = array<i32>} : memref<32x512xf32, #tpu.memory_space<vmem>>, vector<1x16xf32>,
      %parallel_loop3A_809 = vector.shape_cast %parallel_loop3A_808 : vector<1x16xf32> to vector<16xf32>
      %parallel_loop3A_810 = arith.index_cast %parallel_loop3A_27 : i32 to index
      %parallel_loop3A_811 = arith.constant 352 : index
      %parallel_loop3A_812 = tpu.vector_load %arg16[%parallel_loop3A_810, %parallel_loop3A_811] {strides = array<i32>} : memref<32x512xf32, #tpu.memory_space<vmem>>, vector<1x16xf32>,
      %parallel_loop3A_813 = vector.shape_cast %parallel_loop3A_812 : vector<1x16xf32> to vector<16xf32>
      %parallel_loop3A_814 = arith.index_cast %parallel_loop3A_27 : i32 to index
      %parallel_loop3A_815 = arith.constant 352 : index
      %parallel_loop3A_816 = tpu.vector_load %arg17[%parallel_loop3A_814, %parallel_loop3A_815] {strides = array<i32>} : memref<32x512xf32, #tpu.memory_space<vmem>>, vector<1x16xf32>,
      %parallel_loop3A_817 = vector.shape_cast %parallel_loop3A_816 : vector<1x16xf32> to vector<16xf32>
      %parallel_loop3A_818 = arith.subf %parallel_loop3A_809, %parallel_loop3A_805 : vector<16xf32>
      %parallel_loop3A_819 = arith.index_cast %parallel_loop3A_27 : i32 to index
      %parallel_loop3A_820 = arith.constant 352 : index
      %parallel_loop3A_821 = tpu.vector_load %arg18[%parallel_loop3A_819, %parallel_loop3A_820] {strides = array<i32>} : memref<32x1536xf32, #tpu.memory_space<vmem>>, vector<1x16xf32>,
      %parallel_loop3A_822 = vector.shape_cast %parallel_loop3A_821 : vector<1x16xf32> to vector<16xf32>
      %parallel_loop3A_823 = vector.shape_cast %parallel_loop3A_818 : vector<16xf32> to vector<1x16xf32>
      tpu.vector_store %arg18[%parallel_loop3A_819, %parallel_loop3A_820], %parallel_loop3A_823 {strides = array<i32>} : memref<32x1536xf32, #tpu.memory_space<vmem>>, vector<1x16xf32>,
      %parallel_loop3A_824 = arith.subf %parallel_loop3A_817, %parallel_loop3A_805 : vector<16xf32>
      %parallel_loop3A_825 = arith.mulf %parallel_loop3A_824, %parallel_loop3A_31 : vector<16xf32>
      %parallel_loop3A_826 = arith.index_cast %parallel_loop3A_27 : i32 to index
      %parallel_loop3A_827 = arith.constant 864 : index
      %parallel_loop3A_828 = tpu.vector_load %arg18[%parallel_loop3A_826, %parallel_loop3A_827] {strides = array<i32>} : memref<32x1536xf32, #tpu.memory_space<vmem>>, vector<1x16xf32>,
      %parallel_loop3A_829 = vector.shape_cast %parallel_loop3A_828 : vector<1x16xf32> to vector<16xf32>
      %parallel_loop3A_830 = vector.shape_cast %parallel_loop3A_825 : vector<16xf32> to vector<1x16xf32>
      tpu.vector_store %arg18[%parallel_loop3A_826, %parallel_loop3A_827], %parallel_loop3A_830 {strides = array<i32>} : memref<32x1536xf32, #tpu.memory_space<vmem>>, vector<1x16xf32>,
      %parallel_loop3A_831 = arith.subf %parallel_loop3A_817, %parallel_loop3A_813 : vector<16xf32>
      %parallel_loop3A_832 = arith.index_cast %parallel_loop3A_27 : i32 to index
      %parallel_loop3A_833 = arith.constant 1376 : index
      %parallel_loop3A_834 = tpu.vector_load %arg18[%parallel_loop3A_832, %parallel_loop3A_833] {strides = array<i32>} : memref<32x1536xf32, #tpu.memory_space<vmem>>, vector<1x16xf32>,
      %parallel_loop3A_835 = vector.shape_cast %parallel_loop3A_834 : vector<1x16xf32> to vector<16xf32>
      %parallel_loop3A_836 = vector.shape_cast %parallel_loop3A_831 : vector<16xf32> to vector<1x16xf32>
      tpu.vector_store %arg18[%parallel_loop3A_832, %parallel_loop3A_833], %parallel_loop3A_836 {strides = array<i32>} : memref<32x1536xf32, #tpu.memory_space<vmem>>, vector<1x16xf32>,
      %parallel_loop3A_837 = arith.index_cast %parallel_loop3A_27 : i32 to index
      %parallel_loop3A_838 = arith.constant 368 : index
      %parallel_loop3A_839 = tpu.vector_load %arg14[%parallel_loop3A_837, %parallel_loop3A_838] {strides = array<i32>} : memref<32x512xf32, #tpu.memory_space<vmem>>, vector<1x16xf32>,
      %parallel_loop3A_840 = vector.shape_cast %parallel_loop3A_839 : vector<1x16xf32> to vector<16xf32>
      %parallel_loop3A_841 = arith.index_cast %parallel_loop3A_27 : i32 to index
      %parallel_loop3A_842 = arith.constant 368 : index
      %parallel_loop3A_843 = tpu.vector_load %arg15[%parallel_loop3A_841, %parallel_loop3A_842] {strides = array<i32>} : memref<32x512xf32, #tpu.memory_space<vmem>>, vector<1x16xf32>,
      %parallel_loop3A_844 = vector.shape_cast %parallel_loop3A_843 : vector<1x16xf32> to vector<16xf32>
      %parallel_loop3A_845 = arith.index_cast %parallel_loop3A_27 : i32 to index
      %parallel_loop3A_846 = arith.constant 368 : index
      %parallel_loop3A_847 = tpu.vector_load %arg16[%parallel_loop3A_845, %parallel_loop3A_846] {strides = array<i32>} : memref<32x512xf32, #tpu.memory_space<vmem>>, vector<1x16xf32>,
      %parallel_loop3A_848 = vector.shape_cast %parallel_loop3A_847 : vector<1x16xf32> to vector<16xf32>
      %parallel_loop3A_849 = arith.index_cast %parallel_loop3A_27 : i32 to index
      %parallel_loop3A_850 = arith.constant 368 : index
      %parallel_loop3A_851 = tpu.vector_load %arg17[%parallel_loop3A_849, %parallel_loop3A_850] {strides = array<i32>} : memref<32x512xf32, #tpu.memory_space<vmem>>, vector<1x16xf32>,
      %parallel_loop3A_852 = vector.shape_cast %parallel_loop3A_851 : vector<1x16xf32> to vector<16xf32>
      %parallel_loop3A_853 = arith.subf %parallel_loop3A_844, %parallel_loop3A_840 : vector<16xf32>
      %parallel_loop3A_854 = arith.index_cast %parallel_loop3A_27 : i32 to index
      %parallel_loop3A_855 = arith.constant 368 : index
      %parallel_loop3A_856 = tpu.vector_load %arg18[%parallel_loop3A_854, %parallel_loop3A_855] {strides = array<i32>} : memref<32x1536xf32, #tpu.memory_space<vmem>>, vector<1x16xf32>,
      %parallel_loop3A_857 = vector.shape_cast %parallel_loop3A_856 : vector<1x16xf32> to vector<16xf32>
      %parallel_loop3A_858 = vector.shape_cast %parallel_loop3A_853 : vector<16xf32> to vector<1x16xf32>
      tpu.vector_store %arg18[%parallel_loop3A_854, %parallel_loop3A_855], %parallel_loop3A_858 {strides = array<i32>} : memref<32x1536xf32, #tpu.memory_space<vmem>>, vector<1x16xf32>,
      %parallel_loop3A_859 = arith.subf %parallel_loop3A_852, %parallel_loop3A_840 : vector<16xf32>
      %parallel_loop3A_860 = arith.mulf %parallel_loop3A_859, %parallel_loop3A_31 : vector<16xf32>
      %parallel_loop3A_861 = arith.index_cast %parallel_loop3A_27 : i32 to index
      %parallel_loop3A_862 = arith.constant 880 : index
      %parallel_loop3A_863 = tpu.vector_load %arg18[%parallel_loop3A_861, %parallel_loop3A_862] {strides = array<i32>} : memref<32x1536xf32, #tpu.memory_space<vmem>>, vector<1x16xf32>,
      %parallel_loop3A_864 = vector.shape_cast %parallel_loop3A_863 : vector<1x16xf32> to vector<16xf32>
      %parallel_loop3A_865 = vector.shape_cast %parallel_loop3A_860 : vector<16xf32> to vector<1x16xf32>
      tpu.vector_store %arg18[%parallel_loop3A_861, %parallel_loop3A_862], %parallel_loop3A_865 {strides = array<i32>} : memref<32x1536xf32, #tpu.memory_space<vmem>>, vector<1x16xf32>,
      %parallel_loop3A_866 = arith.subf %parallel_loop3A_852, %parallel_loop3A_848 : vector<16xf32>
      %parallel_loop3A_867 = arith.index_cast %parallel_loop3A_27 : i32 to index
      %parallel_loop3A_868 = arith.constant 1392 : index
      %parallel_loop3A_869 = tpu.vector_load %arg18[%parallel_loop3A_867, %parallel_loop3A_868] {strides = array<i32>} : memref<32x1536xf32, #tpu.memory_space<vmem>>, vector<1x16xf32>,
      %parallel_loop3A_870 = vector.shape_cast %parallel_loop3A_869 : vector<1x16xf32> to vector<16xf32>
      %parallel_loop3A_871 = vector.shape_cast %parallel_loop3A_866 : vector<16xf32> to vector<1x16xf32>
      tpu.vector_store %arg18[%parallel_loop3A_867, %parallel_loop3A_868], %parallel_loop3A_871 {strides = array<i32>} : memref<32x1536xf32, #tpu.memory_space<vmem>>, vector<1x16xf32>,
      %parallel_loop3A_872 = arith.index_cast %parallel_loop3A_27 : i32 to index
      %parallel_loop3A_873 = arith.constant 384 : index
      %parallel_loop3A_874 = tpu.vector_load %arg14[%parallel_loop3A_872, %parallel_loop3A_873] {strides = array<i32>} : memref<32x512xf32, #tpu.memory_space<vmem>>, vector<1x16xf32>,
      %parallel_loop3A_875 = vector.shape_cast %parallel_loop3A_874 : vector<1x16xf32> to vector<16xf32>
      %parallel_loop3A_876 = arith.index_cast %parallel_loop3A_27 : i32 to index
      %parallel_loop3A_877 = arith.constant 384 : index
      %parallel_loop3A_878 = tpu.vector_load %arg15[%parallel_loop3A_876, %parallel_loop3A_877] {strides = array<i32>} : memref<32x512xf32, #tpu.memory_space<vmem>>, vector<1x16xf32>,
      %parallel_loop3A_879 = vector.shape_cast %parallel_loop3A_878 : vector<1x16xf32> to vector<16xf32>
      %parallel_loop3A_880 = arith.index_cast %parallel_loop3A_27 : i32 to index
      %parallel_loop3A_881 = arith.constant 384 : index
      %parallel_loop3A_882 = tpu.vector_load %arg16[%parallel_loop3A_880, %parallel_loop3A_881] {strides = array<i32>} : memref<32x512xf32, #tpu.memory_space<vmem>>, vector<1x16xf32>,
      %parallel_loop3A_883 = vector.shape_cast %parallel_loop3A_882 : vector<1x16xf32> to vector<16xf32>
      %parallel_loop3A_884 = arith.index_cast %parallel_loop3A_27 : i32 to index
      %parallel_loop3A_885 = arith.constant 384 : index
      %parallel_loop3A_886 = tpu.vector_load %arg17[%parallel_loop3A_884, %parallel_loop3A_885] {strides = array<i32>} : memref<32x512xf32, #tpu.memory_space<vmem>>, vector<1x16xf32>,
      %parallel_loop3A_887 = vector.shape_cast %parallel_loop3A_886 : vector<1x16xf32> to vector<16xf32>
      %parallel_loop3A_888 = arith.subf %parallel_loop3A_879, %parallel_loop3A_875 : vector<16xf32>
      %parallel_loop3A_889 = arith.index_cast %parallel_loop3A_27 : i32 to index
      %parallel_loop3A_890 = arith.constant 384 : index
      %parallel_loop3A_891 = tpu.vector_load %arg18[%parallel_loop3A_889, %parallel_loop3A_890] {strides = array<i32>} : memref<32x1536xf32, #tpu.memory_space<vmem>>, vector<1x16xf32>,
      %parallel_loop3A_892 = vector.shape_cast %parallel_loop3A_891 : vector<1x16xf32> to vector<16xf32>
      %parallel_loop3A_893 = vector.shape_cast %parallel_loop3A_888 : vector<16xf32> to vector<1x16xf32>
      tpu.vector_store %arg18[%parallel_loop3A_889, %parallel_loop3A_890], %parallel_loop3A_893 {strides = array<i32>} : memref<32x1536xf32, #tpu.memory_space<vmem>>, vector<1x16xf32>,
      %parallel_loop3A_894 = arith.subf %parallel_loop3A_887, %parallel_loop3A_875 : vector<16xf32>
      %parallel_loop3A_895 = arith.mulf %parallel_loop3A_894, %parallel_loop3A_31 : vector<16xf32>
      %parallel_loop3A_896 = arith.index_cast %parallel_loop3A_27 : i32 to index
      %parallel_loop3A_897 = arith.constant 896 : index
      %parallel_loop3A_898 = tpu.vector_load %arg18[%parallel_loop3A_896, %parallel_loop3A_897] {strides = array<i32>} : memref<32x1536xf32, #tpu.memory_space<vmem>>, vector<1x16xf32>,
      %parallel_loop3A_899 = vector.shape_cast %parallel_loop3A_898 : vector<1x16xf32> to vector<16xf32>
      %parallel_loop3A_900 = vector.shape_cast %parallel_loop3A_895 : vector<16xf32> to vector<1x16xf32>
      tpu.vector_store %arg18[%parallel_loop3A_896, %parallel_loop3A_897], %parallel_loop3A_900 {strides = array<i32>} : memref<32x1536xf32, #tpu.memory_space<vmem>>, vector<1x16xf32>,
      %parallel_loop3A_901 = arith.subf %parallel_loop3A_887, %parallel_loop3A_883 : vector<16xf32>
      %parallel_loop3A_902 = arith.index_cast %parallel_loop3A_27 : i32 to index
      %parallel_loop3A_903 = arith.constant 1408 : index
      %parallel_loop3A_904 = tpu.vector_load %arg18[%parallel_loop3A_902, %parallel_loop3A_903] {strides = array<i32>} : memref<32x1536xf32, #tpu.memory_space<vmem>>, vector<1x16xf32>,
      %parallel_loop3A_905 = vector.shape_cast %parallel_loop3A_904 : vector<1x16xf32> to vector<16xf32>
      %parallel_loop3A_906 = vector.shape_cast %parallel_loop3A_901 : vector<16xf32> to vector<1x16xf32>
      tpu.vector_store %arg18[%parallel_loop3A_902, %parallel_loop3A_903], %parallel_loop3A_906 {strides = array<i32>} : memref<32x1536xf32, #tpu.memory_space<vmem>>, vector<1x16xf32>,
      %parallel_loop3A_907 = arith.index_cast %parallel_loop3A_27 : i32 to index
      %parallel_loop3A_908 = arith.constant 400 : index
      %parallel_loop3A_909 = tpu.vector_load %arg14[%parallel_loop3A_907, %parallel_loop3A_908] {strides = array<i32>} : memref<32x512xf32, #tpu.memory_space<vmem>>, vector<1x16xf32>,
      %parallel_loop3A_910 = vector.shape_cast %parallel_loop3A_909 : vector<1x16xf32> to vector<16xf32>
      %parallel_loop3A_911 = arith.index_cast %parallel_loop3A_27 : i32 to index
      %parallel_loop3A_912 = arith.constant 400 : index
      %parallel_loop3A_913 = tpu.vector_load %arg15[%parallel_loop3A_911, %parallel_loop3A_912] {strides = array<i32>} : memref<32x512xf32, #tpu.memory_space<vmem>>, vector<1x16xf32>,
      %parallel_loop3A_914 = vector.shape_cast %parallel_loop3A_913 : vector<1x16xf32> to vector<16xf32>
      %parallel_loop3A_915 = arith.index_cast %parallel_loop3A_27 : i32 to index
      %parallel_loop3A_916 = arith.constant 400 : index
      %parallel_loop3A_917 = tpu.vector_load %arg16[%parallel_loop3A_915, %parallel_loop3A_916] {strides = array<i32>} : memref<32x512xf32, #tpu.memory_space<vmem>>, vector<1x16xf32>,
      %parallel_loop3A_918 = vector.shape_cast %parallel_loop3A_917 : vector<1x16xf32> to vector<16xf32>
      %parallel_loop3A_919 = arith.index_cast %parallel_loop3A_27 : i32 to index
      %parallel_loop3A_920 = arith.constant 400 : index
      %parallel_loop3A_921 = tpu.vector_load %arg17[%parallel_loop3A_919, %parallel_loop3A_920] {strides = array<i32>} : memref<32x512xf32, #tpu.memory_space<vmem>>, vector<1x16xf32>,
      %parallel_loop3A_922 = vector.shape_cast %parallel_loop3A_921 : vector<1x16xf32> to vector<16xf32>
      %parallel_loop3A_923 = arith.subf %parallel_loop3A_914, %parallel_loop3A_910 : vector<16xf32>
      %parallel_loop3A_924 = arith.index_cast %parallel_loop3A_27 : i32 to index
      %parallel_loop3A_925 = arith.constant 400 : index
      %parallel_loop3A_926 = tpu.vector_load %arg18[%parallel_loop3A_924, %parallel_loop3A_925] {strides = array<i32>} : memref<32x1536xf32, #tpu.memory_space<vmem>>, vector<1x16xf32>,
      %parallel_loop3A_927 = vector.shape_cast %parallel_loop3A_926 : vector<1x16xf32> to vector<16xf32>
      %parallel_loop3A_928 = vector.shape_cast %parallel_loop3A_923 : vector<16xf32> to vector<1x16xf32>
      tpu.vector_store %arg18[%parallel_loop3A_924, %parallel_loop3A_925], %parallel_loop3A_928 {strides = array<i32>} : memref<32x1536xf32, #tpu.memory_space<vmem>>, vector<1x16xf32>,
      %parallel_loop3A_929 = arith.subf %parallel_loop3A_922, %parallel_loop3A_910 : vector<16xf32>
      %parallel_loop3A_930 = arith.mulf %parallel_loop3A_929, %parallel_loop3A_31 : vector<16xf32>
      %parallel_loop3A_931 = arith.index_cast %parallel_loop3A_27 : i32 to index
      %parallel_loop3A_932 = arith.constant 912 : index
      %parallel_loop3A_933 = tpu.vector_load %arg18[%parallel_loop3A_931, %parallel_loop3A_932] {strides = array<i32>} : memref<32x1536xf32, #tpu.memory_space<vmem>>, vector<1x16xf32>,
      %parallel_loop3A_934 = vector.shape_cast %parallel_loop3A_933 : vector<1x16xf32> to vector<16xf32>
      %parallel_loop3A_935 = vector.shape_cast %parallel_loop3A_930 : vector<16xf32> to vector<1x16xf32>
      tpu.vector_store %arg18[%parallel_loop3A_931, %parallel_loop3A_932], %parallel_loop3A_935 {strides = array<i32>} : memref<32x1536xf32, #tpu.memory_space<vmem>>, vector<1x16xf32>,
      %parallel_loop3A_936 = arith.subf %parallel_loop3A_922, %parallel_loop3A_918 : vector<16xf32>
      %parallel_loop3A_937 = arith.index_cast %parallel_loop3A_27 : i32 to index
      %parallel_loop3A_938 = arith.constant 1424 : index
      %parallel_loop3A_939 = tpu.vector_load %arg18[%parallel_loop3A_937, %parallel_loop3A_938] {strides = array<i32>} : memref<32x1536xf32, #tpu.memory_space<vmem>>, vector<1x16xf32>,
      %parallel_loop3A_940 = vector.shape_cast %parallel_loop3A_939 : vector<1x16xf32> to vector<16xf32>
      %parallel_loop3A_941 = vector.shape_cast %parallel_loop3A_936 : vector<16xf32> to vector<1x16xf32>
      tpu.vector_store %arg18[%parallel_loop3A_937, %parallel_loop3A_938], %parallel_loop3A_941 {strides = array<i32>} : memref<32x1536xf32, #tpu.memory_space<vmem>>, vector<1x16xf32>,
      %parallel_loop3A_942 = arith.index_cast %parallel_loop3A_27 : i32 to index
      %parallel_loop3A_943 = arith.constant 416 : index
      %parallel_loop3A_944 = tpu.vector_load %arg14[%parallel_loop3A_942, %parallel_loop3A_943] {strides = array<i32>} : memref<32x512xf32, #tpu.memory_space<vmem>>, vector<1x16xf32>,
      %parallel_loop3A_945 = vector.shape_cast %parallel_loop3A_944 : vector<1x16xf32> to vector<16xf32>
      %parallel_loop3A_946 = arith.index_cast %parallel_loop3A_27 : i32 to index
      %parallel_loop3A_947 = arith.constant 416 : index
      %parallel_loop3A_948 = tpu.vector_load %arg15[%parallel_loop3A_946, %parallel_loop3A_947] {strides = array<i32>} : memref<32x512xf32, #tpu.memory_space<vmem>>, vector<1x16xf32>,
      %parallel_loop3A_949 = vector.shape_cast %parallel_loop3A_948 : vector<1x16xf32> to vector<16xf32>
      %parallel_loop3A_950 = arith.index_cast %parallel_loop3A_27 : i32 to index
      %parallel_loop3A_951 = arith.constant 416 : index
      %parallel_loop3A_952 = tpu.vector_load %arg16[%parallel_loop3A_950, %parallel_loop3A_951] {strides = array<i32>} : memref<32x512xf32, #tpu.memory_space<vmem>>, vector<1x16xf32>,
      %parallel_loop3A_953 = vector.shape_cast %parallel_loop3A_952 : vector<1x16xf32> to vector<16xf32>
      %parallel_loop3A_954 = arith.index_cast %parallel_loop3A_27 : i32 to index
      %parallel_loop3A_955 = arith.constant 416 : index
      %parallel_loop3A_956 = tpu.vector_load %arg17[%parallel_loop3A_954, %parallel_loop3A_955] {strides = array<i32>} : memref<32x512xf32, #tpu.memory_space<vmem>>, vector<1x16xf32>,
      %parallel_loop3A_957 = vector.shape_cast %parallel_loop3A_956 : vector<1x16xf32> to vector<16xf32>
      %parallel_loop3A_958 = arith.subf %parallel_loop3A_949, %parallel_loop3A_945 : vector<16xf32>
      %parallel_loop3A_959 = arith.index_cast %parallel_loop3A_27 : i32 to index
      %parallel_loop3A_960 = arith.constant 416 : index
      %parallel_loop3A_961 = tpu.vector_load %arg18[%parallel_loop3A_959, %parallel_loop3A_960] {strides = array<i32>} : memref<32x1536xf32, #tpu.memory_space<vmem>>, vector<1x16xf32>,
      %parallel_loop3A_962 = vector.shape_cast %parallel_loop3A_961 : vector<1x16xf32> to vector<16xf32>
      %parallel_loop3A_963 = vector.shape_cast %parallel_loop3A_958 : vector<16xf32> to vector<1x16xf32>
      tpu.vector_store %arg18[%parallel_loop3A_959, %parallel_loop3A_960], %parallel_loop3A_963 {strides = array<i32>} : memref<32x1536xf32, #tpu.memory_space<vmem>>, vector<1x16xf32>,
      %parallel_loop3A_964 = arith.subf %parallel_loop3A_957, %parallel_loop3A_945 : vector<16xf32>
      %parallel_loop3A_965 = arith.mulf %parallel_loop3A_964, %parallel_loop3A_31 : vector<16xf32>
      %parallel_loop3A_966 = arith.index_cast %parallel_loop3A_27 : i32 to index
      %parallel_loop3A_967 = arith.constant 928 : index
      %parallel_loop3A_968 = tpu.vector_load %arg18[%parallel_loop3A_966, %parallel_loop3A_967] {strides = array<i32>} : memref<32x1536xf32, #tpu.memory_space<vmem>>, vector<1x16xf32>,
      %parallel_loop3A_969 = vector.shape_cast %parallel_loop3A_968 : vector<1x16xf32> to vector<16xf32>
      %parallel_loop3A_970 = vector.shape_cast %parallel_loop3A_965 : vector<16xf32> to vector<1x16xf32>
      tpu.vector_store %arg18[%parallel_loop3A_966, %parallel_loop3A_967], %parallel_loop3A_970 {strides = array<i32>} : memref<32x1536xf32, #tpu.memory_space<vmem>>, vector<1x16xf32>,
      %parallel_loop3A_971 = arith.subf %parallel_loop3A_957, %parallel_loop3A_953 : vector<16xf32>
      %parallel_loop3A_972 = arith.index_cast %parallel_loop3A_27 : i32 to index
      %parallel_loop3A_973 = arith.constant 1440 : index
      %parallel_loop3A_974 = tpu.vector_load %arg18[%parallel_loop3A_972, %parallel_loop3A_973] {strides = array<i32>} : memref<32x1536xf32, #tpu.memory_space<vmem>>, vector<1x16xf32>,
      %parallel_loop3A_975 = vector.shape_cast %parallel_loop3A_974 : vector<1x16xf32> to vector<16xf32>
      %parallel_loop3A_976 = vector.shape_cast %parallel_loop3A_971 : vector<16xf32> to vector<1x16xf32>
      tpu.vector_store %arg18[%parallel_loop3A_972, %parallel_loop3A_973], %parallel_loop3A_976 {strides = array<i32>} : memref<32x1536xf32, #tpu.memory_space<vmem>>, vector<1x16xf32>,
      %parallel_loop3A_977 = arith.index_cast %parallel_loop3A_27 : i32 to index
      %parallel_loop3A_978 = arith.constant 432 : index
      %parallel_loop3A_979 = tpu.vector_load %arg14[%parallel_loop3A_977, %parallel_loop3A_978] {strides = array<i32>} : memref<32x512xf32, #tpu.memory_space<vmem>>, vector<1x16xf32>,
      %parallel_loop3A_980 = vector.shape_cast %parallel_loop3A_979 : vector<1x16xf32> to vector<16xf32>
      %parallel_loop3A_981 = arith.index_cast %parallel_loop3A_27 : i32 to index
      %parallel_loop3A_982 = arith.constant 432 : index
      %parallel_loop3A_983 = tpu.vector_load %arg15[%parallel_loop3A_981, %parallel_loop3A_982] {strides = array<i32>} : memref<32x512xf32, #tpu.memory_space<vmem>>, vector<1x16xf32>,
      %parallel_loop3A_984 = vector.shape_cast %parallel_loop3A_983 : vector<1x16xf32> to vector<16xf32>
      %parallel_loop3A_985 = arith.index_cast %parallel_loop3A_27 : i32 to index
      %parallel_loop3A_986 = arith.constant 432 : index
      %parallel_loop3A_987 = tpu.vector_load %arg16[%parallel_loop3A_985, %parallel_loop3A_986] {strides = array<i32>} : memref<32x512xf32, #tpu.memory_space<vmem>>, vector<1x16xf32>,
      %parallel_loop3A_988 = vector.shape_cast %parallel_loop3A_987 : vector<1x16xf32> to vector<16xf32>
      %parallel_loop3A_989 = arith.index_cast %parallel_loop3A_27 : i32 to index
      %parallel_loop3A_990 = arith.constant 432 : index
      %parallel_loop3A_991 = tpu.vector_load %arg17[%parallel_loop3A_989, %parallel_loop3A_990] {strides = array<i32>} : memref<32x512xf32, #tpu.memory_space<vmem>>, vector<1x16xf32>,
      %parallel_loop3A_992 = vector.shape_cast %parallel_loop3A_991 : vector<1x16xf32> to vector<16xf32>
      %parallel_loop3A_993 = arith.subf %parallel_loop3A_984, %parallel_loop3A_980 : vector<16xf32>
      %parallel_loop3A_994 = arith.index_cast %parallel_loop3A_27 : i32 to index
      %parallel_loop3A_995 = arith.constant 432 : index
      %parallel_loop3A_996 = tpu.vector_load %arg18[%parallel_loop3A_994, %parallel_loop3A_995] {strides = array<i32>} : memref<32x1536xf32, #tpu.memory_space<vmem>>, vector<1x16xf32>,
      %parallel_loop3A_997 = vector.shape_cast %parallel_loop3A_996 : vector<1x16xf32> to vector<16xf32>
      %parallel_loop3A_998 = vector.shape_cast %parallel_loop3A_993 : vector<16xf32> to vector<1x16xf32>
      tpu.vector_store %arg18[%parallel_loop3A_994, %parallel_loop3A_995], %parallel_loop3A_998 {strides = array<i32>} : memref<32x1536xf32, #tpu.memory_space<vmem>>, vector<1x16xf32>,
      %parallel_loop3A_999 = arith.subf %parallel_loop3A_992, %parallel_loop3A_980 : vector<16xf32>
      %parallel_loop3A_1000 = arith.mulf %parallel_loop3A_999, %parallel_loop3A_31 : vector<16xf32>
      %parallel_loop3A_1001 = arith.index_cast %parallel_loop3A_27 : i32 to index
      %parallel_loop3A_1002 = arith.constant 944 : index
      %parallel_loop3A_1003 = tpu.vector_load %arg18[%parallel_loop3A_1001, %parallel_loop3A_1002] {strides = array<i32>} : memref<32x1536xf32, #tpu.memory_space<vmem>>, vector<1x16xf32>,
      %parallel_loop3A_1004 = vector.shape_cast %parallel_loop3A_1003 : vector<1x16xf32> to vector<16xf32>
      %parallel_loop3A_1005 = vector.shape_cast %parallel_loop3A_1000 : vector<16xf32> to vector<1x16xf32>
      tpu.vector_store %arg18[%parallel_loop3A_1001, %parallel_loop3A_1002], %parallel_loop3A_1005 {strides = array<i32>} : memref<32x1536xf32, #tpu.memory_space<vmem>>, vector<1x16xf32>,
      %parallel_loop3A_1006 = arith.subf %parallel_loop3A_992, %parallel_loop3A_988 : vector<16xf32>
      %parallel_loop3A_1007 = arith.index_cast %parallel_loop3A_27 : i32 to index
      %parallel_loop3A_1008 = arith.constant 1456 : index
      %parallel_loop3A_1009 = tpu.vector_load %arg18[%parallel_loop3A_1007, %parallel_loop3A_1008] {strides = array<i32>} : memref<32x1536xf32, #tpu.memory_space<vmem>>, vector<1x16xf32>,
      %parallel_loop3A_1010 = vector.shape_cast %parallel_loop3A_1009 : vector<1x16xf32> to vector<16xf32>
      %parallel_loop3A_1011 = vector.shape_cast %parallel_loop3A_1006 : vector<16xf32> to vector<1x16xf32>
      tpu.vector_store %arg18[%parallel_loop3A_1007, %parallel_loop3A_1008], %parallel_loop3A_1011 {strides = array<i32>} : memref<32x1536xf32, #tpu.memory_space<vmem>>, vector<1x16xf32>,
      %parallel_loop3A_1012 = arith.index_cast %parallel_loop3A_27 : i32 to index
      %parallel_loop3A_1013 = arith.constant 448 : index
      %parallel_loop3A_1014 = tpu.vector_load %arg14[%parallel_loop3A_1012, %parallel_loop3A_1013] {strides = array<i32>} : memref<32x512xf32, #tpu.memory_space<vmem>>, vector<1x16xf32>,
      %parallel_loop3A_1015 = vector.shape_cast %parallel_loop3A_1014 : vector<1x16xf32> to vector<16xf32>
      %parallel_loop3A_1016 = arith.index_cast %parallel_loop3A_27 : i32 to index
      %parallel_loop3A_1017 = arith.constant 448 : index
      %parallel_loop3A_1018 = tpu.vector_load %arg15[%parallel_loop3A_1016, %parallel_loop3A_1017] {strides = array<i32>} : memref<32x512xf32, #tpu.memory_space<vmem>>, vector<1x16xf32>,
      %parallel_loop3A_1019 = vector.shape_cast %parallel_loop3A_1018 : vector<1x16xf32> to vector<16xf32>
      %parallel_loop3A_1020 = arith.index_cast %parallel_loop3A_27 : i32 to index
      %parallel_loop3A_1021 = arith.constant 448 : index
      %parallel_loop3A_1022 = tpu.vector_load %arg16[%parallel_loop3A_1020, %parallel_loop3A_1021] {strides = array<i32>} : memref<32x512xf32, #tpu.memory_space<vmem>>, vector<1x16xf32>,
      %parallel_loop3A_1023 = vector.shape_cast %parallel_loop3A_1022 : vector<1x16xf32> to vector<16xf32>
      %parallel_loop3A_1024 = arith.index_cast %parallel_loop3A_27 : i32 to index
      %parallel_loop3A_1025 = arith.constant 448 : index
      %parallel_loop3A_1026 = tpu.vector_load %arg17[%parallel_loop3A_1024, %parallel_loop3A_1025] {strides = array<i32>} : memref<32x512xf32, #tpu.memory_space<vmem>>, vector<1x16xf32>,
      %parallel_loop3A_1027 = vector.shape_cast %parallel_loop3A_1026 : vector<1x16xf32> to vector<16xf32>
      %parallel_loop3A_1028 = arith.subf %parallel_loop3A_1019, %parallel_loop3A_1015 : vector<16xf32>
      %parallel_loop3A_1029 = arith.index_cast %parallel_loop3A_27 : i32 to index
      %parallel_loop3A_1030 = arith.constant 448 : index
      %parallel_loop3A_1031 = tpu.vector_load %arg18[%parallel_loop3A_1029, %parallel_loop3A_1030] {strides = array<i32>} : memref<32x1536xf32, #tpu.memory_space<vmem>>, vector<1x16xf32>,
      %parallel_loop3A_1032 = vector.shape_cast %parallel_loop3A_1031 : vector<1x16xf32> to vector<16xf32>
      %parallel_loop3A_1033 = vector.shape_cast %parallel_loop3A_1028 : vector<16xf32> to vector<1x16xf32>
      tpu.vector_store %arg18[%parallel_loop3A_1029, %parallel_loop3A_1030], %parallel_loop3A_1033 {strides = array<i32>} : memref<32x1536xf32, #tpu.memory_space<vmem>>, vector<1x16xf32>,
      %parallel_loop3A_1034 = arith.subf %parallel_loop3A_1027, %parallel_loop3A_1015 : vector<16xf32>
      %parallel_loop3A_1035 = arith.mulf %parallel_loop3A_1034, %parallel_loop3A_31 : vector<16xf32>
      %parallel_loop3A_1036 = arith.index_cast %parallel_loop3A_27 : i32 to index
      %parallel_loop3A_1037 = arith.constant 960 : index
      %parallel_loop3A_1038 = tpu.vector_load %arg18[%parallel_loop3A_1036, %parallel_loop3A_1037] {strides = array<i32>} : memref<32x1536xf32, #tpu.memory_space<vmem>>, vector<1x16xf32>,
      %parallel_loop3A_1039 = vector.shape_cast %parallel_loop3A_1038 : vector<1x16xf32> to vector<16xf32>
      %parallel_loop3A_1040 = vector.shape_cast %parallel_loop3A_1035 : vector<16xf32> to vector<1x16xf32>
      tpu.vector_store %arg18[%parallel_loop3A_1036, %parallel_loop3A_1037], %parallel_loop3A_1040 {strides = array<i32>} : memref<32x1536xf32, #tpu.memory_space<vmem>>, vector<1x16xf32>,
      %parallel_loop3A_1041 = arith.subf %parallel_loop3A_1027, %parallel_loop3A_1023 : vector<16xf32>
      %parallel_loop3A_1042 = arith.index_cast %parallel_loop3A_27 : i32 to index
      %parallel_loop3A_1043 = arith.constant 1472 : index
      %parallel_loop3A_1044 = tpu.vector_load %arg18[%parallel_loop3A_1042, %parallel_loop3A_1043] {strides = array<i32>} : memref<32x1536xf32, #tpu.memory_space<vmem>>, vector<1x16xf32>,
      %parallel_loop3A_1045 = vector.shape_cast %parallel_loop3A_1044 : vector<1x16xf32> to vector<16xf32>
      %parallel_loop3A_1046 = vector.shape_cast %parallel_loop3A_1041 : vector<16xf32> to vector<1x16xf32>
      tpu.vector_store %arg18[%parallel_loop3A_1042, %parallel_loop3A_1043], %parallel_loop3A_1046 {strides = array<i32>} : memref<32x1536xf32, #tpu.memory_space<vmem>>, vector<1x16xf32>,
      %parallel_loop3A_1047 = arith.index_cast %parallel_loop3A_27 : i32 to index
      %parallel_loop3A_1048 = arith.constant 464 : index
      %parallel_loop3A_1049 = tpu.vector_load %arg14[%parallel_loop3A_1047, %parallel_loop3A_1048] {strides = array<i32>} : memref<32x512xf32, #tpu.memory_space<vmem>>, vector<1x16xf32>,
      %parallel_loop3A_1050 = vector.shape_cast %parallel_loop3A_1049 : vector<1x16xf32> to vector<16xf32>
      %parallel_loop3A_1051 = arith.index_cast %parallel_loop3A_27 : i32 to index
      %parallel_loop3A_1052 = arith.constant 464 : index
      %parallel_loop3A_1053 = tpu.vector_load %arg15[%parallel_loop3A_1051, %parallel_loop3A_1052] {strides = array<i32>} : memref<32x512xf32, #tpu.memory_space<vmem>>, vector<1x16xf32>,
      %parallel_loop3A_1054 = vector.shape_cast %parallel_loop3A_1053 : vector<1x16xf32> to vector<16xf32>
      %parallel_loop3A_1055 = arith.index_cast %parallel_loop3A_27 : i32 to index
      %parallel_loop3A_1056 = arith.constant 464 : index
      %parallel_loop3A_1057 = tpu.vector_load %arg16[%parallel_loop3A_1055, %parallel_loop3A_1056] {strides = array<i32>} : memref<32x512xf32, #tpu.memory_space<vmem>>, vector<1x16xf32>,
      %parallel_loop3A_1058 = vector.shape_cast %parallel_loop3A_1057 : vector<1x16xf32> to vector<16xf32>
      %parallel_loop3A_1059 = arith.index_cast %parallel_loop3A_27 : i32 to index
      %parallel_loop3A_1060 = arith.constant 464 : index
      %parallel_loop3A_1061 = tpu.vector_load %arg17[%parallel_loop3A_1059, %parallel_loop3A_1060] {strides = array<i32>} : memref<32x512xf32, #tpu.memory_space<vmem>>, vector<1x16xf32>,
      %parallel_loop3A_1062 = vector.shape_cast %parallel_loop3A_1061 : vector<1x16xf32> to vector<16xf32>
      %parallel_loop3A_1063 = arith.subf %parallel_loop3A_1054, %parallel_loop3A_1050 : vector<16xf32>
      %parallel_loop3A_1064 = arith.index_cast %parallel_loop3A_27 : i32 to index
      %parallel_loop3A_1065 = arith.constant 464 : index
      %parallel_loop3A_1066 = tpu.vector_load %arg18[%parallel_loop3A_1064, %parallel_loop3A_1065] {strides = array<i32>} : memref<32x1536xf32, #tpu.memory_space<vmem>>, vector<1x16xf32>,
      %parallel_loop3A_1067 = vector.shape_cast %parallel_loop3A_1066 : vector<1x16xf32> to vector<16xf32>
      %parallel_loop3A_1068 = vector.shape_cast %parallel_loop3A_1063 : vector<16xf32> to vector<1x16xf32>
      tpu.vector_store %arg18[%parallel_loop3A_1064, %parallel_loop3A_1065], %parallel_loop3A_1068 {strides = array<i32>} : memref<32x1536xf32, #tpu.memory_space<vmem>>, vector<1x16xf32>,
      %parallel_loop3A_1069 = arith.subf %parallel_loop3A_1062, %parallel_loop3A_1050 : vector<16xf32>
      %parallel_loop3A_1070 = arith.mulf %parallel_loop3A_1069, %parallel_loop3A_31 : vector<16xf32>
      %parallel_loop3A_1071 = arith.index_cast %parallel_loop3A_27 : i32 to index
      %parallel_loop3A_1072 = arith.constant 976 : index
      %parallel_loop3A_1073 = tpu.vector_load %arg18[%parallel_loop3A_1071, %parallel_loop3A_1072] {strides = array<i32>} : memref<32x1536xf32, #tpu.memory_space<vmem>>, vector<1x16xf32>,
      %parallel_loop3A_1074 = vector.shape_cast %parallel_loop3A_1073 : vector<1x16xf32> to vector<16xf32>
      %parallel_loop3A_1075 = vector.shape_cast %parallel_loop3A_1070 : vector<16xf32> to vector<1x16xf32>
      tpu.vector_store %arg18[%parallel_loop3A_1071, %parallel_loop3A_1072], %parallel_loop3A_1075 {strides = array<i32>} : memref<32x1536xf32, #tpu.memory_space<vmem>>, vector<1x16xf32>,
      %parallel_loop3A_1076 = arith.subf %parallel_loop3A_1062, %parallel_loop3A_1058 : vector<16xf32>
      %parallel_loop3A_1077 = arith.index_cast %parallel_loop3A_27 : i32 to index
      %parallel_loop3A_1078 = arith.constant 1488 : index
      %parallel_loop3A_1079 = tpu.vector_load %arg18[%parallel_loop3A_1077, %parallel_loop3A_1078] {strides = array<i32>} : memref<32x1536xf32, #tpu.memory_space<vmem>>, vector<1x16xf32>,
      %parallel_loop3A_1080 = vector.shape_cast %parallel_loop3A_1079 : vector<1x16xf32> to vector<16xf32>
      %parallel_loop3A_1081 = vector.shape_cast %parallel_loop3A_1076 : vector<16xf32> to vector<1x16xf32>
      tpu.vector_store %arg18[%parallel_loop3A_1077, %parallel_loop3A_1078], %parallel_loop3A_1081 {strides = array<i32>} : memref<32x1536xf32, #tpu.memory_space<vmem>>, vector<1x16xf32>,
      %parallel_loop3A_1082 = arith.index_cast %parallel_loop3A_27 : i32 to index
      %parallel_loop3A_1083 = arith.constant 480 : index
      %parallel_loop3A_1084 = tpu.vector_load %arg14[%parallel_loop3A_1082, %parallel_loop3A_1083] {strides = array<i32>} : memref<32x512xf32, #tpu.memory_space<vmem>>, vector<1x16xf32>,
      %parallel_loop3A_1085 = vector.shape_cast %parallel_loop3A_1084 : vector<1x16xf32> to vector<16xf32>
      %parallel_loop3A_1086 = arith.index_cast %parallel_loop3A_27 : i32 to index
      %parallel_loop3A_1087 = arith.constant 480 : index
      %parallel_loop3A_1088 = tpu.vector_load %arg15[%parallel_loop3A_1086, %parallel_loop3A_1087] {strides = array<i32>} : memref<32x512xf32, #tpu.memory_space<vmem>>, vector<1x16xf32>,
      %parallel_loop3A_1089 = vector.shape_cast %parallel_loop3A_1088 : vector<1x16xf32> to vector<16xf32>
      %parallel_loop3A_1090 = arith.index_cast %parallel_loop3A_27 : i32 to index
      %parallel_loop3A_1091 = arith.constant 480 : index
      %parallel_loop3A_1092 = tpu.vector_load %arg16[%parallel_loop3A_1090, %parallel_loop3A_1091] {strides = array<i32>} : memref<32x512xf32, #tpu.memory_space<vmem>>, vector<1x16xf32>,
      %parallel_loop3A_1093 = vector.shape_cast %parallel_loop3A_1092 : vector<1x16xf32> to vector<16xf32>
      %parallel_loop3A_1094 = arith.index_cast %parallel_loop3A_27 : i32 to index
      %parallel_loop3A_1095 = arith.constant 480 : index
      %parallel_loop3A_1096 = tpu.vector_load %arg17[%parallel_loop3A_1094, %parallel_loop3A_1095] {strides = array<i32>} : memref<32x512xf32, #tpu.memory_space<vmem>>, vector<1x16xf32>,
      %parallel_loop3A_1097 = vector.shape_cast %parallel_loop3A_1096 : vector<1x16xf32> to vector<16xf32>
      %parallel_loop3A_1098 = arith.subf %parallel_loop3A_1089, %parallel_loop3A_1085 : vector<16xf32>
      %parallel_loop3A_1099 = arith.index_cast %parallel_loop3A_27 : i32 to index
      %parallel_loop3A_1100 = arith.constant 480 : index
      %parallel_loop3A_1101 = tpu.vector_load %arg18[%parallel_loop3A_1099, %parallel_loop3A_1100] {strides = array<i32>} : memref<32x1536xf32, #tpu.memory_space<vmem>>, vector<1x16xf32>,
      %parallel_loop3A_1102 = vector.shape_cast %parallel_loop3A_1101 : vector<1x16xf32> to vector<16xf32>
      %parallel_loop3A_1103 = vector.shape_cast %parallel_loop3A_1098 : vector<16xf32> to vector<1x16xf32>
      tpu.vector_store %arg18[%parallel_loop3A_1099, %parallel_loop3A_1100], %parallel_loop3A_1103 {strides = array<i32>} : memref<32x1536xf32, #tpu.memory_space<vmem>>, vector<1x16xf32>,
      %parallel_loop3A_1104 = arith.subf %parallel_loop3A_1097, %parallel_loop3A_1085 : vector<16xf32>
      %parallel_loop3A_1105 = arith.mulf %parallel_loop3A_1104, %parallel_loop3A_31 : vector<16xf32>
      %parallel_loop3A_1106 = arith.index_cast %parallel_loop3A_27 : i32 to index
      %parallel_loop3A_1107 = arith.constant 992 : index
      %parallel_loop3A_1108 = tpu.vector_load %arg18[%parallel_loop3A_1106, %parallel_loop3A_1107] {strides = array<i32>} : memref<32x1536xf32, #tpu.memory_space<vmem>>, vector<1x16xf32>,
      %parallel_loop3A_1109 = vector.shape_cast %parallel_loop3A_1108 : vector<1x16xf32> to vector<16xf32>
      %parallel_loop3A_1110 = vector.shape_cast %parallel_loop3A_1105 : vector<16xf32> to vector<1x16xf32>
      tpu.vector_store %arg18[%parallel_loop3A_1106, %parallel_loop3A_1107], %parallel_loop3A_1110 {strides = array<i32>} : memref<32x1536xf32, #tpu.memory_space<vmem>>, vector<1x16xf32>,
      %parallel_loop3A_1111 = arith.subf %parallel_loop3A_1097, %parallel_loop3A_1093 : vector<16xf32>
      %parallel_loop3A_1112 = arith.index_cast %parallel_loop3A_27 : i32 to index
      %parallel_loop3A_1113 = arith.constant 1504 : index
      %parallel_loop3A_1114 = tpu.vector_load %arg18[%parallel_loop3A_1112, %parallel_loop3A_1113] {strides = array<i32>} : memref<32x1536xf32, #tpu.memory_space<vmem>>, vector<1x16xf32>,
      %parallel_loop3A_1115 = vector.shape_cast %parallel_loop3A_1114 : vector<1x16xf32> to vector<16xf32>
      %parallel_loop3A_1116 = vector.shape_cast %parallel_loop3A_1111 : vector<16xf32> to vector<1x16xf32>
      tpu.vector_store %arg18[%parallel_loop3A_1112, %parallel_loop3A_1113], %parallel_loop3A_1116 {strides = array<i32>} : memref<32x1536xf32, #tpu.memory_space<vmem>>, vector<1x16xf32>,
      %parallel_loop3A_1117 = arith.index_cast %parallel_loop3A_27 : i32 to index
      %parallel_loop3A_1118 = arith.constant 496 : index
      %parallel_loop3A_1119 = tpu.vector_load %arg14[%parallel_loop3A_1117, %parallel_loop3A_1118] {strides = array<i32>} : memref<32x512xf32, #tpu.memory_space<vmem>>, vector<1x16xf32>,
      %parallel_loop3A_1120 = vector.shape_cast %parallel_loop3A_1119 : vector<1x16xf32> to vector<16xf32>
      %parallel_loop3A_1121 = arith.index_cast %parallel_loop3A_27 : i32 to index
      %parallel_loop3A_1122 = arith.constant 496 : index
      %parallel_loop3A_1123 = tpu.vector_load %arg15[%parallel_loop3A_1121, %parallel_loop3A_1122] {strides = array<i32>} : memref<32x512xf32, #tpu.memory_space<vmem>>, vector<1x16xf32>,
      %parallel_loop3A_1124 = vector.shape_cast %parallel_loop3A_1123 : vector<1x16xf32> to vector<16xf32>
      %parallel_loop3A_1125 = arith.index_cast %parallel_loop3A_27 : i32 to index
      %parallel_loop3A_1126 = arith.constant 496 : index
      %parallel_loop3A_1127 = tpu.vector_load %arg16[%parallel_loop3A_1125, %parallel_loop3A_1126] {strides = array<i32>} : memref<32x512xf32, #tpu.memory_space<vmem>>, vector<1x16xf32>,
      %parallel_loop3A_1128 = vector.shape_cast %parallel_loop3A_1127 : vector<1x16xf32> to vector<16xf32>
      %parallel_loop3A_1129 = arith.index_cast %parallel_loop3A_27 : i32 to index
      %parallel_loop3A_1130 = arith.constant 496 : index
      %parallel_loop3A_1131 = tpu.vector_load %arg17[%parallel_loop3A_1129, %parallel_loop3A_1130] {strides = array<i32>} : memref<32x512xf32, #tpu.memory_space<vmem>>, vector<1x16xf32>,
      %parallel_loop3A_1132 = vector.shape_cast %parallel_loop3A_1131 : vector<1x16xf32> to vector<16xf32>
      %parallel_loop3A_1133 = arith.subf %parallel_loop3A_1124, %parallel_loop3A_1120 : vector<16xf32>
      %parallel_loop3A_1134 = arith.index_cast %parallel_loop3A_27 : i32 to index
      %parallel_loop3A_1135 = arith.constant 496 : index
      %parallel_loop3A_1136 = tpu.vector_load %arg18[%parallel_loop3A_1134, %parallel_loop3A_1135] {strides = array<i32>} : memref<32x1536xf32, #tpu.memory_space<vmem>>, vector<1x16xf32>,
      %parallel_loop3A_1137 = vector.shape_cast %parallel_loop3A_1136 : vector<1x16xf32> to vector<16xf32>
      %parallel_loop3A_1138 = vector.shape_cast %parallel_loop3A_1133 : vector<16xf32> to vector<1x16xf32>
      tpu.vector_store %arg18[%parallel_loop3A_1134, %parallel_loop3A_1135], %parallel_loop3A_1138 {strides = array<i32>} : memref<32x1536xf32, #tpu.memory_space<vmem>>, vector<1x16xf32>,
      %parallel_loop3A_1139 = arith.subf %parallel_loop3A_1132, %parallel_loop3A_1120 : vector<16xf32>
      %parallel_loop3A_1140 = arith.mulf %parallel_loop3A_1139, %parallel_loop3A_31 : vector<16xf32>
      %parallel_loop3A_1141 = arith.index_cast %parallel_loop3A_27 : i32 to index
      %parallel_loop3A_1142 = arith.constant 1008 : index
      %parallel_loop3A_1143 = tpu.vector_load %arg18[%parallel_loop3A_1141, %parallel_loop3A_1142] {strides = array<i32>} : memref<32x1536xf32, #tpu.memory_space<vmem>>, vector<1x16xf32>,
      %parallel_loop3A_1144 = vector.shape_cast %parallel_loop3A_1143 : vector<1x16xf32> to vector<16xf32>
      %parallel_loop3A_1145 = vector.shape_cast %parallel_loop3A_1140 : vector<16xf32> to vector<1x16xf32>
      tpu.vector_store %arg18[%parallel_loop3A_1141, %parallel_loop3A_1142], %parallel_loop3A_1145 {strides = array<i32>} : memref<32x1536xf32, #tpu.memory_space<vmem>>, vector<1x16xf32>,
      %parallel_loop3A_1146 = arith.subf %parallel_loop3A_1132, %parallel_loop3A_1128 : vector<16xf32>
      %parallel_loop3A_1147 = arith.index_cast %parallel_loop3A_27 : i32 to index
      %parallel_loop3A_1148 = arith.constant 1520 : index
      %parallel_loop3A_1149 = tpu.vector_load %arg18[%parallel_loop3A_1147, %parallel_loop3A_1148] {strides = array<i32>} : memref<32x1536xf32, #tpu.memory_space<vmem>>, vector<1x16xf32>,
      %parallel_loop3A_1150 = vector.shape_cast %parallel_loop3A_1149 : vector<1x16xf32> to vector<16xf32>
      %parallel_loop3A_1151 = vector.shape_cast %parallel_loop3A_1146 : vector<16xf32> to vector<1x16xf32>
      tpu.vector_store %arg18[%parallel_loop3A_1147, %parallel_loop3A_1148], %parallel_loop3A_1151 {strides = array<i32>} : memref<32x1536xf32, #tpu.memory_space<vmem>>, vector<1x16xf32>,
    } {sc.loop_unroll_factor = 1 : i64, sc.parallel_access}
    "tpu.region"() ({
      %run_scoped3A = tpu.sem_alloc : memref<!tpu.dma_semaphore, #tpu.memory_space<semaphore_mem>>
      %dma_start3A_27 = arith.constant 0 : i32
      %dma_start3A_28 = tpu.memref_slice %arg8[%mul3A_2, %dma_start3A_27] : memref<1024x1536xf32, #tpu.memory_space<hbm>> -> memref<32x1536xf32, #tpu.memory_space<hbm>>
      %dma_start3A_29 = arith.constant 0 : i32
      %dma_start3A_30 = tpu.memref_slice %arg8[%mul3A_2, %dma_start3A_29] : memref<1024x1536xf32, #tpu.memory_space<hbm>> -> memref<32x1536xf32, #tpu.memory_space<hbm>>
      tpu.enqueue_dma source(%arg18 : memref<32x1536xf32, #tpu.memory_space<vmem>>) target(%dma_start3A_30 : memref<32x1536xf32, #tpu.memory_space<hbm>>) target_semaphore(%run_scoped3A : memref<!tpu.dma_semaphore, #tpu.memory_space<semaphore_mem>>)
      %dma_wait3A_31 = arith.constant 0 : i32
      %dma_wait3A_32 = tpu.memref_slice %arg8[%mul3A_2, %dma_wait3A_31] : memref<1024x1536xf32, #tpu.memory_space<hbm>> -> memref<32x1536xf32, #tpu.memory_space<hbm>>
      %dma_wait3A_33 = arith.constant 0 : i32
      %dma_wait3A_34 = tpu.memref_slice %arg8[%mul3A_2, %dma_wait3A_33] : memref<1024x1536xf32, #tpu.memory_space<hbm>> -> memref<32x1536xf32, #tpu.memory_space<hbm>>
      tpu.wait_dma2 semaphore(%run_scoped3A : memref<!tpu.dma_semaphore, #tpu.memory_space<semaphore_mem>>) src(%arg18 : memref<32x1536xf32, #tpu.memory_space<vmem>>) dst(%dma_wait3A_34 : memref<32x1536xf32, #tpu.memory_space<hbm>>)
      tpu.yield
    }) : () -> ()
    return
  }
}

module attributes {stable_mosaic.version = 14 : i64} {
  func.func @_cumsum_tc_kernel(%arg0: i32, %arg1: memref<1x512x2048xf32, #tpu.memory_space<vmem>>, %arg2: memref<1x512x1xf32, #tpu.memory_space<vmem>>, %arg3: memref<1x2056x512xf32, #tpu.memory_space<vmem>>) attributes {dimension_semantics = [#tpu.dimension_semantics<arbitrary>], iteration_bounds = array<i64: 8>, scalar_prefetch = 0 : i64, scratch_operands = 0 : i64, tpu.core_type = #tpu.core_type<tc>, window_params = [{transform_indices = @transform_0, window_bounds = array<i64: 1, 512, 2048>}, {pipeline_mode = #tpu.pipeline_mode<synchronous>, transform_indices = @transform_1, window_bounds = array<i64: 1, 512, 1>}, {transform_indices = @transform_2, window_bounds = array<i64: 1, 2056, 512>}]} {
    %get3A = arith.constant 0 : index
    %get3A_0 = arith.constant 0 : index
    %get3A_1 = arith.constant 0 : index
    %get3A_2 = vector.load %arg2[%get3A, %get3A_0, %get3A_1] : memref<1x512x1xf32, #tpu.memory_space<vmem>>, vector<1x512x1xf32>
    %get3A_3 = vector.shape_cast %get3A_2 : vector<1x512x1xf32> to vector<512x1xf32>
    %reshape3A = vector.shape_cast %get3A_3 : vector<512x1xf32> to vector<1x512xf32>
    %broadcast_in_dim3A = vector.shape_cast %reshape3A : vector<1x512xf32> to vector<1x512xf32>
    %broadcast_in_dim3A_4 = vector.broadcast %broadcast_in_dim3A : vector<1x512xf32> to vector<8x512xf32>
    %swap3A = arith.constant 0 : index
    %swap3A_5 = arith.constant 0 : index
    %swap3A_6 = arith.constant 0 : index
    %swap3A_7 = vector.load %arg3[%swap3A, %swap3A_5, %swap3A_6] : memref<1x2056x512xf32, #tpu.memory_space<vmem>>, vector<1x8x512xf32>
    %swap3A_8 = vector.shape_cast %swap3A_7 : vector<1x8x512xf32> to vector<8x512xf32>
    %swap3A_9 = vector.shape_cast %broadcast_in_dim3A_4 : vector<8x512xf32> to vector<1x8x512xf32>
    tpu.vector_store %arg3[%swap3A, %swap3A_5, %swap3A_6], %swap3A_9 {strides = array<i32>} : memref<1x2056x512xf32, #tpu.memory_space<vmem>>, vector<1x8x512xf32>,
    %iota3A = tpu.iota {dimensions = array<i32: 0>} : vector<256x256xi32>
    %iota3A_10 = tpu.iota {dimensions = array<i32: 1>} : vector<256x256xi32>
    %le3A = arith.cmpi sle, %iota3A_10, %iota3A : vector<256x256xi32>
    %convert_element_type3A = arith.extui %le3A : vector<256x256xi1> to vector<256x256xi32>
    %convert_element_type3A_11 = arith.sitofp %convert_element_type3A : vector<256x256xi32> to vector<256x256xf32>
    %convert_element_type3A_12 = arith.truncf %convert_element_type3A_11 : vector<256x256xf32> to vector<256x256xbf16>
    %get3A_13 = arith.constant 0 : index
    %get3A_14 = arith.constant 0 : index
    %get3A_15 = arith.constant 0 : index
    %get3A_16 = vector.load %arg1[%get3A_13, %get3A_14, %get3A_15] : memref<1x512x2048xf32, #tpu.memory_space<vmem>>, vector<1x512x256xf32>
    %get3A_17 = vector.shape_cast %get3A_16 : vector<1x512x256xf32> to vector<512x256xf32>
    %convert_element_type3A_18 = arith.truncf %get3A_17 : vector<512x256xf32> to vector<512x256xbf16>
    %dot_general3A = arith.constant dense<0.000000e+00> : vector<256x512xf32>
    %dot_general3A_19 = tpu.matmul %convert_element_type3A_12, %convert_element_type3A_18, %dot_general3A {dimension_numbers = #tpu.dot_dimension_numbers<[1], [1], [0], [0], [0, 0, 1, 0], [], []>, transpose_lhs_hint = false} : vector<256x256xbf16>, vector<512x256xbf16>, vector<256x512xf32> -> vector<256x512xf32>
    %add3A = vector.broadcast %reshape3A : vector<1x512xf32> to vector<256x512xf32>
    %add3A_20 = arith.addf %dot_general3A_19, %add3A : vector<256x512xf32>
    %swap3A_21 = arith.constant 0 : index
    %swap3A_22 = arith.constant 8 : index
    %swap3A_23 = arith.constant 0 : index
    %swap3A_24 = vector.load %arg3[%swap3A_21, %swap3A_22, %swap3A_23] : memref<1x2056x512xf32, #tpu.memory_space<vmem>>, vector<1x256x512xf32>
    %swap3A_25 = vector.shape_cast %swap3A_24 : vector<1x256x512xf32> to vector<256x512xf32>
    %swap3A_26 = vector.shape_cast %add3A_20 : vector<256x512xf32> to vector<1x256x512xf32>
    tpu.vector_store %arg3[%swap3A_21, %swap3A_22, %swap3A_23], %swap3A_26 {strides = array<i32>} : memref<1x2056x512xf32, #tpu.memory_space<vmem>>, vector<1x256x512xf32>,
    %slice3A = vector.extract_strided_slice %add3A_20 {offsets = [255, 0], sizes = [1, 512], strides = [1, 1]} : vector<256x512xf32> to vector<1x512xf32>
    %get3A_27 = arith.constant 0 : index
    %get3A_28 = arith.constant 0 : index
    %get3A_29 = arith.constant 256 : index
    %get3A_30 = vector.load %arg1[%get3A_27, %get3A_28, %get3A_29] : memref<1x512x2048xf32, #tpu.memory_space<vmem>>, vector<1x512x256xf32>
    %get3A_31 = vector.shape_cast %get3A_30 : vector<1x512x256xf32> to vector<512x256xf32>
    %convert_element_type3A_32 = arith.truncf %get3A_31 : vector<512x256xf32> to vector<512x256xbf16>
    %dot_general3A_33 = arith.constant dense<0.000000e+00> : vector<256x512xf32>
    %dot_general3A_34 = tpu.matmul %convert_element_type3A_12, %convert_element_type3A_32, %dot_general3A_33 {dimension_numbers = #tpu.dot_dimension_numbers<[1], [1], [0], [0], [0, 0, 1, 0], [], []>, transpose_lhs_hint = false} : vector<256x256xbf16>, vector<512x256xbf16>, vector<256x512xf32> -> vector<256x512xf32>
    %add3A_35 = vector.broadcast %slice3A : vector<1x512xf32> to vector<256x512xf32>
    %add3A_36 = arith.addf %dot_general3A_34, %add3A_35 : vector<256x512xf32>
    %swap3A_37 = arith.constant 0 : index
    %swap3A_38 = arith.constant 264 : index
    %swap3A_39 = arith.constant 0 : index
    %swap3A_40 = vector.load %arg3[%swap3A_37, %swap3A_38, %swap3A_39] : memref<1x2056x512xf32, #tpu.memory_space<vmem>>, vector<1x256x512xf32>
    %swap3A_41 = vector.shape_cast %swap3A_40 : vector<1x256x512xf32> to vector<256x512xf32>
    %swap3A_42 = vector.shape_cast %add3A_36 : vector<256x512xf32> to vector<1x256x512xf32>
    tpu.vector_store %arg3[%swap3A_37, %swap3A_38, %swap3A_39], %swap3A_42 {strides = array<i32>} : memref<1x2056x512xf32, #tpu.memory_space<vmem>>, vector<1x256x512xf32>,
    %slice3A_43 = vector.extract_strided_slice %add3A_36 {offsets = [255, 0], sizes = [1, 512], strides = [1, 1]} : vector<256x512xf32> to vector<1x512xf32>
    %get3A_44 = arith.constant 0 : index
    %get3A_45 = arith.constant 0 : index
    %get3A_46 = arith.constant 512 : index
    %get3A_47 = vector.load %arg1[%get3A_44, %get3A_45, %get3A_46] : memref<1x512x2048xf32, #tpu.memory_space<vmem>>, vector<1x512x256xf32>
    %get3A_48 = vector.shape_cast %get3A_47 : vector<1x512x256xf32> to vector<512x256xf32>
    %convert_element_type3A_49 = arith.truncf %get3A_48 : vector<512x256xf32> to vector<512x256xbf16>
    %dot_general3A_50 = arith.constant dense<0.000000e+00> : vector<256x512xf32>
    %dot_general3A_51 = tpu.matmul %convert_element_type3A_12, %convert_element_type3A_49, %dot_general3A_50 {dimension_numbers = #tpu.dot_dimension_numbers<[1], [1], [0], [0], [0, 0, 1, 0], [], []>, transpose_lhs_hint = false} : vector<256x256xbf16>, vector<512x256xbf16>, vector<256x512xf32> -> vector<256x512xf32>
    %add3A_52 = vector.broadcast %slice3A_43 : vector<1x512xf32> to vector<256x512xf32>
    %add3A_53 = arith.addf %dot_general3A_51, %add3A_52 : vector<256x512xf32>
    %swap3A_54 = arith.constant 0 : index
    %swap3A_55 = arith.constant 520 : index
    %swap3A_56 = arith.constant 0 : index
    %swap3A_57 = vector.load %arg3[%swap3A_54, %swap3A_55, %swap3A_56] : memref<1x2056x512xf32, #tpu.memory_space<vmem>>, vector<1x256x512xf32>
    %swap3A_58 = vector.shape_cast %swap3A_57 : vector<1x256x512xf32> to vector<256x512xf32>
    %swap3A_59 = vector.shape_cast %add3A_53 : vector<256x512xf32> to vector<1x256x512xf32>
    tpu.vector_store %arg3[%swap3A_54, %swap3A_55, %swap3A_56], %swap3A_59 {strides = array<i32>} : memref<1x2056x512xf32, #tpu.memory_space<vmem>>, vector<1x256x512xf32>,
    %slice3A_60 = vector.extract_strided_slice %add3A_53 {offsets = [255, 0], sizes = [1, 512], strides = [1, 1]} : vector<256x512xf32> to vector<1x512xf32>
    %get3A_61 = arith.constant 0 : index
    %get3A_62 = arith.constant 0 : index
    %get3A_63 = arith.constant 768 : index
    %get3A_64 = vector.load %arg1[%get3A_61, %get3A_62, %get3A_63] : memref<1x512x2048xf32, #tpu.memory_space<vmem>>, vector<1x512x256xf32>
    %get3A_65 = vector.shape_cast %get3A_64 : vector<1x512x256xf32> to vector<512x256xf32>
    %convert_element_type3A_66 = arith.truncf %get3A_65 : vector<512x256xf32> to vector<512x256xbf16>
    %dot_general3A_67 = arith.constant dense<0.000000e+00> : vector<256x512xf32>
    %dot_general3A_68 = tpu.matmul %convert_element_type3A_12, %convert_element_type3A_66, %dot_general3A_67 {dimension_numbers = #tpu.dot_dimension_numbers<[1], [1], [0], [0], [0, 0, 1, 0], [], []>, transpose_lhs_hint = false} : vector<256x256xbf16>, vector<512x256xbf16>, vector<256x512xf32> -> vector<256x512xf32>
    %add3A_69 = vector.broadcast %slice3A_60 : vector<1x512xf32> to vector<256x512xf32>
    %add3A_70 = arith.addf %dot_general3A_68, %add3A_69 : vector<256x512xf32>
    %swap3A_71 = arith.constant 0 : index
    %swap3A_72 = arith.constant 776 : index
    %swap3A_73 = arith.constant 0 : index
    %swap3A_74 = vector.load %arg3[%swap3A_71, %swap3A_72, %swap3A_73] : memref<1x2056x512xf32, #tpu.memory_space<vmem>>, vector<1x256x512xf32>
    %swap3A_75 = vector.shape_cast %swap3A_74 : vector<1x256x512xf32> to vector<256x512xf32>
    %swap3A_76 = vector.shape_cast %add3A_70 : vector<256x512xf32> to vector<1x256x512xf32>
    tpu.vector_store %arg3[%swap3A_71, %swap3A_72, %swap3A_73], %swap3A_76 {strides = array<i32>} : memref<1x2056x512xf32, #tpu.memory_space<vmem>>, vector<1x256x512xf32>,
    %slice3A_77 = vector.extract_strided_slice %add3A_70 {offsets = [255, 0], sizes = [1, 512], strides = [1, 1]} : vector<256x512xf32> to vector<1x512xf32>
    %get3A_78 = arith.constant 0 : index
    %get3A_79 = arith.constant 0 : index
    %get3A_80 = arith.constant 1024 : index
    %get3A_81 = vector.load %arg1[%get3A_78, %get3A_79, %get3A_80] : memref<1x512x2048xf32, #tpu.memory_space<vmem>>, vector<1x512x256xf32>
    %get3A_82 = vector.shape_cast %get3A_81 : vector<1x512x256xf32> to vector<512x256xf32>
    %convert_element_type3A_83 = arith.truncf %get3A_82 : vector<512x256xf32> to vector<512x256xbf16>
    %dot_general3A_84 = arith.constant dense<0.000000e+00> : vector<256x512xf32>
    %dot_general3A_85 = tpu.matmul %convert_element_type3A_12, %convert_element_type3A_83, %dot_general3A_84 {dimension_numbers = #tpu.dot_dimension_numbers<[1], [1], [0], [0], [0, 0, 1, 0], [], []>, transpose_lhs_hint = false} : vector<256x256xbf16>, vector<512x256xbf16>, vector<256x512xf32> -> vector<256x512xf32>
    %add3A_86 = vector.broadcast %slice3A_77 : vector<1x512xf32> to vector<256x512xf32>
    %add3A_87 = arith.addf %dot_general3A_85, %add3A_86 : vector<256x512xf32>
    %swap3A_88 = arith.constant 0 : index
    %swap3A_89 = arith.constant 1032 : index
    %swap3A_90 = arith.constant 0 : index
    %swap3A_91 = vector.load %arg3[%swap3A_88, %swap3A_89, %swap3A_90] : memref<1x2056x512xf32, #tpu.memory_space<vmem>>, vector<1x256x512xf32>
    %swap3A_92 = vector.shape_cast %swap3A_91 : vector<1x256x512xf32> to vector<256x512xf32>
    %swap3A_93 = vector.shape_cast %add3A_87 : vector<256x512xf32> to vector<1x256x512xf32>
    tpu.vector_store %arg3[%swap3A_88, %swap3A_89, %swap3A_90], %swap3A_93 {strides = array<i32>} : memref<1x2056x512xf32, #tpu.memory_space<vmem>>, vector<1x256x512xf32>,
    %slice3A_94 = vector.extract_strided_slice %add3A_87 {offsets = [255, 0], sizes = [1, 512], strides = [1, 1]} : vector<256x512xf32> to vector<1x512xf32>
    %get3A_95 = arith.constant 0 : index
    %get3A_96 = arith.constant 0 : index
    %get3A_97 = arith.constant 1280 : index
    %get3A_98 = vector.load %arg1[%get3A_95, %get3A_96, %get3A_97] : memref<1x512x2048xf32, #tpu.memory_space<vmem>>, vector<1x512x256xf32>
    %get3A_99 = vector.shape_cast %get3A_98 : vector<1x512x256xf32> to vector<512x256xf32>
    %convert_element_type3A_100 = arith.truncf %get3A_99 : vector<512x256xf32> to vector<512x256xbf16>
    %dot_general3A_101 = arith.constant dense<0.000000e+00> : vector<256x512xf32>
    %dot_general3A_102 = tpu.matmul %convert_element_type3A_12, %convert_element_type3A_100, %dot_general3A_101 {dimension_numbers = #tpu.dot_dimension_numbers<[1], [1], [0], [0], [0, 0, 1, 0], [], []>, transpose_lhs_hint = false} : vector<256x256xbf16>, vector<512x256xbf16>, vector<256x512xf32> -> vector<256x512xf32>
    %add3A_103 = vector.broadcast %slice3A_94 : vector<1x512xf32> to vector<256x512xf32>
    %add3A_104 = arith.addf %dot_general3A_102, %add3A_103 : vector<256x512xf32>
    %swap3A_105 = arith.constant 0 : index
    %swap3A_106 = arith.constant 1288 : index
    %swap3A_107 = arith.constant 0 : index
    %swap3A_108 = vector.load %arg3[%swap3A_105, %swap3A_106, %swap3A_107] : memref<1x2056x512xf32, #tpu.memory_space<vmem>>, vector<1x256x512xf32>
    %swap3A_109 = vector.shape_cast %swap3A_108 : vector<1x256x512xf32> to vector<256x512xf32>
    %swap3A_110 = vector.shape_cast %add3A_104 : vector<256x512xf32> to vector<1x256x512xf32>
    tpu.vector_store %arg3[%swap3A_105, %swap3A_106, %swap3A_107], %swap3A_110 {strides = array<i32>} : memref<1x2056x512xf32, #tpu.memory_space<vmem>>, vector<1x256x512xf32>,
    %slice3A_111 = vector.extract_strided_slice %add3A_104 {offsets = [255, 0], sizes = [1, 512], strides = [1, 1]} : vector<256x512xf32> to vector<1x512xf32>
    %get3A_112 = arith.constant 0 : index
    %get3A_113 = arith.constant 0 : index
    %get3A_114 = arith.constant 1536 : index
    %get3A_115 = vector.load %arg1[%get3A_112, %get3A_113, %get3A_114] : memref<1x512x2048xf32, #tpu.memory_space<vmem>>, vector<1x512x256xf32>
    %get3A_116 = vector.shape_cast %get3A_115 : vector<1x512x256xf32> to vector<512x256xf32>
    %convert_element_type3A_117 = arith.truncf %get3A_116 : vector<512x256xf32> to vector<512x256xbf16>
    %dot_general3A_118 = arith.constant dense<0.000000e+00> : vector<256x512xf32>
    %dot_general3A_119 = tpu.matmul %convert_element_type3A_12, %convert_element_type3A_117, %dot_general3A_118 {dimension_numbers = #tpu.dot_dimension_numbers<[1], [1], [0], [0], [0, 0, 1, 0], [], []>, transpose_lhs_hint = false} : vector<256x256xbf16>, vector<512x256xbf16>, vector<256x512xf32> -> vector<256x512xf32>
    %add3A_120 = vector.broadcast %slice3A_111 : vector<1x512xf32> to vector<256x512xf32>
    %add3A_121 = arith.addf %dot_general3A_119, %add3A_120 : vector<256x512xf32>
    %swap3A_122 = arith.constant 0 : index
    %swap3A_123 = arith.constant 1544 : index
    %swap3A_124 = arith.constant 0 : index
    %swap3A_125 = vector.load %arg3[%swap3A_122, %swap3A_123, %swap3A_124] : memref<1x2056x512xf32, #tpu.memory_space<vmem>>, vector<1x256x512xf32>
    %swap3A_126 = vector.shape_cast %swap3A_125 : vector<1x256x512xf32> to vector<256x512xf32>
    %swap3A_127 = vector.shape_cast %add3A_121 : vector<256x512xf32> to vector<1x256x512xf32>
    tpu.vector_store %arg3[%swap3A_122, %swap3A_123, %swap3A_124], %swap3A_127 {strides = array<i32>} : memref<1x2056x512xf32, #tpu.memory_space<vmem>>, vector<1x256x512xf32>,
    %slice3A_128 = vector.extract_strided_slice %add3A_121 {offsets = [255, 0], sizes = [1, 512], strides = [1, 1]} : vector<256x512xf32> to vector<1x512xf32>
    %get3A_129 = arith.constant 0 : index
    %get3A_130 = arith.constant 0 : index
    %get3A_131 = arith.constant 1792 : index
    %get3A_132 = vector.load %arg1[%get3A_129, %get3A_130, %get3A_131] : memref<1x512x2048xf32, #tpu.memory_space<vmem>>, vector<1x512x256xf32>
    %get3A_133 = vector.shape_cast %get3A_132 : vector<1x512x256xf32> to vector<512x256xf32>
    %convert_element_type3A_134 = arith.truncf %get3A_133 : vector<512x256xf32> to vector<512x256xbf16>
    %dot_general3A_135 = arith.constant dense<0.000000e+00> : vector<256x512xf32>
    %dot_general3A_136 = tpu.matmul %convert_element_type3A_12, %convert_element_type3A_134, %dot_general3A_135 {dimension_numbers = #tpu.dot_dimension_numbers<[1], [1], [0], [0], [0, 0, 1, 0], [], []>, transpose_lhs_hint = false} : vector<256x256xbf16>, vector<512x256xbf16>, vector<256x512xf32> -> vector<256x512xf32>
    %add3A_137 = vector.broadcast %slice3A_128 : vector<1x512xf32> to vector<256x512xf32>
    %add3A_138 = arith.addf %dot_general3A_136, %add3A_137 : vector<256x512xf32>
    %swap3A_139 = arith.constant 0 : index
    %swap3A_140 = arith.constant 1800 : index
    %swap3A_141 = arith.constant 0 : index
    %swap3A_142 = vector.load %arg3[%swap3A_139, %swap3A_140, %swap3A_141] : memref<1x2056x512xf32, #tpu.memory_space<vmem>>, vector<1x256x512xf32>
    %swap3A_143 = vector.shape_cast %swap3A_142 : vector<1x256x512xf32> to vector<256x512xf32>
    %swap3A_144 = vector.shape_cast %add3A_138 : vector<256x512xf32> to vector<1x256x512xf32>
    tpu.vector_store %arg3[%swap3A_139, %swap3A_140, %swap3A_141], %swap3A_144 {strides = array<i32>} : memref<1x2056x512xf32, #tpu.memory_space<vmem>>, vector<1x256x512xf32>,
    return
  }
  func.func @transform_0(%arg0: i32) -> (i32, i32, i32) {
    %c0_i32 = arith.constant 0 : i32
    %c0_i32_0 = arith.constant 0 : i32
    %c0_i32_1 = arith.constant 0 : i32
    return %arg0, %c0_i32, %c0_i32_0 : i32, i32, i32
  }
  func.func @transform_1(%arg0: i32) -> (i32, i32, i32) {
    %c0_i32 = arith.constant 0 : i32
    %c0_i32_0 = arith.constant 0 : i32
    %c0_i32_1 = arith.constant 0 : i32
    %c0_i32_2 = arith.constant 0 : i32
    return %c0_i32, %c0_i32_0, %c0_i32_1 : i32, i32, i32
  }
  func.func @transform_2(%arg0: i32) -> (i32, i32, i32) {
    %c0_i32 = arith.constant 0 : i32
    %c0_i32_0 = arith.constant 0 : i32
    %c0_i32_1 = arith.constant 0 : i32
    return %arg0, %c0_i32, %c0_i32_0 : i32, i32, i32
  }
}

</mosaic_0001>

<sc_bundles>
// kernel: kernel.4.cloned.1.call-start
scs
__scs_entry_jumppad:
0x0: {  	(pc) =	sbr.rel $0x88, $3  }
0x1: {  	(tag) =	ssettag $0x0;
	lr =	simm.s32 $0x1  }
0x2: {  	[smem:$0x3F9E] =	sst lr;
	_ =	strace $0xD0000000  }
0x3: {  	_ = 	snop  }
0x4: {  	_ = 	snop  }
0x5: {  	_ = 	snop  }
0x6: {  	_ = 	snop  }
0x7: {  	_ = 	snop  }
__scs_overlays_trampoline_lowered:
0x8: {  	[smem:$0x3FAD] =	sst s0  }
0x9: {  	[smem:$0x3FAE] =	sst s1  }
0xa: {  	[smem:$0x3FAF] =	sst s2  }
0xb: {  	[smem:$0x3FB0] =	sst s3  }
0xc: {  	[smem:$0x3FB1] =	sst s4  }
0xd: {  	[smem:$0x3FB2] =	sst s5  }
0xe: {  	[smem:$0x3FB3] =	sst s6  }
0xf: {  	[smem:$0x3FB4] =	sst s7  }
0x10: {  	[smem:$0x3FB5] =	sst s8  }
0x11: {  	[smem:$0x3FB6] =	sst s9;
	s0 =	simm.s32 @!p0 $0x0  }
0x12: {  	s1 =	sld [smem:$0x3F9C];
	s0 =	simm.s32 @p0 $0x1  }
0x13: {  	[smem:$0x3FB7] =	sst s0;
	s0 =	simm.s32 @!p1 $0x0  }
0x14: {  	s2 =	sld [smem:$0x3F9B];
	s0 =	simm.s32 @p1 $0x1  }
0x15: {  	[smem:$0x3FB8] =	sst s0;
	s0 =	simm.s32 @!p2 $0x0  }
0x16: {  	s3 =	sld [smem:$0x3FDB];
	s0 =	simm.s32 @p2 $0x1  }
0x17: {  	s4 =	simm.s32 $0x1BF5;
	[smem:$0x3FBA] =	sst s0  }
0x18: {  	s0 =	sld [smem:$0x3F9D];
	_ =	swait.ge [sflag:s4], $0x0  }
0x19: {  	s7 =	sld [smem:$0x3F9E]  }
0x1a: {  	s8 =	sadd.s32 $0xFFFFE003, lr  }
0x1b: {  	s9 =	sadd.s32 $0xFFFFFEF7, lr;
	s5 =	simm.s32 $0xFFFFFFFF;
	p2 =	slt.u32 s8, $0xFFFFF086  }
0x1c: {  	p1 =	slt.u32 s9, $0xF7A;
	s5 =	simm.s32 @!p2 $0x0  }
0x1d: {  	s5 =	simm.s32 @p1 $0x1;
	p0 =	seq.s32 s7, s2  }
0x1e: {  	s7 =	smul.u32 @!p0 $0xF7A, s2;
	p2 =	seq.s32 @!p0 s5, $0x0  }
0x1f: {  	s9 =	smul.u32 $0xF7A, s1;
	s8 =	simm.s32 @!p0 $0x1BF5;
	p2 =	por !p2, p0  }
0x20: {  	[sflag:s8] =	ssyncset.s32 @!p0 $0xFFFFF086;
	s6 =	sadd.s32 @!p0 s3, s7;
	s7 =	simm.s32 @!p0 $0x108  }
0x21: {  	s3 =	sadd.s32 s3, s9;
	s6 =	sadd.s32 @!p0 $0x88, s6;
	s7 =	simm.s32 @p2 $0x1082  }
0x22: {  	[simem:s7], [sflag:s8] =	dma.local @!p0 [hbm:s6], $0xF7A  }
0x23: {  	s9 =	sor.u32 $0xD0000000, s2;
	s6 =	simm.s32 $0x108;
	_ =	swait.ge @!p0 [sflag:s8], $0x0  }
0x24: {  	s3 =	sadd.s32 $0x88, s3;
	s6 =	simm.s32 @!p1 $0x1082;
	[sflag:s4] =	ssyncset.s32 $0xFFFFF086  }
0x25: {  	[simem:s6], [sflag:s4] =	dma.local [hbm:s3], $0xF7A  }
0x26: {  	[smem:$0x3F9E] =	sst s1;
	(tag) =	ssettag s2;
	_ =	strace s9  }
0x27: {  	s1 =	sld [smem:$0x3FAE]  }
0x28: {  	s2 =	sld [smem:$0x3FAF]  }
0x29: {  	s4 =	sld [smem:$0x3FB1]  }
0x2a: {  	p0 =	seq.s32 s5, $0x0;
	s5 =	sld [smem:$0x3FB2]  }
0x2b: {  	s6 =	sld [smem:$0x3FB3]  }
0x2c: {  	s7 =	sld [smem:$0x3FB4]  }
0x2d: {  	s3 =	simm.s32 $0x108;
	s8 =	sld [smem:$0x3FB5]  }
0x2e: {  	s3 =	simm.s32 @!p0 $0x1082;
	s9 =	sld [smem:$0x3FB6]  }
0x2f: {  	lr =	sadd.s32 s0, s3;
	s0 =	sld [smem:$0x3FAD]  }
0x30: {  	s3 =	sld [smem:$0x3FB0]  }
0x31: {  	[smem:$0x3FB9] =	sst s10  }
0x32: {  	s10 =	sld [smem:$0x3FB7];
	_ =	sdelay $0x3  }
0x33: {  	p0 =	seq.s32 s10, $0x1;
	s10 =	sld [smem:$0x3FB9];
	_ =	sdelay $0x3  }
0x34: {  	[smem:$0x3FB9] =	sst s10  }
0x35: {  	s10 =	sld [smem:$0x3FB8];
	_ =	sdelay $0x3  }
0x36: {  	p1 =	seq.s32 s10, $0x1;
	s10 =	sld [smem:$0x3FB9];
	_ =	sdelay $0x3  }
0x37: {  	[smem:$0x3FB9] =	sst s10  }
0x38: {  	s10 =	sld [smem:$0x3FBA]  }
0x39: {  	_ = 	snop;
	(pc) =	sbr.ind lr, $3  }
0x3a: {  	_ = 	snop  }
0x3b: {  	_ = 	snop  }
0x3c: {  	p2 =	seq.s32 s10, $0x1;
	s10 =	sld [smem:$0x3FB9]  }
0x3d: {  	_ =	shalt  }
0x3e: {  	_ =	shalt  }
0x3f: {  	_ =	shalt  }
0x40: {  	_ =	shalt  }
0x41: {  	_ =	shalt  }
0x42: {  	_ =	shalt  }
0x43: {  	_ =	shalt  }
0x44: {  	_ =	shalt  }
0x45: {  	_ =	shalt  }
0x46: {  	_ =	shalt  }
0x47: {  	_ =	shalt  }
0x48: {  	_ =	shalt  }
0x49: {  	_ =	shalt  }
0x4a: {  	_ =	shalt  }
0x4b: {  	_ =	shalt  }
0x4c: {  	_ =	shalt  }
0x4d: {  	_ =	shalt  }
0x4e: {  	_ =	shalt  }
0x4f: {  	_ =	shalt  }
0x50: {  	_ =	shalt  }
0x51: {  	_ =	shalt  }
0x52: {  	_ =	shalt  }
0x53: {  	_ =	shalt  }
0x54: {  	_ =	shalt  }
0x55: {  	_ =	shalt  }
0x56: {  	_ =	shalt  }
0x57: {  	_ =	shalt  }
0x58: {  	_ =	shalt  }
0x59: {  	_ =	shalt  }
0x5a: {  	_ =	shalt  }
0x5b: {  	_ =	shalt  }
0x5c: {  	_ =	shalt  }
0x5d: {  	_ =	shalt  }
0x5e: {  	_ =	shalt  }
0x5f: {  	_ =	shalt  }
0x60: {  	_ =	shalt  }
0x61: {  	_ =	shalt  }
0x62: {  	_ =	shalt  }
0x63: {  	_ =	shalt  }
0x64: {  	_ =	shalt  }
0x65: {  	_ =	shalt  }
0x66: {  	_ =	shalt  }
0x67: {  	_ =	shalt  }
0x68: {  	_ =	shalt  }
0x69: {  	_ =	shalt  }
0x6a: {  	_ =	shalt  }
0x6b: {  	_ =	shalt  }
0x6c: {  	_ =	shalt  }
0x6d: {  	_ =	shalt  }
0x6e: {  	_ =	shalt  }
0x6f: {  	_ =	shalt  }
0x70: {  	_ =	shalt  }
0x71: {  	_ =	shalt  }
0x72: {  	_ =	shalt  }
0x73: {  	_ =	shalt  }
0x74: {  	_ =	shalt  }
0x75: {  	_ =	shalt  }
0x76: {  	_ =	shalt  }
0x77: {  	_ =	shalt  }
0x78: {  	_ =	shalt  }
0x79: {  	_ =	shalt  }
0x7a: {  	_ =	shalt  }
0x7b: {  	_ =	shalt  }
0x7c: {  	_ =	shalt  }
0x7d: {  	_ =	shalt  }
0x7e: {  	_ =	shalt  }
0x7f: {  	_ =	shalt  }
0x80: {  	_ =	shalt  }
0x81: {  	_ =	shalt  }
0x82: {  	_ =	shalt  }
0x83: {  	_ =	shalt  }
0x84: {  	_ =	shalt  }
0x85: {  	_ =	shalt  }
0x86: {  	_ =	shalt  }
0x87: {  	_ =	shalt  }
.Lfunc_end0:
.L_simem_size_0:
called_computation_lowered:
.L_overlay_start_0:
0x88: {  	s2 =	sld [smem:$0x3FD9]  }
0x89: {  	s3 =	sld [smem:$0x3FFE];
	_ =	sdelay $0x1  }
0x8a: {  	s1 =	srdreg.scid  }
0x8b: {  	s0 =	sand.u32 $0x1, s1  }
0x8c: {  	s14 =	sshll.u32 s0, $0xA;
	s2 =	sadd.s32 s3, s2  }
0x8d: {  	s2 =	sadd.s32 s2, s14  }
0x8e: {  	[smem:$0x3FC5] =	sst s2  }
0x8f: {  	_ = 	snop  }
0x90: {  	s2 =	sld [smem:$0x3FD0];
	_ =	sdelay $0x2  }
0x91: {  	s15 =	simm.s32 $0xA;
	s4 =	simm.s32 $0x10  }
0x92: {  	[smem:s4], [sflag:s15] =	dma.local [hbm:s2], $0x1  }
0x93: {  	_ =	swait.eq [sflag:s15], $0x1  }
0x94: {  	[sflag:s15] =	ssyncset.done $0x0  }
0x95: {  	[sflag:s15] =	ssyncadd.s32 $0xFFFFFFFF  }
0x96: {  	s16 =	sld [smem:$0x10];
	(tm) =	ssettm $0x1  }
0x97: {  	s17 =	sld [smem:$0x3FFB];
	_ =	sdelay $0x3  }
0x98: {  	_ =	strace s17  }
0x99: {  	s3 =	sld [smem:$0x3FFC];
	_ =	sdelay $0x3  }
0x9a: {  	_ =	strace s3  }
0x9b: {  	s3 =	sld [smem:$0x3FFD];
	_ =	sdelay $0x3  }
0x9c: {  	_ =	strace s3  }
0x9d: {  	_ =	strace $0x8FFFFFFF  }
0x9e: {  	s18 =	sld [smem:$0x3FDB];
	_ =	sdelay $0x1  }
0x9f: {  	s19 =	simm.s32 $_scs_section_size  }
0xa0: {  	s5 =	simm.s32 $_size__tile_overlayer_lowered;
	s6 =	simm.s32 $_tile_overlayer_lowered  }
0xa1: {  	s22 =	simm.s32 $0x1BFF;
	s21 =	sshll.u32 s6, $0x1;
	s3 =	sadd.s32 s19, s18  }
0xa2: {  	s7 =	simm.s32 $0x0;
	s20 =	sshll.u32 s5, $0x1;
	s5 =	sadd.s32 s21, s3  }
0xa3: {  	[timem:s7], [sflag:s22] =	dma.local [hbm:s5], s20  }
0xa4: {  	_ =	swait.ge [sflag:s22], s20  }
0xa5: {  	s4 =	ssub.s32 $0x0, s20;
	[sflag:s22] =	ssyncset.done $0x0  }
0xa6: {  	[sflag:s22] =	ssyncadd.s32 s4;
	_ =	sdelay $0x1  }
0xa7: {  	s23 =	simm.s32 $0x1B8B  }
0xa8: {  	_ =	swait.ge [sflag:s23], $0x1  }
0xa9: {  	[sflag:s23] =	ssyncset.done $0x0  }
0xaa: {  	s25 =	simm.s32 $0x1B8E;
	s24 =	sld [smem:$0x3FFE];
	[sflag:s23] =	ssyncadd.s32 $0xFFFFFFFF  }
0xab: {  	s26 =	simm.s32 $execute0_lowered;
	[smem:$0x3FD2] =	sst s25  }
0xac: {  	s5 =	sshll.u32 s26, $0x1;
	_ =	strace $0x80000046;
	[dreg:$0x1] =	wrdreg $0xFFFFFFFF  }
0xad: {  	s28 =	simm.s32 $_size_execute0_lowered;
	s3 =	sadd.s32 s3, s5;
	[dreg:$0x0] =	wrdreg $0x0  }
0xae: {  	s5 =	sshll.u32 s28, $0x1;
	[dreg:$0x2] =	wrdreg s3  }
0xaf: {  	[dreg:$0x3] =	wrdreg s5  }
0xb0: {  	[dreg:$0x4] =	wrdreg $0xC0  }
0xb1: {  	_ =	task [dreg:s7], $0x5FFFF  }
0xb2: {  	[dreg:$0x1] =	wrdreg $0xFFFFFFFF  }
0xb3: {  	[dreg:$0x0] =	wrdreg $0x60  }
0xb4: {  	[dreg:$0x2] =	wrdreg s24  }
0xb5: {  	[dreg:$0x3] =	wrdreg s16  }
0xb6: {  	[dreg:$0x4] =	wrdreg $0x9  }
0xb7: {  	_ =	task.clear_ibuf [dreg:s7], $0x5FFFF;
	_ =	strace $0x90000046  }
0xb8: {  	s29 =	simm.s32 $0x9;
	_ =	strace $0x80000048  }
0xb9: {  	_ =	swait.ge [sflag:s29], $0x1  }
0xba: {  	[sflag:s29] =	ssyncadd.s32 $0xFFFFFFFF  }
0xbb: {  	_ =	strace $0x90000048  }
0xbc: {  	_ =	sfence  }
0xbd: {  	s30 =	sld [smem:$0x0];
	_ =	sdelay $0x2  }
0xbe: {  	s31 =	sshll.u32 s1, $0xD;
	s1 =	sshrl.u32 s1, $0x2  }
0xbf: {  	s3 =	sand.u32 $0x4000, s31;
	s1 =	sadd.s32 s1, s30  }
0xc0: {  	s0 =	sor.u32 s3, s0;
	s1 =	sshll.u32 s1, $0x11  }
0xc1: {  	s0 =	sor.u32 s1, s0  }
0xc2: {  	s0 =	sadd.s32 $0x8F2B, s0  }
0xc3: {  	[sflag:s0] =	ssyncadd.remote.s32 $0x1  }
0xc4: {  	_ =	sfence.sel $0xFFFF  }
0xc5: {  	[dreg:$0x0] =	wrdreg $0xFFFFFFFF;
	(pc) =	sbr.abs _section_cstart, $3  }
0xc6: {  	[dreg:$0x1] =	wrdreg $0xFFFFFFFF  }
0xc7: {  	_ =	task.clear_ibuf [dreg:s7], $0x2FFFF;
	_ =	strace $0x9FFFFFFF  }
0xc8: {  	(tm) =	ssettm $0x7FFFFFFF  }
0xc9: {  	_ =	shalt  }
tec
execute0_lowered:
.L_overlay_start_1:
0x0: {  	(tag) =	ssettag $0x1  }
0x1: {  	s0 =	rddreg [dreg:$0x0]  }
0x2: {  	s1 =	rddreg [dreg:$0x1];
	s2 =	simm.s32 $0x0  }
0x3: {  	s3 =	srdreg.scid;
	s5 =	stileid.u32;
	s12 =	simm.s32 $0x5  }
0x4: {  	s29 =	simm.s32 $0x1;
	s30 =	simm.s32 $0x2;
	s4 =	sand.u32 $0x1, s3  }
0x5: {  	s31 =	simm.s32 $0x3;
	s5 =	sshll.u32 s5, $0x6;
	s6 =	sshll.u32 s4, $0x5  }
0x6: {  	s13 =	simm.s32 $0x0;
	[smem:$0x7FF] =	sst s2;
	s5 =	sor.u32 s6, s5  }
0x7: {  	s3 =	sadd.s32 $0x1200, s0;
	s9 =	sadd.s32 $0x1300, s0;
	s6 =	sshrl.u32 s5, $0x3  }
0x8: {  	_ =	strace $0x80000047;
	s4 =	ssub.s32 $0x2, s4;
	s8 =	sadd.s32 s6, s0  }
0x9: {  	s7 =	sshrl.u32 s4, $0x1;
	s5 =	sshll.u32 s5, $0x4;
	s24 =	sadd.s32 $0xE00, s8  }
0xa: {  	s4 =	ssub.s32 s4, s7;
	s25 =	sadd.s32 $0x1000, s8;
	[dreg:$0x3] =	wrdreg s24  }
0xb: {  	s5 =	sadd.s32 s5, s0;
	s26 =	sadd.s32 $0xC00, s8;
	[dreg:$0x4] =	wrdreg s25  }
0xc: {  	v2 =	vlaneseq.u32;
	s6 =	smul.u32 $0x600, s6;
	s28 =	sadd.s32 $0xA00, s8;
	[dreg:$0x5] =	wrdreg s26  }
0xd: {  	vm0 =	vmmov $0xffff;
	v1 =	vshrl.u32 v2, $0x3;
	s11 =	smax.u32 s4, $0x1;
	s5 =	sadd.s32 $0x102200, s5;
	[dreg:$0x6] =	wrdreg s28  }
0xe: {  	v0 =	vand.u32 $0x7, v2;
	v2 =	vor.u32 $0x8, v2;
	v1 =	vmul.u32 $0x8, v1;
	s0 =	simm.s32 $0x4;
	[dreg:$0x7] =	wrdreg s5;
	s10 =	sadd.s32 s1, s6  }
.LBB2_1:
0xf: {  	s1 =	rddreg [dreg:$0x3]  }
0x10: {  	[tilespmem:s2], [sflag:$0x5] =	stream.linear.gather [hbm4b:s1+s2], $0x20, $0x38;
	[tilespmem:$0x1D200] =	vst v63  }
0x11: {  	_ =	swait.ge [sflag:s12], $0x20  }
0x12: {  	[sflag:s12] =	ssyncset.done $0x0  }
0x13: {  	s4 =	simm.s32 $0x80;
	s7 =	rddreg [dreg:$0x4];
	[sflag:s12] =	ssyncadd.s32 $0xFFFFFFE0  }
0x14: {  	[tilespmem:s4], [sflag:$0x5] =	stream.linear.gather [hbm4b:s7+s2], $0x20, $0x38;
	[tilespmem:$0x1D200] =	vst v63  }
0x15: {  	_ =	swait.ge [sflag:s12], $0x20  }
0x16: {  	[sflag:s12] =	ssyncset.done $0x0  }
0x17: {  	s14 =	simm.s32 $0x100;
	s8 =	rddreg [dreg:$0x5];
	[sflag:s12] =	ssyncadd.s32 $0xFFFFFFE0  }
0x18: {  	[tilespmem:s14], [sflag:$0x5] =	stream.linear.gather [hbm4b:s8+s2], $0x20, $0x38;
	[tilespmem:$0x1D200] =	vst v63  }
0x19: {  	_ =	swait.ge [sflag:s12], $0x20  }
0x1a: {  	[sflag:s12] =	ssyncset.done $0x0  }
0x1b: {  	s16 =	simm.s32 $0x180;
	s15 =	rddreg [dreg:$0x6];
	[sflag:s12] =	ssyncadd.s32 $0xFFFFFFE0  }
0x1c: {  	[tilespmem:s16], [sflag:$0x5] =	stream.linear.gather [hbm4b:s15+s2], $0x20, $0x38;
	[tilespmem:$0x1D200] =	vst v63  }
0x1d: {  	_ =	swait.ge [sflag:s12], $0x20  }
0x1e: {  	[sflag:s12] =	ssyncset.done $0x0  }
0x1f: {  	s1 =	simm.s32 $0x200;
	s17 =	rddreg [dreg:$0x7];
	[sflag:s12] =	ssyncadd.s32 $0xFFFFFFE0  }
0x20: {  	[tilespmem:s1], [sflag:$0x5] =	stream.linear.gather [hbm4b:s17+s2], $0x1000, $0x38;
	[tilespmem:$0x1D200] =	vst v63  }
0x21: {  	_ =	swait.ge [sflag:s12], $0x1000  }
0x22: {  	[sflag:s12] =	ssyncset.done $0x0  }
0x23: {  	[sflag:s12] =	ssyncadd.s32 $0xFFFFF000  }
0x24: {  	v3 =	vld [tilespmem:$0x0];
	_ =	sdelay $0x4  }
0x25: {  	v4 =	vshll.u32 v3, $0x2  }
0x26: {  	v3 =	vand.u32 $0x7, v3;
	v4 =	vand.u32 $0xFFFFFFE0, v4  }
0x27: {  	v3 =	vor.u32 v3, v4  }
0x28: {  	v4 =	vperm.xlane v3, v0;
	_ =	sdelay $0x1  }
0x29: {  	v4 =	vadd.s32 v1, v4;
	_ =	sdelay $0x1  }
0x2a: {  	v3 =	vperm.xlane v3, v2;
	_ =	sdelay $0x1  }
0x2b: {  	s18 =	simm.s32 $0x1200;
	v3 =	vadd.s32 v1, v3  }
0x2c: {  	[tilespmem:s18], [sflag:$0x1] =	stream.indirect_vreg.gather [hbm4b:s3+s2], $0x80, v4, vm0, $0xb8;
	[tilespmem:$0x1D200] =	vst v63  }
0x2d: {  	s19 =	simm.s32 $0x1A00  }
0x2e: {  	[tilespmem:s19], [sflag:$0x1] =	stream.indirect_vreg.gather [hbm4b:s9+s2], $0x80, v4, vm0, $0xb8;
	[tilespmem:$0x1D200] =	vst v63  }
0x2f: {  	s20 =	simm.s32 $0x2200  }
0x30: {  	[tilespmem:s20], [sflag:$0x1] =	stream.indirect_vreg.gather [hbm4b:s3+s2], $0x80, v3, vm0, $0xb8;
	[tilespmem:$0x1D200] =	vst v63  }
0x31: {  	s21 =	simm.s32 $0x2A00  }
0x32: {  	[tilespmem:s21], [sflag:$0x1] =	stream.indirect_vreg.gather [hbm4b:s9+s2], $0x80, v3, vm0, $0xb8;
	[tilespmem:$0x1D200] =	vst v63  }
0x33: {  	v3 =	vld [tilespmem:$0x10];
	_ =	sdelay $0x4  }
0x34: {  	v4 =	vshll.u32 v3, $0x2  }
0x35: {  	v3 =	vand.u32 $0x7, v3;
	v4 =	vand.u32 $0xFFFFFFE0, v4  }
0x36: {  	v3 =	vor.u32 v3, v4  }
0x37: {  	v4 =	vperm.xlane v3, v0;
	_ =	sdelay $0x1  }
0x38: {  	v4 =	vadd.s32 v1, v4;
	_ =	sdelay $0x1  }
0x39: {  	v3 =	vperm.xlane v3, v2;
	_ =	sdelay $0x1  }
0x3a: {  	s22 =	simm.s32 $0x3200;
	v3 =	vadd.s32 v1, v3  }
0x3b: {  	[tilespmem:s22], [sflag:$0x1] =	stream.indirect_vreg.gather [hbm4b:s3+s2], $0x80, v4, vm0, $0xb8;
	[tilespmem:$0x1D200] =	vst v63  }
0x3c: {  	s23 =	simm.s32 $0x3A00  }
0x3d: {  	[tilespmem:s23], [sflag:$0x1] =	stream.indirect_vreg.gather [hbm4b:s9+s2], $0x80, v4, vm0, $0xb8;
	[tilespmem:$0x1D200] =	vst v63  }
0x3e: {  	s24 =	simm.s32 $0x4200  }
0x3f: {  	[tilespmem:s24], [sflag:$0x1] =	stream.indirect_vreg.gather [hbm4b:s3+s2], $0x80, v3, vm0, $0xb8;
	[tilespmem:$0x1D200] =	vst v63  }
0x40: {  	s25 =	simm.s32 $0x4A00  }
0x41: {  	[tilespmem:s25], [sflag:$0x1] =	stream.indirect_vreg.gather [hbm4b:s9+s2], $0x80, v3, vm0, $0xb8;
	[tilespmem:$0x1D200] =	vst v63  }
0x42: {  	v3 =	vld [tilespmem:$0x80];
	_ =	sdelay $0x4  }
0x43: {  	v4 =	vshll.u32 v3, $0x2  }
0x44: {  	v3 =	vand.u32 $0x7, v3;
	v4 =	vand.u32 $0xFFFFFFE0, v4  }
0x45: {  	v3 =	vor.u32 v3, v4  }
0x46: {  	v4 =	vperm.xlane v3, v0;
	_ =	sdelay $0x1  }
0x47: {  	v4 =	vadd.s32 v1, v4;
	_ =	sdelay $0x1  }
0x48: {  	v3 =	vperm.xlane v3, v2;
	_ =	sdelay $0x1  }
0x49: {  	s26 =	simm.s32 $0x5200;
	v3 =	vadd.s32 v1, v3  }
0x4a: {  	[tilespmem:s26], [sflag:$0x2] =	stream.indirect_vreg.gather [hbm4b:s3+s2], $0x80, v4, vm0, $0xb8;
	[tilespmem:$0x1D200] =	vst v63  }
0x4b: {  	s5 =	simm.s32 $0x5A00  }
0x4c: {  	[tilespmem:s5], [sflag:$0x2] =	stream.indirect_vreg.gather [hbm4b:s9+s2], $0x80, v4, vm0, $0xb8;
	[tilespmem:$0x1D200] =	vst v63  }
0x4d: {  	s6 =	simm.s32 $0x6200  }
0x4e: {  	[tilespmem:s6], [sflag:$0x2] =	stream.indirect_vreg.gather [hbm4b:s3+s2], $0x80, v3, vm0, $0xb8;
	[tilespmem:$0x1D200] =	vst v63  }
0x4f: {  	s7 =	simm.s32 $0x6A00  }
0x50: {  	[tilespmem:s7], [sflag:$0x2] =	stream.indirect_vreg.gather [hbm4b:s9+s2], $0x80, v3, vm0, $0xb8;
	[tilespmem:$0x1D200] =	vst v63  }
0x51: {  	v3 =	vld [tilespmem:$0x90];
	_ =	sdelay $0x4  }
0x52: {  	v4 =	vshll.u32 v3, $0x2  }
0x53: {  	v3 =	vand.u32 $0x7, v3;
	v4 =	vand.u32 $0xFFFFFFE0, v4  }
0x54: {  	v3 =	vor.u32 v3, v4  }
0x55: {  	v4 =	vperm.xlane v3, v0;
	_ =	sdelay $0x1  }
0x56: {  	v4 =	vadd.s32 v1, v4;
	_ =	sdelay $0x1  }
0x57: {  	v3 =	vperm.xlane v3, v2;
	_ =	sdelay $0x1  }
0x58: {  	s8 =	simm.s32 $0x7200;
	v3 =	vadd.s32 v1, v3  }
0x59: {  	[tilespmem:s8], [sflag:$0x2] =	stream.indirect_vreg.gather [hbm4b:s3+s2], $0x80, v4, vm0, $0xb8;
	[tilespmem:$0x1D200] =	vst v63  }
0x5a: {  	s14 =	simm.s32 $0x7A00  }
0x5b: {  	[tilespmem:s14], [sflag:$0x2] =	stream.indirect_vreg.gather [hbm4b:s9+s2], $0x80, v4, vm0, $0xb8;
	[tilespmem:$0x1D200] =	vst v63  }
0x5c: {  	s15 =	simm.s32 $0x8200  }
0x5d: {  	[tilespmem:s15], [sflag:$0x2] =	stream.indirect_vreg.gather [hbm4b:s3+s2], $0x80, v3, vm0, $0xb8;
	[tilespmem:$0x1D200] =	vst v63  }
0x5e: {  	s16 =	simm.s32 $0x8A00  }
0x5f: {  	[tilespmem:s16], [sflag:$0x2] =	stream.indirect_vreg.gather [hbm4b:s9+s2], $0x80, v3, vm0, $0xb8;
	[tilespmem:$0x1D200] =	vst v63  }
0x60: {  	v3 =	vld [tilespmem:$0x100];
	_ =	sdelay $0x4  }
0x61: {  	v4 =	vshll.u32 v3, $0x2  }
0x62: {  	v3 =	vand.u32 $0x7, v3;
	v4 =	vand.u32 $0xFFFFFFE0, v4  }
0x63: {  	v3 =	vor.u32 v3, v4  }
0x64: {  	v4 =	vperm.xlane v3, v0;
	_ =	sdelay $0x1  }
0x65: {  	v4 =	vadd.s32 v1, v4;
	_ =	sdelay $0x1  }
0x66: {  	v3 =	vperm.xlane v3, v2;
	_ =	sdelay $0x1  }
0x67: {  	s17 =	simm.s32 $0x9200;
	v3 =	vadd.s32 v1, v3  }
0x68: {  	[tilespmem:s17], [sflag:$0x3] =	stream.indirect_vreg.gather [hbm4b:s3+s2], $0x80, v4, vm0, $0xb8;
	[tilespmem:$0x1D200] =	vst v63  }
0x69: {  	s18 =	simm.s32 $0x9A00  }
0x6a: {  	[tilespmem:s18], [sflag:$0x3] =	stream.indirect_vreg.gather [hbm4b:s9+s2], $0x80, v4, vm0, $0xb8;
	[tilespmem:$0x1D200] =	vst v63  }
0x6b: {  	s19 =	simm.s32 $0xA200  }
0x6c: {  	[tilespmem:s19], [sflag:$0x3] =	stream.indirect_vreg.gather [hbm4b:s3+s2], $0x80, v3, vm0, $0xb8;
	[tilespmem:$0x1D200] =	vst v63  }
0x6d: {  	s20 =	simm.s32 $0xAA00  }
0x6e: {  	[tilespmem:s20], [sflag:$0x3] =	stream.indirect_vreg.gather [hbm4b:s9+s2], $0x80, v3, vm0, $0xb8;
	[tilespmem:$0x1D200] =	vst v63  }
0x6f: {  	v3 =	vld [tilespmem:$0x110];
	_ =	sdelay $0x4  }
0x70: {  	v4 =	vshll.u32 v3, $0x2  }
0x71: {  	v3 =	vand.u32 $0x7, v3;
	v4 =	vand.u32 $0xFFFFFFE0, v4  }
0x72: {  	v3 =	vor.u32 v3, v4  }
0x73: {  	v4 =	vperm.xlane v3, v0;
	_ =	sdelay $0x1  }
0x74: {  	v4 =	vadd.s32 v1, v4;
	_ =	sdelay $0x1  }
0x75: {  	v3 =	vperm.xlane v3, v2;
	_ =	sdelay $0x1  }
0x76: {  	s21 =	simm.s32 $0xB200;
	v3 =	vadd.s32 v1, v3  }
0x77: {  	[tilespmem:s21], [sflag:$0x3] =	stream.indirect_vreg.gather [hbm4b:s3+s2], $0x80, v4, vm0, $0xb8;
	[tilespmem:$0x1D200] =	vst v63  }
0x78: {  	s22 =	simm.s32 $0xBA00  }
0x79: {  	[tilespmem:s22], [sflag:$0x3] =	stream.indirect_vreg.gather [hbm4b:s9+s2], $0x80, v4, vm0, $0xb8;
	[tilespmem:$0x1D200] =	vst v63  }
0x7a: {  	s23 =	simm.s32 $0xC200  }
0x7b: {  	[tilespmem:s23], [sflag:$0x3] =	stream.indirect_vreg.gather [hbm4b:s3+s2], $0x80, v3, vm0, $0xb8;
	[tilespmem:$0x1D200] =	vst v63  }
0x7c: {  	s24 =	simm.s32 $0xCA00  }
0x7d: {  	[tilespmem:s24], [sflag:$0x3] =	stream.indirect_vreg.gather [hbm4b:s9+s2], $0x80, v3, vm0, $0xb8;
	[tilespmem:$0x1D200] =	vst v63  }
0x7e: {  	v3 =	vld [tilespmem:$0x180];
	_ =	sdelay $0x4  }
0x7f: {  	v4 =	vshll.u32 v3, $0x2  }
0x80: {  	v3 =	vand.u32 $0x7, v3;
	v4 =	vand.u32 $0xFFFFFFE0, v4  }
0x81: {  	v3 =	vor.u32 v3, v4  }
0x82: {  	v4 =	vperm.xlane v3, v0;
	_ =	sdelay $0x1  }
0x83: {  	v4 =	vadd.s32 v1, v4;
	_ =	sdelay $0x1  }
0x84: {  	v3 =	vperm.xlane v3, v2;
	_ =	sdelay $0x1  }
0x85: {  	s25 =	simm.s32 $0xD200;
	v3 =	vadd.s32 v1, v3  }
0x86: {  	[tilespmem:s25], [sflag:$0x4] =	stream.indirect_vreg.gather [hbm4b:s3+s2], $0x80, v4, vm0, $0xb8;
	[tilespmem:$0x1D200] =	vst v63  }
0x87: {  	s26 =	simm.s32 $0xDA00  }
0x88: {  	[tilespmem:s26], [sflag:$0x4] =	stream.indirect_vreg.gather [hbm4b:s9+s2], $0x80, v4, vm0, $0xb8;
	[tilespmem:$0x1D200] =	vst v63  }
0x89: {  	s5 =	simm.s32 $0xE200  }
0x8a: {  	[tilespmem:s5], [sflag:$0x4] =	stream.indirect_vreg.gather [hbm4b:s3+s2], $0x80, v3, vm0, $0xb8;
	[tilespmem:$0x1D200] =	vst v63  }
0x8b: {  	s6 =	simm.s32 $0xEA00  }
0x8c: {  	[tilespmem:s6], [sflag:$0x4] =	stream.indirect_vreg.gather [hbm4b:s9+s2], $0x80, v3, vm0, $0xb8;
	[tilespmem:$0x1D200] =	vst v63  }
0x8d: {  	v3 =	vld [tilespmem:$0x190];
	_ =	sdelay $0x4  }
0x8e: {  	v4 =	vshll.u32 v3, $0x2  }
0x8f: {  	v3 =	vand.u32 $0x7, v3;
	v4 =	vand.u32 $0xFFFFFFE0, v4  }
0x90: {  	v3 =	vor.u32 v3, v4  }
0x91: {  	v4 =	vperm.xlane v3, v0;
	_ =	sdelay $0x1  }
0x92: {  	v4 =	vadd.s32 v1, v4;
	_ =	sdelay $0x1  }
0x93: {  	v3 =	vperm.xlane v3, v2;
	_ =	sdelay $0x1  }
0x94: {  	s7 =	simm.s32 $0xF200;
	v3 =	vadd.s32 v1, v3  }
0x95: {  	[tilespmem:s7], [sflag:$0x4] =	stream.indirect_vreg.gather [hbm4b:s3+s2], $0x80, v4, vm0, $0xb8;
	[tilespmem:$0x1D200] =	vst v63  }
0x96: {  	s8 =	simm.s32 $0xFA00  }
0x97: {  	[tilespmem:s8], [sflag:$0x4] =	stream.indirect_vreg.gather [hbm4b:s9+s2], $0x80, v4, vm0, $0xb8;
	[tilespmem:$0x1D200] =	vst v63  }
0x98: {  	s14 =	simm.s32 $0x10200  }
0x99: {  	[tilespmem:s14], [sflag:$0x4] =	stream.indirect_vreg.gather [hbm4b:s3+s2], $0x80, v3, vm0, $0xb8;
	[tilespmem:$0x1D200] =	vst v63  }
0x9a: {  	s15 =	simm.s32 $0x10A00  }
0x9b: {  	[tilespmem:s15], [sflag:$0x4] =	stream.indirect_vreg.gather [hbm4b:s9+s2], $0x80, v3, vm0, $0xb8;
	[tilespmem:$0x1D200] =	vst v63  }
0x9c: {  	_ =	swait.ge [sflag:s29], $0x4000  }
0x9d: {  	[sflag:s29] =	ssyncset.done $0x0  }
0x9e: {  	[sflag:s29] =	ssyncadd.s32 $0xFFFFC000  }
0x9f: {  	_ =	swait.ge [sflag:s30], $0x4000  }
0xa0: {  	[sflag:s30] =	ssyncset.done $0x0  }
0xa1: {  	[sflag:s30] =	ssyncadd.s32 $0xFFFFC000  }
0xa2: {  	_ =	swait.ge [sflag:s31], $0x4000  }
0xa3: {  	[sflag:s31] =	ssyncset.done $0x0  }
0xa4: {  	[sflag:s31] =	ssyncadd.s32 $0xFFFFC000  }
0xa5: {  	_ =	swait.ge [sflag:s0], $0x4000  }
0xa6: {  	s16 =	simm.s32 $0x0;
	s5 =	sand.u32 $0x380, s2;
	[sflag:s0] =	ssyncset.done $0x0  }
0xa7: {  	s14 =	sor.u32 s5, s16;
	[sflag:s0] =	ssyncadd.s32 $0xFFFFC000  }
0xa8: {  	v4 =	vld [tilespmem:s14+$0x5200]  }
0xa9: {  	v5 =	vld [tilespmem:s14+$0x1200]  }
0xaa: {  	v6 =	vld [tilespmem:s14+$0xD200]  }
0xab: {  	v7 =	vld [tilespmem:s14+$0x9200]  }
0xac: {  	s17 =	simm.s32 $0x0;
	v3 =	vld [tilespmem:s1+$0x0]  }
0xad: {  	s1 =	smul.u32 $0xC000, s17;
	_ =	sdelay $0x1  }
0xae: {  	s1 =	sshra.s32 s1, $0x2;
	v4 =	vsub.f32 v4, v5;
	v5 =	vsub.f32 v6, v5  }
0xaf: {  	s1 =	sor.u32 s5, s1;
	v6 =	vsub.f32 v6, v7  }
0xb0: {  	[tilespmem:s1+$0x11200] =	vst v4;
	v4 =	vmul.f32 v5, v3  }
0xb1: {  	[tilespmem:s1+$0x13200] =	vst v6  }
0xb2: {  	[tilespmem:s1+$0x12200] =	vst v4  }
0xb3: {  	v4 =	vld [tilespmem:s14+$0x1210]  }
0xb4: {  	v5 =	vld [tilespmem:s14+$0xD210]  }
0xb5: {  	v6 =	vld [tilespmem:s14+$0x5210];
	_ =	sdelay $0x1  }
0xb6: {  	v7 =	vld [tilespmem:s14+$0x9210];
	_ =	sdelay $0x1  }
0xb7: {  	v8 =	vsub.f32 v5, v4  }
0xb8: {  	v4 =	vsub.f32 v6, v4  }
0xb9: {  	s15 =	sadd.s32 $0x11200, s1;
	v6 =	vmul.f32 v8, v3  }
0xba: {  	s18 =	sadd.s32 $0x12200, s1;
	[tilespmem:s15+$0x10] =	vst v4;
	v4 =	vsub.f32 v5, v7  }
0xbb: {  	s5 =	sadd.s32 $0x13200, s1;
	[tilespmem:s18+$0x10] =	vst v6  }
0xbc: {  	[tilespmem:s5+$0x10] =	vst v4  }
0xbd: {  	v4 =	vld [tilespmem:s14+$0x1220]  }
0xbe: {  	v5 =	vld [tilespmem:s14+$0xD220]  }
0xbf: {  	v6 =	vld [tilespmem:s14+$0x5220];
	_ =	sdelay $0x1  }
0xc0: {  	v7 =	vld [tilespmem:s14+$0x9220];
	_ =	sdelay $0x1  }
0xc1: {  	v8 =	vsub.f32 v5, v4  }
0xc2: {  	v4 =	vsub.f32 v6, v4  }
0xc3: {  	v6 =	vmul.f32 v8, v3  }
0xc4: {  	[tilespmem:s15+$0x20] =	vst v4;
	v4 =	vsub.f32 v5, v7  }
0xc5: {  	[tilespmem:s18+$0x20] =	vst v6  }
0xc6: {  	[tilespmem:s5+$0x20] =	vst v4  }
0xc7: {  	v4 =	vld [tilespmem:s14+$0x1230]  }
0xc8: {  	v5 =	vld [tilespmem:s14+$0xD230]  }
0xc9: {  	v6 =	vld [tilespmem:s14+$0x5230];
	_ =	sdelay $0x1  }
0xca: {  	v7 =	vld [tilespmem:s14+$0x9230];
	_ =	sdelay $0x1  }
0xcb: {  	v8 =	vsub.f32 v5, v4  }
0xcc: {  	v4 =	vsub.f32 v6, v4  }
0xcd: {  	v6 =	vmul.f32 v8, v3  }
0xce: {  	[tilespmem:s15+$0x30] =	vst v4;
	v4 =	vsub.f32 v5, v7  }
0xcf: {  	[tilespmem:s18+$0x30] =	vst v6  }
0xd0: {  	[tilespmem:s5+$0x30] =	vst v4  }
0xd1: {  	v4 =	vld [tilespmem:s14+$0x1240]  }
0xd2: {  	v5 =	vld [tilespmem:s14+$0xD240]  }
0xd3: {  	v6 =	vld [tilespmem:s14+$0x5240];
	_ =	sdelay $0x1  }
0xd4: {  	v7 =	vld [tilespmem:s14+$0x9240];
	_ =	sdelay $0x1  }
0xd5: {  	v8 =	vsub.f32 v5, v4  }
0xd6: {  	v4 =	vsub.f32 v6, v4  }
0xd7: {  	v6 =	vmul.f32 v8, v3  }
0xd8: {  	[tilespmem:s15+$0x40] =	vst v4;
	v4 =	vsub.f32 v5, v7  }
0xd9: {  	[tilespmem:s18+$0x40] =	vst v6  }
0xda: {  	[tilespmem:s5+$0x40] =	vst v4  }
0xdb: {  	v4 =	vld [tilespmem:s14+$0x1250]  }
0xdc: {  	v5 =	vld [tilespmem:s14+$0xD250]  }
0xdd: {  	v6 =	vld [tilespmem:s14+$0x5250];
	_ =	sdelay $0x1  }
0xde: {  	v7 =	vld [tilespmem:s14+$0x9250];
	_ =	sdelay $0x1  }
0xdf: {  	v8 =	vsub.f32 v5, v4  }
0xe0: {  	v4 =	vsub.f32 v6, v4  }
0xe1: {  	v6 =	vmul.f32 v8, v3  }
0xe2: {  	[tilespmem:s15+$0x50] =	vst v4;
	v4 =	vsub.f32 v5, v7  }
0xe3: {  	[tilespmem:s18+$0x50] =	vst v6  }
0xe4: {  	[tilespmem:s5+$0x50] =	vst v4  }
0xe5: {  	v4 =	vld [tilespmem:s14+$0x1260]  }
0xe6: {  	v5 =	vld [tilespmem:s14+$0xD260]  }
0xe7: {  	v6 =	vld [tilespmem:s14+$0x5260];
	_ =	sdelay $0x1  }
0xe8: {  	v7 =	vld [tilespmem:s14+$0x9260];
	_ =	sdelay $0x1  }
0xe9: {  	v8 =	vsub.f32 v5, v4  }
0xea: {  	v4 =	vsub.f32 v6, v4  }
0xeb: {  	v6 =	vmul.f32 v8, v3  }
0xec: {  	[tilespmem:s15+$0x60] =	vst v4;
	v4 =	vsub.f32 v5, v7  }
0xed: {  	[tilespmem:s18+$0x60] =	vst v6  }
0xee: {  	[tilespmem:s5+$0x60] =	vst v4  }
0xef: {  	v4 =	vld [tilespmem:s14+$0x1270]  }
0xf0: {  	v5 =	vld [tilespmem:s14+$0xD270]  }
0xf1: {  	v6 =	vld [tilespmem:s14+$0x5270];
	_ =	sdelay $0x1  }
0xf2: {  	v7 =	vld [tilespmem:s14+$0x9270];
	_ =	sdelay $0x1  }
0xf3: {  	v8 =	vsub.f32 v5, v4  }
0xf4: {  	v4 =	vsub.f32 v6, v4  }
0xf5: {  	v6 =	vmul.f32 v8, v3  }
0xf6: {  	[tilespmem:s15+$0x70] =	vst v4;
	v4 =	vsub.f32 v5, v7  }
0xf7: {  	[tilespmem:s18+$0x70] =	vst v6  }
0xf8: {  	[tilespmem:s5+$0x70] =	vst v4  }
0xf9: {  	v4 =	vld [tilespmem:s14+$0x5600]  }
0xfa: {  	v5 =	vld [tilespmem:s14+$0x1600]  }
0xfb: {  	v6 =	vld [tilespmem:s14+$0xD600]  }
0xfc: {  	v7 =	vld [tilespmem:s14+$0x9600];
	_ =	sdelay $0x3  }
0xfd: {  	v4 =	vsub.f32 v4, v5;
	v5 =	vsub.f32 v6, v5  }
0xfe: {  	v6 =	vsub.f32 v6, v7  }
0xff: {  	[tilespmem:s15+$0x400] =	vst v4;
	v4 =	vmul.f32 v5, v3  }
0x100: {  	[tilespmem:s1+$0x13600] =	vst v6  }
0x101: {  	[tilespmem:s1+$0x12600] =	vst v4  }
0x102: {  	v4 =	vld [tilespmem:s14+$0x1610]  }
0x103: {  	v5 =	vld [tilespmem:s14+$0xD610]  }
0x104: {  	v6 =	vld [tilespmem:s14+$0x5610];
	_ =	sdelay $0x1  }
0x105: {  	v7 =	vld [tilespmem:s14+$0x9610];
	_ =	sdelay $0x1  }
0x106: {  	v8 =	vsub.f32 v5, v4  }
0x107: {  	v4 =	vsub.f32 v6, v4  }
0x108: {  	v6 =	vmul.f32 v8, v3  }
0x109: {  	s6 =	sadd.s32 $0x12600, s1;
	[tilespmem:s15+$0x410] =	vst v4;
	v4 =	vsub.f32 v5, v7  }
0x10a: {  	s7 =	sadd.s32 $0x13600, s1;
	[tilespmem:s6+$0x10] =	vst v6  }
0x10b: {  	[tilespmem:s7+$0x10] =	vst v4  }
0x10c: {  	v4 =	vld [tilespmem:s14+$0x1620]  }
0x10d: {  	v5 =	vld [tilespmem:s14+$0xD620]  }
0x10e: {  	v6 =	vld [tilespmem:s14+$0x5620];
	_ =	sdelay $0x1  }
0x10f: {  	v7 =	vld [tilespmem:s14+$0x9620];
	_ =	sdelay $0x1  }
0x110: {  	v8 =	vsub.f32 v5, v4  }
0x111: {  	v4 =	vsub.f32 v6, v4  }
0x112: {  	v6 =	vmul.f32 v8, v3  }
0x113: {  	[tilespmem:s15+$0x420] =	vst v4;
	v4 =	vsub.f32 v5, v7  }
0x114: {  	[tilespmem:s6+$0x20] =	vst v6  }
0x115: {  	[tilespmem:s7+$0x20] =	vst v4  }
0x116: {  	v5 =	vld [tilespmem:s14+$0x1630]  }
0x117: {  	v6 =	vld [tilespmem:s14+$0xD630]  }
0x118: {  	v7 =	vld [tilespmem:s14+$0x5630];
	_ =	sdelay $0x1  }
0x119: {  	s19 =	simm.s32 $0x80;
	v8 =	vld [tilespmem:s14+$0x9630]  }
0x11a: {  	s4 =	sand.u32 $0x380, s19;
	s8 =	simm.s32 $0x0  }
0x11b: {  	s16 =	sor.u32 s4, s8;
	v9 =	vsub.f32 v6, v5  }
0x11c: {  	s20 =	simm.s32 $0x280;
	v10 =	vld [tilespmem:s16+$0x1200];
	v5 =	vsub.f32 v7, v5  }
0x11d: {  	v4 =	vld [tilespmem:s20+$0x0];
	v9 =	vmul.f32 v9, v3  }
0x11e: {  	v7 =	vld [tilespmem:s16+$0x5200];
	[tilespmem:s15+$0x430] =	vst v5;
	v5 =	vsub.f32 v6, v8  }
0x11f: {  	v6 =	vld [tilespmem:s16+$0xD200];
	[tilespmem:s6+$0x30] =	vst v9  }
0x120: {  	v8 =	vld [tilespmem:s16+$0x9200];
	[tilespmem:s7+$0x30] =	vst v5  }
0x121: {  	s21 =	simm.s32 $0x0;
	v5 =	vld [tilespmem:s14+$0x1640]  }
0x122: {  	s5 =	smul.u32 $0xC000, s21;
	v9 =	vld [tilespmem:s14+$0xD640]  }
0x123: {  	v11 =	vld [tilespmem:s14+$0x5640]  }
0x124: {  	s5 =	sshra.s32 s5, $0x2;
	v7 =	vsub.f32 v7, v10;
	v10 =	vsub.f32 v6, v10  }
0x125: {  	s18 =	sor.u32 s4, s5;
	v6 =	vsub.f32 v6, v8;
	v8 =	vld [tilespmem:s14+$0x9640]  }
0x126: {  	[tilespmem:s18+$0x11200] =	vst v7;
	v7 =	vmul.f32 v10, v4  }
0x127: {  	[tilespmem:s18+$0x13200] =	vst v6;
	v6 =	vsub.f32 v9, v5  }
0x128: {  	[tilespmem:s18+$0x12200] =	vst v7;
	v5 =	vsub.f32 v11, v5  }
0x129: {  	v7 =	vld [tilespmem:s16+$0x1210];
	v6 =	vmul.f32 v6, v3  }
0x12a: {  	v10 =	vld [tilespmem:s16+$0xD210];
	[tilespmem:s15+$0x440] =	vst v5;
	v5 =	vsub.f32 v9, v8  }
0x12b: {  	v8 =	vld [tilespmem:s16+$0x5210];
	[tilespmem:s6+$0x40] =	vst v6  }
0x12c: {  	v6 =	vld [tilespmem:s16+$0x9210];
	[tilespmem:s7+$0x40] =	vst v5  }
0x12d: {  	v5 =	vld [tilespmem:s14+$0x1650]  }
0x12e: {  	v9 =	vld [tilespmem:s14+$0xD650]  }
0x12f: {  	v11 =	vsub.f32 v10, v7;
	v12 =	vld [tilespmem:s14+$0x5650]  }
0x130: {  	v7 =	vsub.f32 v8, v7  }
0x131: {  	s17 =	sadd.s32 $0x11200, s18;
	v8 =	vmul.f32 v11, v4;
	v11 =	vld [tilespmem:s14+$0x9650]  }
0x132: {  	s4 =	sadd.s32 $0x12200, s18;
	[tilespmem:s17+$0x10] =	vst v7;
	v6 =	vsub.f32 v10, v6  }
0x133: {  	s5 =	sadd.s32 $0x13200, s18;
	[tilespmem:s4+$0x10] =	vst v8;
	v7 =	vsub.f32 v9, v5  }
0x134: {  	[tilespmem:s5+$0x10] =	vst v6;
	v5 =	vsub.f32 v12, v5  }
0x135: {  	v6 =	vld [tilespmem:s16+$0x1220];
	v7 =	vmul.f32 v7, v3  }
0x136: {  	v8 =	vld [tilespmem:s16+$0xD220];
	[tilespmem:s15+$0x450] =	vst v5;
	v5 =	vsub.f32 v9, v11  }
0x137: {  	v9 =	vld [tilespmem:s16+$0x5220];
	[tilespmem:s6+$0x50] =	vst v7  }
0x138: {  	v7 =	vld [tilespmem:s16+$0x9220];
	[tilespmem:s7+$0x50] =	vst v5  }
0x139: {  	v5 =	vld [tilespmem:s14+$0x1660]  }
0x13a: {  	v10 =	vld [tilespmem:s14+$0xD660]  }
0x13b: {  	v11 =	vsub.f32 v8, v6;
	v19 =	vld [tilespmem:s14+$0x5660]  }
0x13c: {  	v6 =	vsub.f32 v9, v6  }
0x13d: {  	v9 =	vmul.f32 v11, v4;
	v11 =	vld [tilespmem:s14+$0x9660]  }
0x13e: {  	[tilespmem:s17+$0x20] =	vst v6;
	v6 =	vsub.f32 v8, v7  }
0x13f: {  	[tilespmem:s4+$0x20] =	vst v9;
	v7 =	vsub.f32 v10, v5  }
0x140: {  	[tilespmem:s5+$0x20] =	vst v6;
	v5 =	vsub.f32 v19, v5  }
0x141: {  	v6 =	vld [tilespmem:s16+$0x1230];
	v7 =	vmul.f32 v7, v3  }
0x142: {  	v8 =	vld [tilespmem:s16+$0xD230];
	[tilespmem:s15+$0x460] =	vst v5;
	v5 =	vsub.f32 v10, v11  }
0x143: {  	v9 =	vld [tilespmem:s16+$0x5230];
	[tilespmem:s6+$0x60] =	vst v7  }
0x144: {  	v7 =	vld [tilespmem:s16+$0x9230];
	[tilespmem:s7+$0x60] =	vst v5  }
0x145: {  	v5 =	vld [tilespmem:s14+$0x1670]  }
0x146: {  	v10 =	vld [tilespmem:s14+$0xD670]  }
0x147: {  	v11 =	vsub.f32 v8, v6;
	v20 =	vld [tilespmem:s14+$0x5670]  }
0x148: {  	v6 =	vsub.f32 v9, v6  }
0x149: {  	v9 =	vmul.f32 v11, v4;
	v11 =	vld [tilespmem:s14+$0x9670]  }
0x14a: {  	[tilespmem:s17+$0x30] =	vst v6;
	v6 =	vsub.f32 v8, v7  }
0x14b: {  	[tilespmem:s4+$0x30] =	vst v9;
	v7 =	vsub.f32 v10, v5  }
0x14c: {  	[tilespmem:s5+$0x30] =	vst v6;
	v5 =	vsub.f32 v20, v5  }
0x14d: {  	v6 =	vld [tilespmem:s16+$0x1240];
	v7 =	vmul.f32 v7, v3  }
0x14e: {  	v8 =	vld [tilespmem:s16+$0xD240];
	[tilespmem:s15+$0x470] =	vst v5;
	v5 =	vsub.f32 v10, v11  }
0x14f: {  	v9 =	vld [tilespmem:s16+$0x5240];
	[tilespmem:s6+$0x70] =	vst v7  }
0x150: {  	v7 =	vld [tilespmem:s16+$0x9240];
	[tilespmem:s7+$0x70] =	vst v5  }
0x151: {  	v5 =	vld [tilespmem:s14+$0x5A00]  }
0x152: {  	v10 =	vld [tilespmem:s14+$0x1A00]  }
0x153: {  	v11 =	vsub.f32 v8, v6;
	v21 =	vld [tilespmem:s14+$0xDA00]  }
0x154: {  	v6 =	vsub.f32 v9, v6;
	v9 =	vld [tilespmem:s14+$0x9A00]  }
0x155: {  	v11 =	vmul.f32 v11, v4  }
0x156: {  	[tilespmem:s17+$0x40] =	vst v6;
	v6 =	vsub.f32 v8, v7  }
0x157: {  	[tilespmem:s4+$0x40] =	vst v11  }
0x158: {  	[tilespmem:s5+$0x40] =	vst v6;
	v5 =	vsub.f32 v5, v10;
	v6 =	vsub.f32 v21, v10  }
0x159: {  	v8 =	vsub.f32 v21, v9;
	v7 =	vld [tilespmem:s16+$0x1250]  }
0x15a: {  	v9 =	vld [tilespmem:s16+$0xD250];
	[tilespmem:s15+$0x800] =	vst v5;
	v5 =	vmul.f32 v6, v3  }
0x15b: {  	v6 =	vld [tilespmem:s16+$0x5250];
	[tilespmem:s1+$0x13A00] =	vst v8  }
0x15c: {  	v8 =	vld [tilespmem:s16+$0x9250];
	[tilespmem:s1+$0x12A00] =	vst v5  }
0x15d: {  	v5 =	vld [tilespmem:s14+$0x1A10]  }
0x15e: {  	v10 =	vld [tilespmem:s14+$0xDA10]  }
0x15f: {  	v22 =	vld [tilespmem:s14+$0x5A10];
	v11 =	vsub.f32 v9, v7  }
0x160: {  	v6 =	vsub.f32 v6, v7  }
0x161: {  	v7 =	vmul.f32 v11, v4;
	v11 =	vld [tilespmem:s14+$0x9A10]  }
0x162: {  	[tilespmem:s17+$0x50] =	vst v6;
	v6 =	vsub.f32 v9, v8  }
0x163: {  	[tilespmem:s4+$0x50] =	vst v7;
	v7 =	vsub.f32 v10, v5  }
0x164: {  	v5 =	vsub.f32 v22, v5;
	[tilespmem:s5+$0x50] =	vst v6  }
0x165: {  	v6 =	vld [tilespmem:s16+$0x1260];
	v7 =	vmul.f32 v7, v3  }
0x166: {  	s7 =	sadd.s32 $0x12A00, s1;
	v8 =	vld [tilespmem:s16+$0xD260];
	[tilespmem:s15+$0x810] =	vst v5;
	v5 =	vsub.f32 v10, v11  }
0x167: {  	s6 =	sadd.s32 $0x13A00, s1;
	v9 =	vld [tilespmem:s16+$0x5260];
	[tilespmem:s7+$0x10] =	vst v7  }
0x168: {  	v7 =	vld [tilespmem:s16+$0x9260];
	[tilespmem:s6+$0x10] =	vst v5  }
0x169: {  	v5 =	vld [tilespmem:s14+$0x1A20]  }
0x16a: {  	v10 =	vld [tilespmem:s14+$0xDA20]  }
0x16b: {  	v23 =	vld [tilespmem:s14+$0x5A20];
	v11 =	vsub.f32 v8, v6  }
0x16c: {  	v6 =	vsub.f32 v9, v6  }
0x16d: {  	v9 =	vmul.f32 v11, v4;
	v11 =	vld [tilespmem:s14+$0x9A20]  }
0x16e: {  	[tilespmem:s17+$0x60] =	vst v6;
	v6 =	vsub.f32 v8, v7  }
0x16f: {  	[tilespmem:s4+$0x60] =	vst v9;
	v7 =	vsub.f32 v10, v5  }
0x170: {  	v5 =	vsub.f32 v23, v5;
	[tilespmem:s5+$0x60] =	vst v6  }
0x171: {  	v6 =	vmul.f32 v7, v3;
	v7 =	vld [tilespmem:s16+$0x1270]  }
0x172: {  	[tilespmem:s15+$0x820] =	vst v5;
	v8 =	vld [tilespmem:s16+$0xD270];
	v5 =	vsub.f32 v10, v11  }
0x173: {  	v9 =	vld [tilespmem:s16+$0x5270];
	[tilespmem:s7+$0x20] =	vst v6  }
0x174: {  	v6 =	vld [tilespmem:s16+$0x9270];
	[tilespmem:s6+$0x20] =	vst v5  }
0x175: {  	v10 =	vld [tilespmem:s14+$0x1A30]  }
0x176: {  	v11 =	vld [tilespmem:s14+$0xDA30]  }
0x177: {  	v24 =	vld [tilespmem:s14+$0x5A30];
	v5 =	vsub.f32 v8, v7  }
0x178: {  	v7 =	vsub.f32 v9, v7  }
0x179: {  	s25 =	simm.s32 $0x100;
	v9 =	vld [tilespmem:s14+$0x9A30];
	v5 =	vmul.f32 v5, v4  }
0x17a: {  	s22 =	simm.s32 $0x0;
	s23 =	sand.u32 $0x380, s25;
	[tilespmem:s17+$0x70] =	vst v7;
	v6 =	vsub.f32 v8, v6  }
0x17b: {  	s19 =	sor.u32 s23, s22;
	[tilespmem:s4+$0x70] =	vst v5;
	v7 =	vsub.f32 v11, v10  }
0x17c: {  	v13 =	vld [tilespmem:s19+$0x5200];
	[tilespmem:s5+$0x70] =	vst v6;
	v6 =	vsub.f32 v24, v10  }
0x17d: {  	v8 =	vld [tilespmem:s16+$0x5600];
	v7 =	vmul.f32 v7, v3  }
0x17e: {  	v10 =	vld [tilespmem:s16+$0x1600];
	[tilespmem:s15+$0x830] =	vst v6;
	v6 =	vsub.f32 v11, v9  }
0x17f: {  	v9 =	vld [tilespmem:s16+$0xD600];
	[tilespmem:s7+$0x30] =	vst v7  }
0x180: {  	v7 =	vld [tilespmem:s16+$0x9600];
	[tilespmem:s6+$0x30] =	vst v6  }
0x181: {  	v6 =	vld [tilespmem:s14+$0x1A40]  }
0x182: {  	v11 =	vld [tilespmem:s14+$0xDA40]  }
0x183: {  	v25 =	vld [tilespmem:s14+$0x5A40]  }
0x184: {  	v14 =	vld [tilespmem:s19+$0x9200];
	v8 =	vsub.f32 v8, v10;
	v10 =	vsub.f32 v9, v10  }
0x185: {  	v7 =	vsub.f32 v9, v7;
	v9 =	vld [tilespmem:s14+$0x9A40]  }
0x186: {  	s24 =	simm.s32 $0x300;
	v15 =	vld [tilespmem:s19+$0xD200];
	[tilespmem:s17+$0x400] =	vst v8;
	v8 =	vmul.f32 v10, v4  }
0x187: {  	v5 =	vld [tilespmem:s24+$0x0];
	[tilespmem:s18+$0x13600] =	vst v7;
	v7 =	vsub.f32 v11, v6  }
0x188: {  	v10 =	vld [tilespmem:s19+$0x1200];
	v6 =	vsub.f32 v25, v6;
	[tilespmem:s18+$0x12600] =	vst v8  }
0x189: {  	v8 =	vld [tilespmem:s16+$0x1610];
	v7 =	vmul.f32 v7, v3  }
0x18a: {  	s26 =	simm.s32 $0x0;
	v26 =	vld [tilespmem:s16+$0xD610];
	[tilespmem:s15+$0x840] =	vst v6;
	v6 =	vsub.f32 v11, v9  }
0x18b: {  	s4 =	smul.u32 $0xC000, s26;
	v9 =	vld [tilespmem:s16+$0x5610];
	[tilespmem:s7+$0x40] =	vst v7  }
0x18c: {  	v7 =	vld [tilespmem:s16+$0x9610];
	[tilespmem:s6+$0x40] =	vst v6  }
0x18d: {  	s4 =	sshra.s32 s4, $0x2;
	v6 =	vsub.f32 v13, v10;
	v10 =	vsub.f32 v15, v10;
	v11 =	vld [tilespmem:s14+$0x1A50]  }
0x18e: {  	v27 =	vsub.f32 v15, v14;
	s20 =	sor.u32 s23, s4;
	v28 =	vld [tilespmem:s14+$0xDA50]  }
0x18f: {  	v29 =	vld [tilespmem:s14+$0x5A50];
	[tilespmem:s20+$0x11200] =	vst v6;
	v6 =	vmul.f32 v10, v5;
	v10 =	vsub.f32 v26, v8  }
0x190: {  	[tilespmem:s20+$0x13200] =	vst v27;
	v8 =	vsub.f32 v9, v8  }
0x191: {  	v9 =	vld [tilespmem:s14+$0x9A50];
	[tilespmem:s20+$0x12200] =	vst v6;
	v6 =	vmul.f32 v10, v4  }
0x192: {  	s4 =	sadd.s32 $0x12600, s18;
	v7 =	vsub.f32 v26, v7;
	[tilespmem:s17+$0x410] =	vst v8  }
0x193: {  	s8 =	sadd.s32 $0x13600, s18;
	[tilespmem:s4+$0x10] =	vst v6;
	v6 =	vsub.f32 v28, v11  }
0x194: {  	v8 =	vld [tilespmem:s19+$0x1210];
	[tilespmem:s8+$0x10] =	vst v7;
	v7 =	vsub.f32 v29, v11  }
0x195: {  	v10 =	vld [tilespmem:s16+$0x1620];
	v6 =	vmul.f32 v6, v3  }
0x196: {  	v11 =	vld [tilespmem:s16+$0xD620];
	[tilespmem:s15+$0x850] =	vst v7;
	v7 =	vsub.f32 v28, v9  }
0x197: {  	v9 =	vld [tilespmem:s16+$0x5620];
	[tilespmem:s7+$0x50] =	vst v6  }
0x198: {  	v6 =	vld [tilespmem:s16+$0x9620];
	[tilespmem:s6+$0x50] =	vst v7  }
0x199: {  	v7 =	vld [tilespmem:s14+$0x1A60]  }
0x19a: {  	v30 =	vld [tilespmem:s14+$0xDA60]  }
0x19b: {  	v32 =	vld [tilespmem:s14+$0x5A60];
	v31 =	vsub.f32 v11, v10  }
0x19c: {  	v33 =	vld [tilespmem:s19+$0xD210];
	v9 =	vsub.f32 v9, v10  }
0x19d: {  	v34 =	vld [tilespmem:s14+$0x9A60];
	v10 =	vmul.f32 v31, v4  }
0x19e: {  	v16 =	vld [tilespmem:s19+$0x5210];
	v6 =	vsub.f32 v11, v6;
	[tilespmem:s17+$0x420] =	vst v9  }
0x19f: {  	[tilespmem:s4+$0x20] =	vst v10;
	v9 =	vsub.f32 v30, v7  }
0x1a0: {  	v10 =	vld [tilespmem:s19+$0x9210];
	[tilespmem:s8+$0x20] =	vst v6;
	v6 =	vsub.f32 v32, v7  }
0x1a1: {  	v7 =	vld [tilespmem:s16+$0x1630];
	v9 =	vmul.f32 v9, v3  }
0x1a2: {  	v11 =	vsub.f32 v33, v8;
	v35 =	vld [tilespmem:s16+$0xD630];
	[tilespmem:s15+$0x860] =	vst v6;
	v6 =	vsub.f32 v30, v34  }
0x1a3: {  	v8 =	vsub.f32 v16, v8;
	v36 =	vld [tilespmem:s16+$0x5630];
	[tilespmem:s7+$0x60] =	vst v9  }
0x1a4: {  	s21 =	sadd.s32 $0x11200, s20;
	v9 =	vmul.f32 v11, v5;
	v11 =	vld [tilespmem:s16+$0x9630];
	[tilespmem:s6+$0x60] =	vst v6  }
0x1a5: {  	s26 =	sadd.s32 $0x12200, s20;
	[tilespmem:s21+$0x10] =	vst v8;
	v6 =	vsub.f32 v33, v10;
	v8 =	vld [tilespmem:s14+$0x1A70]  }
0x1a6: {  	s28 =	sadd.s32 $0x13200, s20;
	[tilespmem:s26+$0x10] =	vst v9;
	v9 =	vld [tilespmem:s14+$0xDA70]  }
0x1a7: {  	v10 =	vld [tilespmem:s14+$0x5A70];
	[tilespmem:s28+$0x10] =	vst v6;
	v6 =	vsub.f32 v35, v7  }
0x1a8: {  	v38 =	vld [tilespmem:s14+$0x9A70];
	v7 =	vsub.f32 v36, v7  }
0x1a9: {  	v37 =	vld [tilespmem:s19+$0x1220];
	v6 =	vmul.f32 v6, v4  }
0x1aa: {  	v39 =	vld [tilespmem:s19+$0xD220];
	[tilespmem:s17+$0x430] =	vst v7;
	v7 =	vsub.f32 v35, v11  }
0x1ab: {  	v11 =	vld [tilespmem:s19+$0x5220];
	[tilespmem:s4+$0x30] =	vst v6;
	v6 =	vsub.f32 v9, v8  }
0x1ac: {  	v40 =	vld [tilespmem:s19+$0x9220];
	[tilespmem:s8+$0x30] =	vst v7;
	v7 =	vsub.f32 v10, v8  }
0x1ad: {  	v8 =	vld [tilespmem:s16+$0x1640];
	v6 =	vmul.f32 v6, v3  }
0x1ae: {  	v10 =	vld [tilespmem:s16+$0xD640];
	[tilespmem:s15+$0x870] =	vst v7;
	v7 =	vsub.f32 v9, v38  }
0x1af: {  	v9 =	vld [tilespmem:s16+$0x5640];
	[tilespmem:s7+$0x70] =	vst v6;
	v6 =	vsub.f32 v39, v37  }
0x1b0: {  	v41 =	vld [tilespmem:s16+$0x9640];
	v11 =	vsub.f32 v11, v37;
	[tilespmem:s6+$0x70] =	vst v7  }
0x1b1: {  	v6 =	vmul.f32 v6, v5;
	v7 =	vld [tilespmem:s14+$0x5E00]  }
0x1b2: {  	[tilespmem:s21+$0x20] =	vst v11;
	v11 =	vsub.f32 v39, v40;
	v42 =	vld [tilespmem:s14+$0x1E00]  }
0x1b3: {  	v43 =	vld [tilespmem:s14+$0xDE00];
	[tilespmem:s26+$0x20] =	vst v6;
	v6 =	vsub.f32 v10, v8  }
0x1b4: {  	v8 =	vsub.f32 v9, v8;
	v9 =	vld [tilespmem:s14+$0x9E00];
	[tilespmem:s28+$0x20] =	vst v11  }
0x1b5: {  	v11 =	vld [tilespmem:s19+$0x5230];
	v6 =	vmul.f32 v6, v4  }
0x1b6: {  	v44 =	vld [tilespmem:s19+$0x1230];
	[tilespmem:s17+$0x440] =	vst v8;
	v8 =	vsub.f32 v10, v41  }
0x1b7: {  	v10 =	vld [tilespmem:s19+$0xD230];
	[tilespmem:s4+$0x40] =	vst v6  }
0x1b8: {  	v7 =	vsub.f32 v7, v42;
	v6 =	vld [tilespmem:s19+$0x9230];
	[tilespmem:s8+$0x40] =	vst v8;
	v8 =	vsub.f32 v43, v42  }
0x1b9: {  	v9 =	vsub.f32 v43, v9;
	v45 =	vld [tilespmem:s16+$0x1650]  }
0x1ba: {  	[tilespmem:s15+$0xC00] =	vst v7;
	v46 =	vld [tilespmem:s16+$0xD650];
	v7 =	vmul.f32 v8, v3  }
0x1bb: {  	v8 =	vld [tilespmem:s16+$0x5650];
	[tilespmem:s1+$0x13E00] =	vst v9  }
0x1bc: {  	v47 =	vld [tilespmem:s16+$0x9650];
	v9 =	vsub.f32 v10, v44;
	[tilespmem:s1+$0x12E00] =	vst v7  }
0x1bd: {  	v7 =	vsub.f32 v11, v44;
	v11 =	vld [tilespmem:s14+$0x1E10]  }
0x1be: {  	v9 =	vmul.f32 v9, v5;
	v48 =	vld [tilespmem:s14+$0xDE10]  }
0x1bf: {  	v6 =	vsub.f32 v10, v6;
	v10 =	vld [tilespmem:s14+$0x5E10];
	[tilespmem:s21+$0x30] =	vst v7;
	v7 =	vsub.f32 v46, v45  }
0x1c0: {  	[tilespmem:s26+$0x30] =	vst v9;
	v8 =	vsub.f32 v8, v45  }
0x1c1: {  	[tilespmem:s28+$0x30] =	vst v6;
	v6 =	vmul.f32 v7, v4;
	v7 =	vld [tilespmem:s14+$0x9E10]  }
0x1c2: {  	[tilespmem:s17+$0x450] =	vst v8;
	v8 =	vsub.f32 v46, v47  }
0x1c3: {  	[tilespmem:s4+$0x50] =	vst v6;
	v6 =	vsub.f32 v48, v11  }
0x1c4: {  	v9 =	vld [tilespmem:s19+$0x1240];
	[tilespmem:s8+$0x50] =	vst v8;
	v8 =	vsub.f32 v10, v11  }
0x1c5: {  	v10 =	vld [tilespmem:s16+$0x1660];
	v6 =	vmul.f32 v6, v3  }
0x1c6: {  	s22 =	sadd.s32 $0x12E00, s1;
	v11 =	vld [tilespmem:s16+$0xD660];
	[tilespmem:s15+$0xC10] =	vst v8;
	v7 =	vsub.f32 v48, v7  }
0x1c7: {  	s23 =	sadd.s32 $0x13E00, s1;
	v8 =	vld [tilespmem:s16+$0x5660];
	[tilespmem:s22+$0x10] =	vst v6  }
0x1c8: {  	v6 =	vld [tilespmem:s16+$0x9660];
	[tilespmem:s23+$0x10] =	vst v7  }
0x1c9: {  	v7 =	vld [tilespmem:s14+$0x1E20]  }
0x1ca: {  	v49 =	vld [tilespmem:s14+$0xDE20]  }
0x1cb: {  	v51 =	vld [tilespmem:s14+$0x5E20];
	v50 =	vsub.f32 v11, v10  }
0x1cc: {  	v52 =	vld [tilespmem:s19+$0xD240];
	v8 =	vsub.f32 v8, v10  }
0x1cd: {  	v53 =	vld [tilespmem:s14+$0x9E20];
	v10 =	vmul.f32 v50, v4  }
0x1ce: {  	v54 =	vld [tilespmem:s19+$0x5240];
	v6 =	vsub.f32 v11, v6;
	[tilespmem:s17+$0x460] =	vst v8  }
0x1cf: {  	[tilespmem:s4+$0x60] =	vst v10;
	v8 =	vsub.f32 v49, v7  }
0x1d0: {  	v10 =	vld [tilespmem:s19+$0x9240];
	[tilespmem:s8+$0x60] =	vst v6;
	v6 =	vsub.f32 v51, v7  }
0x1d1: {  	v7 =	vld [tilespmem:s16+$0x1670];
	v8 =	vmul.f32 v8, v3  }
0x1d2: {  	v11 =	vsub.f32 v52, v9;
	v55 =	vld [tilespmem:s16+$0xD670];
	[tilespmem:s15+$0xC20] =	vst v6;
	v6 =	vsub.f32 v49, v53  }
0x1d3: {  	v9 =	vsub.f32 v54, v9;
	v56 =	vld [tilespmem:s16+$0x5670];
	[tilespmem:s22+$0x20] =	vst v8  }
0x1d4: {  	v8 =	vmul.f32 v11, v5;
	v11 =	vld [tilespmem:s16+$0x9670];
	[tilespmem:s23+$0x20] =	vst v6  }
0x1d5: {  	[tilespmem:s21+$0x40] =	vst v9;
	v6 =	vsub.f32 v52, v10;
	v9 =	vld [tilespmem:s14+$0x1E30]  }
0x1d6: {  	[tilespmem:s26+$0x40] =	vst v8;
	v8 =	vld [tilespmem:s14+$0xDE30]  }
0x1d7: {  	v10 =	vld [tilespmem:s14+$0x5E30];
	[tilespmem:s28+$0x40] =	vst v6;
	v6 =	vsub.f32 v55, v7  }
0x1d8: {  	v58 =	vld [tilespmem:s14+$0x9E30];
	v7 =	vsub.f32 v56, v7  }
0x1d9: {  	v57 =	vld [tilespmem:s19+$0x5250];
	v6 =	vmul.f32 v6, v4  }
0x1da: {  	v59 =	vld [tilespmem:s19+$0x1250];
	[tilespmem:s17+$0x470] =	vst v7;
	v7 =	vsub.f32 v55, v11  }
0x1db: {  	v11 =	vld [tilespmem:s19+$0xD250];
	[tilespmem:s4+$0x70] =	vst v6;
	v6 =	vsub.f32 v8, v9  }
0x1dc: {  	v60 =	vld [tilespmem:s19+$0x9250];
	[tilespmem:s8+$0x70] =	vst v7;
	v7 =	vsub.f32 v10, v9  }
0x1dd: {  	v9 =	vld [tilespmem:s16+$0x5A00];
	v6 =	vmul.f32 v6, v3  }
0x1de: {  	v10 =	vld [tilespmem:s16+$0x1A00];
	[tilespmem:s15+$0xC30] =	vst v7;
	v7 =	vsub.f32 v8, v58  }
0x1df: {  	v8 =	vld [tilespmem:s16+$0xDA00];
	[tilespmem:s22+$0x30] =	vst v6  }
0x1e0: {  	v61 =	vld [tilespmem:s16+$0x9A00];
	v6 =	vsub.f32 v11, v59;
	[tilespmem:s23+$0x30] =	vst v7  }
0x1e1: {  	v7 =	vsub.f32 v57, v59;
	v62 =	vld [tilespmem:s14+$0x1E40]  }
0x1e2: {  	v63 =	vmul.f32 v6, v5;
	v6 =	vld [tilespmem:s14+$0xDE40]  }
0x1e3: {  	[tilespmem:s21+$0x50] =	vst v7;
	v7 =	vsub.f32 v11, v60;
	v11 =	vld [tilespmem:s14+$0x5E40]  }
0x1e4: {  	v9 =	vsub.f32 v9, v10;
	[tilespmem:s26+$0x50] =	vst v63;
	v10 =	vsub.f32 v8, v10  }
0x1e5: {  	v8 =	vsub.f32 v8, v61;
	[tilespmem:s28+$0x50] =	vst v7;
	v7 =	vld [tilespmem:s14+$0x9E40]  }
0x1e6: {  	[tilespmem:s17+$0x800] =	vst v9;
	v9 =	vmul.f32 v10, v4  }
0x1e7: {  	[tilespmem:s18+$0x13A00] =	vst v8;
	v8 =	vsub.f32 v6, v62  }
0x1e8: {  	s1 =	simm.s32 $0x3;
	v10 =	vld [tilespmem:s19+$0x1260];
	[tilespmem:s18+$0x12A00] =	vst v9;
	v9 =	vsub.f32 v11, v62  }
.LBB2_2:
0x1e9: {  	p0 =	sne.s32 s1, $0x1F;
	v11 =	vld [tilespmem:s16+$0x1A10];
	v8 =	vmul.f32 v8, v3  }
0x1ea: {  	v12 =	vld [tilespmem:s16+$0xDA10];
	[tilespmem:s15+$0xC40] =	vst v9;
	v6 =	vsub.f32 v6, v7  }
0x1eb: {  	v7 =	vld [tilespmem:s16+$0x5A10];
	[tilespmem:s22+$0x40] =	vst v8  }
0x1ec: {  	v8 =	vld [tilespmem:s16+$0x9A10];
	[tilespmem:s23+$0x40] =	vst v6  }
0x1ed: {  	v6 =	vld [tilespmem:s14+$0x1E50]  }
0x1ee: {  	v9 =	vld [tilespmem:s14+$0xDE50]  }
0x1ef: {  	v13 =	vsub.f32 v12, v11;
	v14 =	vld [tilespmem:s14+$0x5E50]  }
0x1f0: {  	v15 =	vld [tilespmem:s19+$0xD260];
	v7 =	vsub.f32 v7, v11  }
0x1f1: {  	v11 =	vmul.f32 v13, v4;
	v13 =	vld [tilespmem:s14+$0x9E50]  }
0x1f2: {  	s4 =	sadd.s32 $0x12A00, s18;
	v16 =	vld [tilespmem:s19+$0x5260];
	[tilespmem:s17+$0x810] =	vst v7;
	v7 =	vsub.f32 v12, v8  }
0x1f3: {  	s5 =	sadd.s32 $0x13A00, s18;
	[tilespmem:s4+$0x10] =	vst v11;
	v8 =	vsub.f32 v9, v6  }
0x1f4: {  	v11 =	vld [tilespmem:s19+$0x9260];
	[tilespmem:s5+$0x10] =	vst v7;
	v6 =	vsub.f32 v14, v6  }
0x1f5: {  	v7 =	vld [tilespmem:s16+$0x1A20];
	v8 =	vmul.f32 v8, v3  }
0x1f6: {  	v12 =	vsub.f32 v15, v10;
	v14 =	vld [tilespmem:s16+$0xDA20];
	[tilespmem:s15+$0xC50] =	vst v6;
	v6 =	vsub.f32 v9, v13  }
0x1f7: {  	v9 =	vsub.f32 v16, v10;
	v10 =	vld [tilespmem:s16+$0x5A20];
	[tilespmem:s22+$0x50] =	vst v8  }
0x1f8: {  	v8 =	vmul.f32 v12, v5;
	v12 =	vld [tilespmem:s16+$0x9A20];
	[tilespmem:s23+$0x50] =	vst v6  }
0x1f9: {  	[tilespmem:s21+$0x60] =	vst v9;
	v6 =	vsub.f32 v15, v11;
	v9 =	vld [tilespmem:s14+$0x1E60]  }
0x1fa: {  	[tilespmem:s26+$0x60] =	vst v8;
	v8 =	vld [tilespmem:s14+$0xDE60]  }
0x1fb: {  	[tilespmem:s28+$0x60] =	vst v6;
	v6 =	vsub.f32 v14, v7;
	v11 =	vld [tilespmem:s14+$0x5E60]  }
0x1fc: {  	v13 =	vld [tilespmem:s19+$0x5270];
	v7 =	vsub.f32 v10, v7  }
0x1fd: {  	v6 =	vmul.f32 v6, v4;
	v10 =	vld [tilespmem:s14+$0x9E60]  }
0x1fe: {  	v15 =	vld [tilespmem:s19+$0x1270];
	[tilespmem:s17+$0x820] =	vst v7;
	v7 =	vsub.f32 v14, v12  }
0x1ff: {  	v12 =	vld [tilespmem:s19+$0xD270];
	[tilespmem:s4+$0x20] =	vst v6;
	v6 =	vsub.f32 v8, v9  }
0x200: {  	v14 =	vld [tilespmem:s19+$0x9270];
	[tilespmem:s5+$0x20] =	vst v7;
	v7 =	vsub.f32 v11, v9  }
0x201: {  	v9 =	vld [tilespmem:s16+$0x5A30];
	v6 =	vmul.f32 v6, v3  }
0x202: {  	v11 =	vld [tilespmem:s16+$0x1A30];
	[tilespmem:s15+$0xC60] =	vst v7;
	v7 =	vsub.f32 v8, v10  }
0x203: {  	v8 =	vld [tilespmem:s16+$0xDA30];
	[tilespmem:s22+$0x60] =	vst v6  }
0x204: {  	v6 =	vsub.f32 v12, v15;
	v10 =	vld [tilespmem:s16+$0x9A30];
	[tilespmem:s23+$0x60] =	vst v7  }
0x205: {  	v7 =	vsub.f32 v13, v15;
	v13 =	vld [tilespmem:s14+$0x1E70]  }
0x206: {  	v6 =	vmul.f32 v6, v5;
	v15 =	vld [tilespmem:s14+$0xDE70]  }
0x207: {  	s24 =	sadd.s32 $0x80, s24;
	[tilespmem:s21+$0x70] =	vst v7;
	v7 =	vsub.f32 v12, v14;
	v12 =	vld [tilespmem:s14+$0x5E70]  }
0x208: {  	v14 =	vld [tilespmem:s24+$0x0];
	[tilespmem:s26+$0x70] =	vst v6;
	v6 =	vsub.f32 v8, v11  }
0x209: {  	[tilespmem:s28+$0x70] =	vst v7;
	v7 =	vsub.f32 v9, v11;
	v9 =	vld [tilespmem:s14+$0x9E70];
	s14 =	smov.u32 s16;
	s16 =	smov.u32 s19  }
0x20a: {  	v11 =	vld [tilespmem:s16+$0x5600];
	v6 =	vmul.f32 v6, v4  }
0x20b: {  	v16 =	vld [tilespmem:s16+$0x1600];
	[tilespmem:s17+$0x830] =	vst v7;
	v7 =	vsub.f32 v8, v10;
	v8 =	vsub.f32 v15, v13  }
0x20c: {  	v10 =	vld [tilespmem:s16+$0xD600];
	[tilespmem:s4+$0x30] =	vst v6;
	v6 =	vsub.f32 v12, v13  }
0x20d: {  	v12 =	vld [tilespmem:s16+$0x9600];
	[tilespmem:s5+$0x30] =	vst v7;
	v7 =	vmul.f32 v8, v3;
	v3 =	vmovc v4;
	v4 =	vmov v5;
	v5 =	vmov v14  }
0x20e: {  	s6 =	sshrl.u32 s1, $0x3;
	s25 =	sadd.s32 $0x80, s25;
	v8 =	vld [tilespmem:s14+$0x1A40];
	[tilespmem:s15+$0xC70] =	vst v6;
	v6 =	vsub.f32 v15, v9;
	s15 =	smov.u32 s17  }
0x20f: {  	s7 =	sshll.u32 s6, $0xC;
	s8 =	sand.u32 $0x380, s25;
	s17 =	smov.u32 s21;
	v9 =	vld [tilespmem:s14+$0xDA40];
	[tilespmem:s22+$0x70] =	vst v7  }
0x210: {  	s19 =	sor.u32 s8, s7;
	v7 =	vld [tilespmem:s14+$0x5A40];
	[tilespmem:s23+$0x70] =	vst v6  }
0x211: {  	v11 =	vsub.f32 v11, v16;
	v6 =	vld [tilespmem:s19+$0x5200];
	v13 =	vsub.f32 v10, v16  }
0x212: {  	v10 =	vsub.f32 v10, v12;
	v12 =	vld [tilespmem:s14+$0x9A40]  }
0x213: {  	v14 =	vld [tilespmem:s19+$0x9200];
	[tilespmem:s17+$0x400] =	vst v11;
	v11 =	vmul.f32 v13, v4  }
0x214: {  	v13 =	vld [tilespmem:s19+$0x1200];
	[tilespmem:s20+$0x13600] =	vst v10;
	v10 =	vsub.f32 v9, v8  }
0x215: {  	v15 =	vld [tilespmem:s19+$0xD200];
	[tilespmem:s20+$0x12600] =	vst v11;
	v7 =	vsub.f32 v7, v8  }
0x216: {  	v8 =	vld [tilespmem:s16+$0x1610];
	v10 =	vmul.f32 v10, v3  }
0x217: {  	v11 =	vld [tilespmem:s16+$0xD610];
	[tilespmem:s15+$0x840] =	vst v7;
	v7 =	vsub.f32 v9, v12  }
0x218: {  	s6 =	smul.u32 $0xC000, s6;
	v9 =	vld [tilespmem:s16+$0x5610];
	[tilespmem:s4+$0x40] =	vst v10  }
0x219: {  	v10 =	vld [tilespmem:s16+$0x9610];
	[tilespmem:s5+$0x40] =	vst v7  }
0x21a: {  	s6 =	sshra.s32 s6, $0x2;
	v6 =	vsub.f32 v6, v13;
	v7 =	vsub.f32 v15, v13;
	v12 =	vld [tilespmem:s14+$0x1A50]  }
0x21b: {  	s8 =	sor.u32 s8, s6;
	v13 =	vsub.f32 v15, v14;
	v14 =	vld [tilespmem:s14+$0xDA50]  }
0x21c: {  	[tilespmem:s8+$0x11200] =	vst v6;
	v6 =	vmul.f32 v7, v5;
	v7 =	vsub.f32 v11, v8;
	v15 =	vld [tilespmem:s14+$0x5A50]  }
0x21d: {  	[tilespmem:s8+$0x13200] =	vst v13;
	v8 =	vsub.f32 v9, v8  }
0x21e: {  	[tilespmem:s8+$0x12200] =	vst v6;
	v6 =	vmul.f32 v7, v4;
	v7 =	vld [tilespmem:s14+$0x9A50]  }
0x21f: {  	s6 =	sadd.s32 $0x12600, s20;
	[tilespmem:s17+$0x410] =	vst v8;
	v8 =	vsub.f32 v11, v10  }
0x220: {  	s7 =	sadd.s32 $0x13600, s20;
	[tilespmem:s6+$0x10] =	vst v6;
	v6 =	vsub.f32 v14, v12  }
0x221: {  	v9 =	vld [tilespmem:s19+$0x1210];
	[tilespmem:s7+$0x10] =	vst v8;
	v8 =	vsub.f32 v15, v12  }
0x222: {  	v10 =	vld [tilespmem:s16+$0x1620];
	v6 =	vmul.f32 v6, v3  }
0x223: {  	v11 =	vld [tilespmem:s16+$0xD620];
	[tilespmem:s15+$0x850] =	vst v8;
	v7 =	vsub.f32 v14, v7  }
0x224: {  	v8 =	vld [tilespmem:s16+$0x5620];
	[tilespmem:s4+$0x50] =	vst v6  }
0x225: {  	v6 =	vld [tilespmem:s16+$0x9620];
	[tilespmem:s5+$0x50] =	vst v7  }
0x226: {  	v7 =	vld [tilespmem:s14+$0x1A60]  }
0x227: {  	v12 =	vld [tilespmem:s14+$0xDA60]  }
0x228: {  	v13 =	vsub.f32 v11, v10;
	v14 =	vld [tilespmem:s14+$0x5A60]  }
0x229: {  	v15 =	vld [tilespmem:s19+$0xD210];
	v8 =	vsub.f32 v8, v10  }
0x22a: {  	v10 =	vmul.f32 v13, v4;
	v13 =	vld [tilespmem:s14+$0x9A60]  }
0x22b: {  	v6 =	vsub.f32 v11, v6;
	v16 =	vld [tilespmem:s19+$0x5210];
	[tilespmem:s17+$0x420] =	vst v8  }
0x22c: {  	[tilespmem:s6+$0x20] =	vst v10;
	v8 =	vsub.f32 v12, v7  }
0x22d: {  	v10 =	vld [tilespmem:s19+$0x9210];
	[tilespmem:s7+$0x20] =	vst v6;
	v6 =	vsub.f32 v14, v7  }
0x22e: {  	v7 =	vld [tilespmem:s16+$0x1630];
	v8 =	vmul.f32 v8, v3  }
0x22f: {  	v11 =	vsub.f32 v15, v9;
	v14 =	vld [tilespmem:s16+$0xD630];
	[tilespmem:s15+$0x860] =	vst v6;
	v6 =	vsub.f32 v12, v13  }
0x230: {  	v9 =	vsub.f32 v16, v9;
	v12 =	vld [tilespmem:s16+$0x5630];
	[tilespmem:s4+$0x60] =	vst v8  }
0x231: {  	s21 =	sadd.s32 $0x11200, s8;
	v8 =	vmul.f32 v11, v5;
	v11 =	vld [tilespmem:s16+$0x9630];
	[tilespmem:s5+$0x60] =	vst v6  }
0x232: {  	s26 =	sadd.s32 $0x12200, s8;
	[tilespmem:s21+$0x10] =	vst v9;
	v6 =	vsub.f32 v15, v10;
	v9 =	vld [tilespmem:s14+$0x1A70]  }
0x233: {  	s28 =	sadd.s32 $0x13200, s8;
	[tilespmem:s26+$0x10] =	vst v8;
	v8 =	vld [tilespmem:s14+$0xDA70]  }
0x234: {  	[tilespmem:s28+$0x10] =	vst v6;
	v6 =	vsub.f32 v14, v7;
	v10 =	vld [tilespmem:s14+$0x5A70]  }
0x235: {  	v13 =	vld [tilespmem:s19+$0x1220];
	v7 =	vsub.f32 v12, v7  }
0x236: {  	v6 =	vmul.f32 v6, v4;
	v12 =	vld [tilespmem:s14+$0x9A70]  }
0x237: {  	v15 =	vld [tilespmem:s19+$0xD220];
	[tilespmem:s17+$0x430] =	vst v7;
	v7 =	vsub.f32 v14, v11  }
0x238: {  	v11 =	vld [tilespmem:s19+$0x5220];
	[tilespmem:s6+$0x30] =	vst v6;
	v6 =	vsub.f32 v8, v9  }
0x239: {  	v14 =	vld [tilespmem:s19+$0x9220];
	[tilespmem:s7+$0x30] =	vst v7;
	v7 =	vsub.f32 v10, v9  }
0x23a: {  	v9 =	vld [tilespmem:s16+$0x1640];
	v6 =	vmul.f32 v6, v3  }
0x23b: {  	v10 =	vld [tilespmem:s16+$0xD640];
	[tilespmem:s15+$0x870] =	vst v7;
	v7 =	vsub.f32 v8, v12  }
0x23c: {  	v8 =	vsub.f32 v15, v13;
	v12 =	vld [tilespmem:s16+$0x5640];
	[tilespmem:s4+$0x70] =	vst v6  }
0x23d: {  	v6 =	vsub.f32 v11, v13;
	v11 =	vld [tilespmem:s16+$0x9640];
	[tilespmem:s5+$0x70] =	vst v7  }
0x23e: {  	v7 =	vmul.f32 v8, v5;
	v8 =	vld [tilespmem:s14+$0x5E00]  }
0x23f: {  	[tilespmem:s21+$0x20] =	vst v6;
	v6 =	vsub.f32 v15, v14;
	v13 =	vld [tilespmem:s14+$0x1E00]  }
0x240: {  	[tilespmem:s26+$0x20] =	vst v7;
	v7 =	vsub.f32 v10, v9;
	v14 =	vld [tilespmem:s14+$0xDE00]  }
0x241: {  	[tilespmem:s28+$0x20] =	vst v6;
	v6 =	vsub.f32 v12, v9;
	v9 =	vld [tilespmem:s14+$0x9E00]  }
0x242: {  	v12 =	vld [tilespmem:s19+$0x5230];
	v7 =	vmul.f32 v7, v4  }
0x243: {  	v15 =	vld [tilespmem:s19+$0x1230];
	[tilespmem:s17+$0x440] =	vst v6;
	v6 =	vsub.f32 v10, v11  }
0x244: {  	v10 =	vld [tilespmem:s19+$0xD230];
	[tilespmem:s6+$0x40] =	vst v7  }
0x245: {  	v7 =	vld [tilespmem:s19+$0x9230];
	[tilespmem:s7+$0x40] =	vst v6;
	v6 =	vsub.f32 v8, v13;
	v8 =	vsub.f32 v14, v13  }
0x246: {  	v11 =	vld [tilespmem:s16+$0x1650];
	v9 =	vsub.f32 v14, v9  }
0x247: {  	v13 =	vld [tilespmem:s16+$0xD650];
	[tilespmem:s15+$0xC00] =	vst v6;
	v6 =	vmul.f32 v8, v3  }
0x248: {  	v8 =	vld [tilespmem:s16+$0x5650];
	[tilespmem:s18+$0x13E00] =	vst v9  }
0x249: {  	v9 =	vsub.f32 v10, v15;
	v14 =	vld [tilespmem:s16+$0x9650];
	[tilespmem:s18+$0x12E00] =	vst v6  }
0x24a: {  	v6 =	vsub.f32 v12, v15;
	v12 =	vld [tilespmem:s14+$0x1E10]  }
0x24b: {  	v9 =	vmul.f32 v9, v5;
	v15 =	vld [tilespmem:s14+$0xDE10]  }
0x24c: {  	[tilespmem:s21+$0x30] =	vst v6;
	v6 =	vsub.f32 v10, v7;
	v7 =	vsub.f32 v13, v11;
	v10 =	vld [tilespmem:s14+$0x5E10]  }
0x24d: {  	[tilespmem:s26+$0x30] =	vst v9;
	v8 =	vsub.f32 v8, v11  }
0x24e: {  	[tilespmem:s28+$0x30] =	vst v6;
	v6 =	vmul.f32 v7, v4;
	v7 =	vld [tilespmem:s14+$0x9E10]  }
0x24f: {  	[tilespmem:s17+$0x450] =	vst v8;
	v8 =	vsub.f32 v13, v14  }
0x250: {  	[tilespmem:s6+$0x50] =	vst v6;
	v6 =	vsub.f32 v15, v12  }
0x251: {  	v9 =	vld [tilespmem:s19+$0x1240];
	[tilespmem:s7+$0x50] =	vst v8;
	v8 =	vsub.f32 v10, v12  }
0x252: {  	v10 =	vld [tilespmem:s16+$0x1660];
	v6 =	vmul.f32 v6, v3  }
0x253: {  	s22 =	sadd.s32 $0x12E00, s18;
	v11 =	vld [tilespmem:s16+$0xD660];
	[tilespmem:s15+$0xC10] =	vst v8;
	v7 =	vsub.f32 v15, v7  }
0x254: {  	s23 =	sadd.s32 $0x13E00, s18;
	s18 =	smov.u32 s20;
	s20 =	smov.u32 s8;
	v8 =	vld [tilespmem:s16+$0x5660];
	[tilespmem:s22+$0x10] =	vst v6  }
0x255: {  	v6 =	vld [tilespmem:s16+$0x9660];
	[tilespmem:s23+$0x10] =	vst v7  }
0x256: {  	v7 =	vld [tilespmem:s14+$0x1E20]  }
0x257: {  	v12 =	vld [tilespmem:s14+$0xDE20]  }
0x258: {  	v13 =	vsub.f32 v11, v10;
	v14 =	vld [tilespmem:s14+$0x5E20]  }
0x259: {  	v15 =	vld [tilespmem:s19+$0xD240];
	v8 =	vsub.f32 v8, v10  }
0x25a: {  	v10 =	vmul.f32 v13, v4;
	v13 =	vld [tilespmem:s14+$0x9E20]  }
0x25b: {  	v6 =	vsub.f32 v11, v6;
	v16 =	vld [tilespmem:s19+$0x5240];
	[tilespmem:s17+$0x460] =	vst v8  }
0x25c: {  	[tilespmem:s6+$0x60] =	vst v10;
	v8 =	vsub.f32 v12, v7  }
0x25d: {  	v10 =	vld [tilespmem:s19+$0x9240];
	[tilespmem:s7+$0x60] =	vst v6;
	v6 =	vsub.f32 v14, v7  }
0x25e: {  	v7 =	vld [tilespmem:s16+$0x1670];
	v8 =	vmul.f32 v8, v3  }
0x25f: {  	v11 =	vsub.f32 v15, v9;
	v14 =	vld [tilespmem:s16+$0xD670];
	[tilespmem:s15+$0xC20] =	vst v6;
	v6 =	vsub.f32 v12, v13  }
0x260: {  	v9 =	vsub.f32 v16, v9;
	v12 =	vld [tilespmem:s16+$0x5670];
	[tilespmem:s22+$0x20] =	vst v8  }
0x261: {  	v8 =	vmul.f32 v11, v5;
	v11 =	vld [tilespmem:s16+$0x9670];
	[tilespmem:s23+$0x20] =	vst v6  }
0x262: {  	[tilespmem:s21+$0x40] =	vst v9;
	v6 =	vsub.f32 v15, v10;
	v9 =	vld [tilespmem:s14+$0x1E30]  }
0x263: {  	[tilespmem:s26+$0x40] =	vst v8;
	v8 =	vld [tilespmem:s14+$0xDE30]  }
0x264: {  	[tilespmem:s28+$0x40] =	vst v6;
	v6 =	vsub.f32 v14, v7;
	v10 =	vld [tilespmem:s14+$0x5E30]  }
0x265: {  	v13 =	vld [tilespmem:s19+$0x5250];
	v7 =	vsub.f32 v12, v7  }
0x266: {  	v6 =	vmul.f32 v6, v4;
	v12 =	vld [tilespmem:s14+$0x9E30]  }
0x267: {  	v15 =	vld [tilespmem:s19+$0x1250];
	[tilespmem:s17+$0x470] =	vst v7;
	v7 =	vsub.f32 v14, v11  }
0x268: {  	v11 =	vld [tilespmem:s19+$0xD250];
	[tilespmem:s6+$0x70] =	vst v6;
	v6 =	vsub.f32 v8, v9  }
0x269: {  	v14 =	vld [tilespmem:s19+$0x9250];
	[tilespmem:s7+$0x70] =	vst v7;
	v7 =	vsub.f32 v10, v9  }
0x26a: {  	v9 =	vld [tilespmem:s16+$0x5A00];
	v6 =	vmul.f32 v6, v3  }
0x26b: {  	v10 =	vld [tilespmem:s16+$0x1A00];
	[tilespmem:s15+$0xC30] =	vst v7;
	v7 =	vsub.f32 v8, v12  }
0x26c: {  	v8 =	vld [tilespmem:s16+$0xDA00];
	[tilespmem:s22+$0x30] =	vst v6  }
0x26d: {  	v6 =	vsub.f32 v11, v15;
	v12 =	vld [tilespmem:s16+$0x9A00];
	[tilespmem:s23+$0x30] =	vst v7  }
0x26e: {  	v7 =	vsub.f32 v13, v15;
	v13 =	vld [tilespmem:s14+$0x1E40]  }
0x26f: {  	v15 =	vmul.f32 v6, v5;
	v6 =	vld [tilespmem:s14+$0xDE40]  }
0x270: {  	[tilespmem:s21+$0x50] =	vst v7;
	v7 =	vsub.f32 v11, v14;
	v11 =	vld [tilespmem:s14+$0x5E40]  }
.Ltmp0:
0x271: {  	v9 =	vsub.f32 v9, v10;
	[tilespmem:s26+$0x50] =	vst v15;
	v10 =	vsub.f32 v8, v10;
	(pc) =	sbr.rel @p0 .LBB2_2-.Ltmp0, $4  }
0x272: {  	[tilespmem:s28+$0x50] =	vst v7;
	v8 =	vsub.f32 v8, v12;
	v7 =	vld [tilespmem:s14+$0x9E40]  }
0x273: {  	[tilespmem:s17+$0x800] =	vst v9;
	v9 =	vmul.f32 v10, v4  }
0x274: {  	[tilespmem:s18+$0x13A00] =	vst v8;
	v8 =	vsub.f32 v6, v13  }
0x275: {  	s1 =	sadd.s32 $0x1, s1;
	v10 =	vld [tilespmem:s19+$0x1260];
	[tilespmem:s18+$0x12A00] =	vst v9;
	v9 =	vsub.f32 v11, v13  }
0x276: {  	v11 =	vld [tilespmem:s19+$0xD260]  }
0x277: {  	v12 =	vld [tilespmem:s19+$0x5260];
	_ =	sdelay $0x1  }
0x278: {  	v13 =	vld [tilespmem:s19+$0x9260];
	_ =	sdelay $0x1  }
0x279: {  	v14 =	vsub.f32 v11, v10  }
0x27a: {  	v62 =	vsub.f32 v12, v10  }
0x27b: {  	v63 =	vmul.f32 v14, v5  }
0x27c: {  	v16 =	vsub.f32 v11, v13;
	[tilespmem:s21+$0x60] =	vst v62  }
0x27d: {  	[tilespmem:s26+$0x60] =	vst v63  }
0x27e: {  	[tilespmem:s28+$0x60] =	vst v16  }
0x27f: {  	v10 =	vld [tilespmem:s19+$0x1270]  }
0x280: {  	v17 =	vld [tilespmem:s19+$0xD270]  }
0x281: {  	v12 =	vld [tilespmem:s19+$0x5270];
	_ =	sdelay $0x1  }
0x282: {  	v18 =	vld [tilespmem:s19+$0x9270];
	_ =	sdelay $0x1  }
0x283: {  	v19 =	vsub.f32 v17, v10  }
0x284: {  	v10 =	vsub.f32 v12, v10  }
0x285: {  	v20 =	vmul.f32 v19, v5  }
0x286: {  	v21 =	vsub.f32 v17, v18;
	[tilespmem:s21+$0x70] =	vst v10  }
0x287: {  	[tilespmem:s26+$0x70] =	vst v20  }
0x288: {  	[tilespmem:s28+$0x70] =	vst v21  }
0x289: {  	v10 =	vld [tilespmem:s19+$0x5600]  }
0x28a: {  	v22 =	vld [tilespmem:s19+$0x1600]  }
0x28b: {  	v12 =	vld [tilespmem:s19+$0xD600]  }
0x28c: {  	v23 =	vld [tilespmem:s19+$0x9600];
	_ =	sdelay $0x3  }
0x28d: {  	v10 =	vsub.f32 v10, v22;
	v11 =	vsub.f32 v12, v22  }
0x28e: {  	v12 =	vsub.f32 v12, v23  }
0x28f: {  	[tilespmem:s21+$0x400] =	vst v10;
	v24 =	vmul.f32 v11, v5  }
0x290: {  	[tilespmem:s20+$0x13600] =	vst v12  }
0x291: {  	[tilespmem:s20+$0x12600] =	vst v24  }
0x292: {  	v10 =	vld [tilespmem:s19+$0x1610]  }
0x293: {  	v25 =	vld [tilespmem:s19+$0xD610]  }
0x294: {  	v12 =	vld [tilespmem:s19+$0x5610];
	_ =	sdelay $0x1  }
0x295: {  	v26 =	vld [tilespmem:s19+$0x9610];
	_ =	sdelay $0x1  }
0x296: {  	v27 =	vsub.f32 v25, v10  }
0x297: {  	v10 =	vsub.f32 v12, v10  }
0x298: {  	v28 =	vmul.f32 v27, v5  }
0x299: {  	s1 =	sadd.s32 $0x12600, s20;
	v29 =	vsub.f32 v25, v26;
	[tilespmem:s21+$0x410] =	vst v10  }
0x29a: {  	s4 =	sadd.s32 $0x13600, s20;
	[tilespmem:s1+$0x10] =	vst v28  }
0x29b: {  	[tilespmem:s4+$0x10] =	vst v29  }
0x29c: {  	v10 =	vld [tilespmem:s19+$0x1620]  }
0x29d: {  	v30 =	vld [tilespmem:s19+$0xD620]  }
0x29e: {  	v12 =	vld [tilespmem:s19+$0x5620];
	_ =	sdelay $0x1  }
0x29f: {  	v31 =	vld [tilespmem:s19+$0x9620];
	_ =	sdelay $0x1  }
0x2a0: {  	v32 =	vsub.f32 v30, v10  }
0x2a1: {  	v10 =	vsub.f32 v12, v10  }
0x2a2: {  	v33 =	vmul.f32 v32, v5  }
0x2a3: {  	v34 =	vsub.f32 v30, v31;
	[tilespmem:s21+$0x420] =	vst v10  }
0x2a4: {  	[tilespmem:s1+$0x20] =	vst v33  }
0x2a5: {  	[tilespmem:s4+$0x20] =	vst v34  }
0x2a6: {  	v10 =	vld [tilespmem:s19+$0x1630]  }
0x2a7: {  	v35 =	vld [tilespmem:s19+$0xD630]  }
0x2a8: {  	v12 =	vld [tilespmem:s19+$0x5630];
	_ =	sdelay $0x1  }
0x2a9: {  	v36 =	vld [tilespmem:s19+$0x9630];
	_ =	sdelay $0x1  }
0x2aa: {  	v37 =	vsub.f32 v35, v10  }
0x2ab: {  	v10 =	vsub.f32 v12, v10  }
0x2ac: {  	v38 =	vmul.f32 v37, v5  }
0x2ad: {  	v39 =	vsub.f32 v35, v36;
	[tilespmem:s21+$0x430] =	vst v10  }
0x2ae: {  	[tilespmem:s1+$0x30] =	vst v38  }
0x2af: {  	[tilespmem:s4+$0x30] =	vst v39  }
0x2b0: {  	v10 =	vld [tilespmem:s19+$0x1640]  }
0x2b1: {  	v40 =	vld [tilespmem:s19+$0xD640]  }
0x2b2: {  	v12 =	vld [tilespmem:s19+$0x5640];
	_ =	sdelay $0x1  }
0x2b3: {  	v41 =	vld [tilespmem:s19+$0x9640];
	_ =	sdelay $0x1  }
0x2b4: {  	v42 =	vsub.f32 v40, v10  }
0x2b5: {  	v10 =	vsub.f32 v12, v10  }
0x2b6: {  	v43 =	vmul.f32 v42, v5  }
0x2b7: {  	v44 =	vsub.f32 v40, v41;
	[tilespmem:s21+$0x440] =	vst v10  }
0x2b8: {  	[tilespmem:s1+$0x40] =	vst v43  }
0x2b9: {  	[tilespmem:s4+$0x40] =	vst v44  }
0x2ba: {  	v10 =	vld [tilespmem:s19+$0x1650]  }
0x2bb: {  	v45 =	vld [tilespmem:s19+$0xD650]  }
0x2bc: {  	v12 =	vld [tilespmem:s19+$0x5650];
	_ =	sdelay $0x1  }
0x2bd: {  	v46 =	vld [tilespmem:s19+$0x9650];
	_ =	sdelay $0x1  }
0x2be: {  	v47 =	vsub.f32 v45, v10  }
0x2bf: {  	v10 =	vsub.f32 v12, v10  }
0x2c0: {  	v48 =	vmul.f32 v47, v5  }
0x2c1: {  	v49 =	vsub.f32 v45, v46;
	[tilespmem:s21+$0x450] =	vst v10  }
0x2c2: {  	[tilespmem:s1+$0x50] =	vst v48  }
0x2c3: {  	[tilespmem:s4+$0x50] =	vst v49  }
0x2c4: {  	v10 =	vld [tilespmem:s19+$0x1660]  }
0x2c5: {  	v50 =	vld [tilespmem:s19+$0xD660]  }
0x2c6: {  	v12 =	vld [tilespmem:s19+$0x5660];
	_ =	sdelay $0x1  }
0x2c7: {  	v51 =	vld [tilespmem:s19+$0x9660];
	_ =	sdelay $0x1  }
0x2c8: {  	v52 =	vsub.f32 v50, v10  }
0x2c9: {  	v10 =	vsub.f32 v12, v10  }
0x2ca: {  	v53 =	vmul.f32 v52, v5  }
0x2cb: {  	v54 =	vsub.f32 v50, v51;
	[tilespmem:s21+$0x460] =	vst v10  }
0x2cc: {  	[tilespmem:s1+$0x60] =	vst v53  }
0x2cd: {  	[tilespmem:s4+$0x60] =	vst v54  }
0x2ce: {  	v10 =	vld [tilespmem:s19+$0x1670]  }
0x2cf: {  	v55 =	vld [tilespmem:s19+$0xD670]  }
0x2d0: {  	v12 =	vld [tilespmem:s19+$0x5670];
	_ =	sdelay $0x1  }
0x2d1: {  	v56 =	vld [tilespmem:s19+$0x9670];
	_ =	sdelay $0x1  }
0x2d2: {  	v57 =	vsub.f32 v55, v10  }
0x2d3: {  	v10 =	vsub.f32 v12, v10  }
0x2d4: {  	v58 =	vmul.f32 v57, v5  }
0x2d5: {  	v59 =	vsub.f32 v55, v56;
	[tilespmem:s21+$0x470] =	vst v10  }
0x2d6: {  	[tilespmem:s1+$0x70] =	vst v58  }
0x2d7: {  	[tilespmem:s4+$0x70] =	vst v59  }
0x2d8: {  	v10 =	vld [tilespmem:s19+$0x5A00]  }
0x2d9: {  	v60 =	vld [tilespmem:s19+$0x1A00]  }
0x2da: {  	v12 =	vld [tilespmem:s19+$0xDA00]  }
0x2db: {  	v61 =	vld [tilespmem:s19+$0x9A00];
	_ =	sdelay $0x2  }
0x2dc: {  	v62 =	vld [tilespmem:s16+$0x1A10]  }
0x2dd: {  	v63 =	vld [tilespmem:s16+$0xDA10];
	v10 =	vsub.f32 v10, v60;
	v11 =	vsub.f32 v12, v60  }
0x2de: {  	v20 =	vld [tilespmem:s16+$0x5A10];
	v12 =	vsub.f32 v12, v61  }
0x2df: {  	[tilespmem:s21+$0x800] =	vst v10;
	v19 =	vmul.f32 v11, v5  }
0x2e0: {  	v21 =	vld [tilespmem:s16+$0x9A10];
	[tilespmem:s20+$0x13A00] =	vst v12  }
0x2e1: {  	[tilespmem:s20+$0x12A00] =	vst v19  }
0x2e2: {  	v16 =	vsub.f32 v63, v62;
	v10 =	vld [tilespmem:s19+$0x1A10]  }
0x2e3: {  	v11 =	vsub.f32 v20, v62;
	v15 =	vld [tilespmem:s19+$0xDA10]  }
0x2e4: {  	v22 =	vmul.f32 v16, v4;
	v17 =	vld [tilespmem:s19+$0x5A10]  }
0x2e5: {  	v24 =	vsub.f32 v63, v21;
	s4 =	sadd.s32 $0x12A00, s18;
	[tilespmem:s17+$0x810] =	vst v11  }
0x2e6: {  	s5 =	sadd.s32 $0x13A00, s18;
	v23 =	vld [tilespmem:s19+$0x9A10];
	[tilespmem:s4+$0x10] =	vst v22  }
0x2e7: {  	[tilespmem:s5+$0x10] =	vst v24  }
0x2e8: {  	v11 =	vld [tilespmem:s16+$0x1A20];
	v25 =	vsub.f32 v15, v10  }
0x2e9: {  	v26 =	vld [tilespmem:s16+$0xDA20];
	v10 =	vsub.f32 v17, v10  }
0x2ea: {  	v14 =	vld [tilespmem:s16+$0x5A20];
	v12 =	vmul.f32 v25, v5  }
0x2eb: {  	s7 =	sadd.s32 $0x12A00, s20;
	v27 =	vsub.f32 v15, v23;
	[tilespmem:s21+$0x810] =	vst v10  }
0x2ec: {  	s6 =	sadd.s32 $0x13A00, s20;
	v28 =	vld [tilespmem:s16+$0x9A20];
	[tilespmem:s7+$0x10] =	vst v12  }
0x2ed: {  	[tilespmem:s6+$0x10] =	vst v27  }
0x2ee: {  	v30 =	vsub.f32 v26, v11;
	v10 =	vld [tilespmem:s19+$0x1A20]  }
0x2ef: {  	v11 =	vsub.f32 v14, v11;
	v29 =	vld [tilespmem:s19+$0xDA20]  }
0x2f0: {  	v32 =	vmul.f32 v30, v4;
	v31 =	vld [tilespmem:s19+$0x5A20]  }
0x2f1: {  	v34 =	vsub.f32 v26, v28;
	[tilespmem:s17+$0x820] =	vst v11  }
0x2f2: {  	v33 =	vld [tilespmem:s19+$0x9A20];
	[tilespmem:s4+$0x20] =	vst v32  }
0x2f3: {  	[tilespmem:s5+$0x20] =	vst v34  }
0x2f4: {  	v11 =	vld [tilespmem:s16+$0x1A30];
	v35 =	vsub.f32 v29, v10  }
0x2f5: {  	v36 =	vld [tilespmem:s16+$0xDA30];
	v10 =	vsub.f32 v31, v10  }
0x2f6: {  	v14 =	vld [tilespmem:s16+$0x5A30];
	v12 =	vmul.f32 v35, v5  }
0x2f7: {  	v37 =	vsub.f32 v29, v33;
	[tilespmem:s21+$0x820] =	vst v10  }
0x2f8: {  	v38 =	vld [tilespmem:s16+$0x9A30];
	[tilespmem:s7+$0x20] =	vst v12  }
0x2f9: {  	[tilespmem:s6+$0x20] =	vst v37  }
0x2fa: {  	v40 =	vsub.f32 v36, v11;
	v10 =	vld [tilespmem:s19+$0x1A30]  }
0x2fb: {  	v11 =	vsub.f32 v14, v11;
	v39 =	vld [tilespmem:s19+$0xDA30]  }
0x2fc: {  	v42 =	vmul.f32 v40, v4;
	v41 =	vld [tilespmem:s19+$0x5A30]  }
0x2fd: {  	v44 =	vsub.f32 v36, v38;
	[tilespmem:s17+$0x830] =	vst v11  }
0x2fe: {  	v43 =	vld [tilespmem:s19+$0x9A30];
	[tilespmem:s4+$0x30] =	vst v42  }
0x2ff: {  	[tilespmem:s5+$0x30] =	vst v44  }
0x300: {  	v11 =	vld [tilespmem:s16+$0x1A40];
	v45 =	vsub.f32 v39, v10  }
0x301: {  	v46 =	vld [tilespmem:s16+$0xDA40];
	v10 =	vsub.f32 v41, v10  }
0x302: {  	v14 =	vld [tilespmem:s16+$0x5A40];
	v12 =	vmul.f32 v45, v5  }
0x303: {  	v47 =	vsub.f32 v39, v43;
	[tilespmem:s21+$0x830] =	vst v10  }
0x304: {  	v48 =	vld [tilespmem:s16+$0x9A40];
	[tilespmem:s7+$0x30] =	vst v12  }
0x305: {  	[tilespmem:s6+$0x30] =	vst v47  }
0x306: {  	v50 =	vsub.f32 v46, v11;
	v10 =	vld [tilespmem:s19+$0x1A40]  }
0x307: {  	v11 =	vsub.f32 v14, v11;
	v49 =	vld [tilespmem:s19+$0xDA40]  }
0x308: {  	v52 =	vmul.f32 v50, v4;
	v51 =	vld [tilespmem:s19+$0x5A40]  }
0x309: {  	v54 =	vsub.f32 v46, v48;
	[tilespmem:s17+$0x840] =	vst v11  }
0x30a: {  	v53 =	vld [tilespmem:s19+$0x9A40];
	[tilespmem:s4+$0x40] =	vst v52  }
0x30b: {  	[tilespmem:s5+$0x40] =	vst v54  }
0x30c: {  	v11 =	vld [tilespmem:s16+$0x1A50];
	v55 =	vsub.f32 v49, v10  }
0x30d: {  	v56 =	vld [tilespmem:s16+$0xDA50];
	v10 =	vsub.f32 v51, v10  }
0x30e: {  	v14 =	vld [tilespmem:s16+$0x5A50];
	v12 =	vmul.f32 v55, v5  }
0x30f: {  	v57 =	vsub.f32 v49, v53;
	[tilespmem:s21+$0x840] =	vst v10  }
0x310: {  	v58 =	vld [tilespmem:s16+$0x9A50];
	[tilespmem:s7+$0x40] =	vst v12  }
0x311: {  	[tilespmem:s6+$0x40] =	vst v57  }
0x312: {  	v60 =	vsub.f32 v56, v11;
	v10 =	vld [tilespmem:s19+$0x1A50]  }
0x313: {  	v11 =	vsub.f32 v14, v11;
	v59 =	vld [tilespmem:s19+$0xDA50]  }
0x314: {  	v62 =	vmul.f32 v60, v4;
	v61 =	vld [tilespmem:s19+$0x5A50]  }
0x315: {  	v18 =	vsub.f32 v56, v58;
	[tilespmem:s17+$0x850] =	vst v11  }
0x316: {  	v63 =	vld [tilespmem:s19+$0x9A50];
	[tilespmem:s4+$0x50] =	vst v62  }
0x317: {  	[tilespmem:s5+$0x50] =	vst v18  }
0x318: {  	v11 =	vld [tilespmem:s16+$0x1A60];
	v19 =	vsub.f32 v59, v10  }
0x319: {  	v20 =	vld [tilespmem:s16+$0xDA60];
	v10 =	vsub.f32 v61, v10  }
0x31a: {  	v14 =	vld [tilespmem:s16+$0x5A60];
	v12 =	vmul.f32 v19, v5  }
0x31b: {  	v21 =	vsub.f32 v59, v63;
	[tilespmem:s21+$0x850] =	vst v10  }
0x31c: {  	v22 =	vld [tilespmem:s16+$0x9A60];
	[tilespmem:s7+$0x50] =	vst v12  }
0x31d: {  	[tilespmem:s6+$0x50] =	vst v21  }
0x31e: {  	v24 =	vsub.f32 v20, v11;
	v10 =	vld [tilespmem:s19+$0x1A60]  }
0x31f: {  	v11 =	vsub.f32 v14, v11;
	v23 =	vld [tilespmem:s19+$0xDA60]  }
0x320: {  	v26 =	vmul.f32 v24, v4;
	v25 =	vld [tilespmem:s19+$0x5A60]  }
0x321: {  	v28 =	vsub.f32 v20, v22;
	[tilespmem:s17+$0x860] =	vst v11  }
0x322: {  	v27 =	vld [tilespmem:s19+$0x9A60];
	[tilespmem:s4+$0x60] =	vst v26  }
0x323: {  	[tilespmem:s5+$0x60] =	vst v28  }
0x324: {  	v11 =	vld [tilespmem:s16+$0x1A70];
	v29 =	vsub.f32 v23, v10  }
0x325: {  	v30 =	vld [tilespmem:s16+$0xDA70];
	v10 =	vsub.f32 v25, v10  }
0x326: {  	v14 =	vld [tilespmem:s16+$0x5A70];
	v12 =	vmul.f32 v29, v5  }
0x327: {  	v31 =	vsub.f32 v23, v27;
	[tilespmem:s21+$0x860] =	vst v10  }
0x328: {  	v32 =	vld [tilespmem:s16+$0x9A70];
	[tilespmem:s7+$0x60] =	vst v12  }
0x329: {  	[tilespmem:s6+$0x60] =	vst v31  }
0x32a: {  	v34 =	vsub.f32 v30, v11;
	v10 =	vld [tilespmem:s19+$0x1A70]  }
0x32b: {  	v11 =	vsub.f32 v14, v11;
	v33 =	vld [tilespmem:s19+$0xDA70]  }
0x32c: {  	v36 =	vmul.f32 v34, v4;
	v35 =	vld [tilespmem:s19+$0x5A70]  }
0x32d: {  	v38 =	vsub.f32 v30, v32;
	[tilespmem:s17+$0x870] =	vst v11  }
0x32e: {  	v37 =	vld [tilespmem:s19+$0x9A70];
	[tilespmem:s4+$0x70] =	vst v36  }
0x32f: {  	[tilespmem:s5+$0x70] =	vst v38  }
0x330: {  	v11 =	vld [tilespmem:s16+$0x5E00];
	v39 =	vsub.f32 v33, v10  }
0x331: {  	v40 =	vld [tilespmem:s16+$0x1E00];
	v10 =	vsub.f32 v35, v10  }
0x332: {  	v14 =	vld [tilespmem:s16+$0xDE00];
	v12 =	vmul.f32 v39, v5  }
0x333: {  	v42 =	vld [tilespmem:s16+$0x9E00];
	v41 =	vsub.f32 v33, v37;
	[tilespmem:s21+$0x870] =	vst v10  }
0x334: {  	[tilespmem:s7+$0x70] =	vst v12  }
0x335: {  	[tilespmem:s6+$0x70] =	vst v41  }
0x336: {  	v10 =	vld [tilespmem:s19+$0x5E00]  }
0x337: {  	v11 =	vsub.f32 v11, v40;
	v13 =	vsub.f32 v14, v40;
	v43 =	vld [tilespmem:s19+$0x1E00]  }
0x338: {  	v12 =	vsub.f32 v14, v42;
	v44 =	vld [tilespmem:s19+$0xDE00]  }
0x339: {  	[tilespmem:s17+$0xC00] =	vst v11;
	v46 =	vmul.f32 v13, v4;
	v45 =	vld [tilespmem:s19+$0x9E00]  }
0x33a: {  	[tilespmem:s18+$0x13E00] =	vst v12  }
0x33b: {  	[tilespmem:s18+$0x12E00] =	vst v46  }
0x33c: {  	v12 =	vld [tilespmem:s16+$0x1E10]  }
0x33d: {  	v49 =	vld [tilespmem:s16+$0xDE10];
	v10 =	vsub.f32 v10, v43;
	v47 =	vsub.f32 v44, v43  }
0x33e: {  	v51 =	vld [tilespmem:s16+$0x5E10];
	v48 =	vsub.f32 v44, v45  }
0x33f: {  	[tilespmem:s21+$0xC00] =	vst v10;
	v50 =	vmul.f32 v47, v5  }
0x340: {  	v52 =	vld [tilespmem:s16+$0x9E10];
	[tilespmem:s20+$0x13E00] =	vst v48  }
0x341: {  	[tilespmem:s20+$0x12E00] =	vst v50  }
0x342: {  	v54 =	vsub.f32 v49, v12;
	v10 =	vld [tilespmem:s19+$0x1E10]  }
0x343: {  	v11 =	vsub.f32 v51, v12;
	v53 =	vld [tilespmem:s19+$0xDE10]  }
0x344: {  	v56 =	vmul.f32 v54, v4;
	v55 =	vld [tilespmem:s19+$0x5E10]  }
0x345: {  	s8 =	sadd.s32 $0x12E00, s18;
	v58 =	vsub.f32 v49, v52;
	[tilespmem:s17+$0xC10] =	vst v11  }
0x346: {  	s24 =	sadd.s32 $0x13E00, s18;
	v57 =	vld [tilespmem:s19+$0x9E10];
	[tilespmem:s8+$0x10] =	vst v56  }
0x347: {  	[tilespmem:s24+$0x10] =	vst v58  }
0x348: {  	v11 =	vld [tilespmem:s16+$0x1E20];
	v59 =	vsub.f32 v53, v10  }
0x349: {  	v60 =	vld [tilespmem:s16+$0xDE20];
	v10 =	vsub.f32 v55, v10  }
0x34a: {  	v62 =	vld [tilespmem:s16+$0x5E20];
	v12 =	vmul.f32 v59, v5  }
0x34b: {  	s25 =	sadd.s32 $0x12E00, s20;
	v61 =	vsub.f32 v53, v57;
	[tilespmem:s21+$0xC10] =	vst v10  }
0x34c: {  	s26 =	sadd.s32 $0x13E00, s20;
	v63 =	vld [tilespmem:s16+$0x9E20];
	[tilespmem:s25+$0x10] =	vst v12  }
0x34d: {  	[tilespmem:s26+$0x10] =	vst v61  }
0x34e: {  	v21 =	vsub.f32 v60, v11;
	v10 =	vld [tilespmem:s19+$0x1E20]  }
0x34f: {  	v11 =	vsub.f32 v62, v11;
	v20 =	vld [tilespmem:s19+$0xDE20]  }
0x350: {  	v23 =	vmul.f32 v21, v4;
	v22 =	vld [tilespmem:s19+$0x5E20]  }
0x351: {  	v25 =	vsub.f32 v60, v63;
	[tilespmem:s17+$0xC20] =	vst v11  }
0x352: {  	v24 =	vld [tilespmem:s19+$0x9E20];
	[tilespmem:s8+$0x20] =	vst v23  }
0x353: {  	v8 =	vmul.f32 v8, v3;
	[tilespmem:s24+$0x20] =	vst v25  }
0x354: {  	[tilespmem:s15+$0xC40] =	vst v9;
	v6 =	vsub.f32 v6, v7;
	v11 =	vld [tilespmem:s16+$0x1E30];
	v26 =	vsub.f32 v20, v10  }
0x355: {  	[tilespmem:s22+$0x40] =	vst v8;
	v27 =	vld [tilespmem:s16+$0xDE30];
	v10 =	vsub.f32 v22, v10  }
0x356: {  	[tilespmem:s23+$0x40] =	vst v6;
	v14 =	vld [tilespmem:s16+$0x5E30];
	v12 =	vmul.f32 v26, v5  }
0x357: {  	v28 =	vsub.f32 v20, v24;
	[tilespmem:s21+$0xC20] =	vst v10  }
0x358: {  	v29 =	vld [tilespmem:s16+$0x9E30];
	[tilespmem:s25+$0x20] =	vst v12  }
0x359: {  	v34 =	vld [tilespmem:s14+$0x1E50];
	[tilespmem:s26+$0x20] =	vst v28  }
0x35a: {  	v32 =	vsub.f32 v27, v11;
	v30 =	vld [tilespmem:s19+$0x1E30]  }
0x35b: {  	v11 =	vsub.f32 v14, v11;
	v31 =	vld [tilespmem:s19+$0xDE30]  }
0x35c: {  	v6 =	vmul.f32 v32, v4;
	v33 =	vld [tilespmem:s19+$0x5E30]  }
0x35d: {  	v36 =	vld [tilespmem:s14+$0xDE50];
	v37 =	vsub.f32 v27, v29;
	[tilespmem:s17+$0xC30] =	vst v11  }
0x35e: {  	v35 =	vld [tilespmem:s19+$0x9E30];
	[tilespmem:s8+$0x30] =	vst v6  }
0x35f: {  	v38 =	vld [tilespmem:s14+$0x5E50];
	[tilespmem:s24+$0x30] =	vst v37  }
0x360: {  	v41 =	vld [tilespmem:s16+$0x1E40];
	v39 =	vsub.f32 v31, v30  }
0x361: {  	v11 =	vld [tilespmem:s16+$0xDE40];
	v7 =	vsub.f32 v33, v30  }
0x362: {  	v43 =	vld [tilespmem:s16+$0x5E40];
	v6 =	vmul.f32 v39, v5  }
0x363: {  	v42 =	vsub.f32 v31, v35;
	[tilespmem:s21+$0xC30] =	vst v7  }
0x364: {  	v40 =	vld [tilespmem:s14+$0x9E50];
	[tilespmem:s25+$0x30] =	vst v6  }
0x365: {  	v45 =	vld [tilespmem:s16+$0x9E40];
	[tilespmem:s26+$0x30] =	vst v42  }
0x366: {  	v46 =	vsub.f32 v38, v34;
	v44 =	vsub.f32 v36, v34;
	v47 =	vld [tilespmem:s19+$0x1E40]  }
0x367: {  	v50 =	vsub.f32 v11, v41;
	v52 =	vsub.f32 v43, v41;
	v48 =	vld [tilespmem:s19+$0xDE40]  }
0x368: {  	[tilespmem:s15+$0xC50] =	vst v46;
	v6 =	vmul.f32 v44, v3;
	v51 =	vld [tilespmem:s19+$0x5E40]  }
0x369: {  	v53 =	vmul.f32 v50, v4;
	[tilespmem:s17+$0xC40] =	vst v52  }
0x36a: {  	v49 =	vsub.f32 v36, v40;
	[tilespmem:s22+$0x50] =	vst v6;
	v54 =	vld [tilespmem:s19+$0x9E40]  }
0x36b: {  	v55 =	vsub.f32 v11, v45;
	[tilespmem:s8+$0x40] =	vst v53  }
0x36c: {  	[tilespmem:s23+$0x50] =	vst v49;
	v56 =	vsub.f32 v48, v47  }
0x36d: {  	[tilespmem:s24+$0x40] =	vst v55;
	v57 =	vld [tilespmem:s14+$0x1E60];
	v58 =	vsub.f32 v51, v47  }
0x36e: {  	v59 =	vld [tilespmem:s16+$0x1E50];
	v7 =	vmul.f32 v56, v5  }
0x36f: {  	v60 =	vld [tilespmem:s16+$0xDE50];
	v61 =	vsub.f32 v48, v54;
	[tilespmem:s21+$0xC40] =	vst v58  }
0x370: {  	v62 =	vld [tilespmem:s16+$0x5E50];
	[tilespmem:s25+$0x40] =	vst v7  }
0x371: {  	v63 =	vld [tilespmem:s16+$0x9E50];
	[tilespmem:s26+$0x40] =	vst v61  }
0x372: {  	v6 =	vld [tilespmem:s19+$0x1E50]  }
0x373: {  	v20 =	vld [tilespmem:s19+$0xDE50]  }
0x374: {  	v21 =	vsub.f32 v60, v59;
	v22 =	vld [tilespmem:s19+$0x5E50]  }
0x375: {  	v23 =	vld [tilespmem:s14+$0xDE60];
	v8 =	vsub.f32 v62, v59  }
0x376: {  	v24 =	vmul.f32 v21, v4;
	v25 =	vld [tilespmem:s19+$0x9E50]  }
0x377: {  	v26 =	vld [tilespmem:s14+$0x5E60];
	[tilespmem:s17+$0xC50] =	vst v8;
	v7 =	vsub.f32 v60, v63  }
0x378: {  	[tilespmem:s8+$0x50] =	vst v24;
	v27 =	vsub.f32 v20, v6  }
0x379: {  	v28 =	vld [tilespmem:s14+$0x9E60];
	[tilespmem:s24+$0x50] =	vst v7;
	v6 =	vsub.f32 v22, v6  }
0x37a: {  	v7 =	vld [tilespmem:s16+$0x1E60];
	v8 =	vmul.f32 v27, v5  }
0x37b: {  	v29 =	vsub.f32 v23, v57;
	v30 =	vld [tilespmem:s16+$0xDE60];
	v31 =	vsub.f32 v20, v25;
	[tilespmem:s21+$0xC50] =	vst v6  }
0x37c: {  	v9 =	vsub.f32 v26, v57;
	v32 =	vld [tilespmem:s16+$0x5E60];
	[tilespmem:s25+$0x50] =	vst v8  }
0x37d: {  	v33 =	vmul.f32 v29, v3;
	v34 =	vld [tilespmem:s16+$0x9E60];
	[tilespmem:s26+$0x50] =	vst v31  }
0x37e: {  	v35 =	vsub.f32 v23, v28;
	[tilespmem:s15+$0xC60] =	vst v9;
	v36 =	vld [tilespmem:s19+$0x1E60]  }
0x37f: {  	[tilespmem:s22+$0x60] =	vst v33;
	v37 =	vld [tilespmem:s19+$0xDE60]  }
0x380: {  	[tilespmem:s23+$0x60] =	vst v35;
	v38 =	vsub.f32 v30, v7;
	v39 =	vld [tilespmem:s19+$0x5E60]  }
0x381: {  	v40 =	vld [tilespmem:s14+$0x1E70];
	v7 =	vsub.f32 v32, v7  }
0x382: {  	v6 =	vmul.f32 v38, v4;
	v41 =	vld [tilespmem:s19+$0x9E60]  }
0x383: {  	v42 =	vld [tilespmem:s14+$0xDE70];
	v43 =	vsub.f32 v30, v34;
	[tilespmem:s17+$0xC60] =	vst v7  }
0x384: {  	v44 =	vld [tilespmem:s14+$0x5E70];
	[tilespmem:s8+$0x60] =	vst v6;
	v45 =	vsub.f32 v37, v36  }
0x385: {  	v46 =	vld [tilespmem:s14+$0x9E70];
	[tilespmem:s24+$0x60] =	vst v43;
	v47 =	vsub.f32 v39, v36  }
0x386: {  	v48 =	vld [tilespmem:s16+$0x1E70];
	v6 =	vmul.f32 v45, v5  }
0x387: {  	v49 =	vld [tilespmem:s16+$0xDE70];
	v50 =	vsub.f32 v37, v41;
	[tilespmem:s21+$0xC60] =	vst v47  }
0x388: {  	v51 =	vld [tilespmem:s16+$0x5E70];
	[tilespmem:s25+$0x60] =	vst v6  }
0x389: {  	v52 =	vld [tilespmem:s16+$0x9E70];
	[tilespmem:s26+$0x60] =	vst v50  }
0x38a: {  	v53 =	vsub.f32 v42, v40;
	v54 =	vld [tilespmem:s19+$0x1E70]  }
0x38b: {  	v11 =	vsub.f32 v44, v40;
	v55 =	vld [tilespmem:s19+$0xDE70]  }
0x38c: {  	v3 =	vmul.f32 v53, v3;
	v56 =	vld [tilespmem:s19+$0x5E70]  }
0x38d: {  	v57 =	vsub.f32 v42, v46;
	[tilespmem:s15+$0xC70] =	vst v11;
	v58 =	vsub.f32 v49, v48  }
0x38e: {  	[tilespmem:s22+$0x70] =	vst v3;
	v3 =	vsub.f32 v51, v48;
	v59 =	vld [tilespmem:s19+$0x9E70]  }
0x38f: {  	[tilespmem:s23+$0x70] =	vst v57;
	v60 =	vmul.f32 v58, v4  }
0x390: {  	[tilespmem:s17+$0xC70] =	vst v3;
	v3 =	vsub.f32 v49, v52;
	v61 =	vsub.f32 v55, v54  }
0x391: {  	[tilespmem:s8+$0x70] =	vst v60;
	v62 =	vsub.f32 v56, v54  }
0x392: {  	[tilespmem:s24+$0x70] =	vst v3;
	v3 =	vmul.f32 v61, v5  }
0x393: {  	s13 =	sadd.s32 $0x1, s13;
	v63 =	vsub.f32 v55, v59;
	[tilespmem:s21+$0xC70] =	vst v62  }
0x394: {  	p0 =	sne.s32 s13, s11;
	[tilespmem:s25+$0x70] =	vst v3  }
.Ltmp1:
0x395: {  	s28 =	simm.s32 $0x11200;
	[tilespmem:s26+$0x70] =	vst v63;
	(pc) =	sbr.rel @p0 .LBB2_1-.Ltmp1, $4  }
0x396: {  	[hbm4b:s10+s2] =	stream.linear.scatter [tilespmem:s28], [sflag:$0x5], $0xC000, $0x38;
	[tilespmem:$0x1D200] =	vst v63  }
0x397: {  	_ =	swait.ge [sflag:s12], $0xC000  }
0x398: {  	[sflag:s12] =	ssyncset.done $0x0  }
0x399: {  	[sflag:s12] =	ssyncadd.s32 $0xFFFF4000  }
0x39a: {  	_ =	sfence.sel $0x180000  }
0x39b: {  	[bflag:$0x0] =	sbarrier.arrive $0xFFFF  }
0x39c: {  	_ =	strace $0x90000047  }
0x39d: {  	s0 =	stileid.u32;
	[bflag:$0x2] =	sbarrier.arrive $0xFFFF  }
0x39e: {  	p0 =	sne.s32 s0, $0x0;
	s0 =	rddreg [dreg:$0x2]  }
0x39f: {  	s0 =	sadd.s32 @!p0 $0x100000, s0  }
0x3a0: {  	[sflag:s0] =	ssyncadd.tile.s32 @!p0 $0x1;
	_ =	shalt  }
.Lfunc_end2:
_tile_overlayer_lowered:
.L_overlay_start_2:
0x3a1: {  	(tag) =	ssettag $0x2  }
0x3a2: {  	s0 =	rddreg [dreg:$0x0];
	s2 =	stileid.u32  }
0x3a3: {  	s1 =	rddreg [dreg:$0x1];
	p0 =	sne.s32 s2, $0x0  }
0x3a4: {  	s3 =	rddreg [dreg:$0x2];
	[bflag:$0x3] =	sbarrier.arrive $0xFFFF;
	s2 =	simm.s32 @!p0 $0x1C05  }
0x3a5: {  	[timem:s3], [sflag:s2] =	dma.local @!p0 [hbm:s0], s1  }
0x3a6: {  	s0 =	simm.s32 @!p0 $0x5  }
0x3a7: {  	_ =	swait.ge @!p0 [sflag:s0], s1  }
0x3a8: {  	s1 =	ssub.s32 @!p0 $0x0, s1;
	[sflag:s0] =	ssyncset.done @!p0 $0x0  }
0x3a9: {  	[sflag:s0] =	ssyncadd.s32 @!p0 s1  }
0x3aa: {  	[bflag:$0x3] =	sbarrier.arrive $0xFFFF  }
0x3ab: {  	_ =	shalt  }

</sc_bundles>
